<compile_context>
chip_gen: v7x
topology: tpu7x:2x2x1
jax: 0.10.2.dev20260603
libtpu: 0.0.44.dev20260713+nightly
codegen_flags: <defaults>
</compile_context>

<pallas_src>
import functools

import jax
import jax.numpy as jnp
from jax import lax
from jax.experimental import pallas as pl
from jax.experimental.pallas import tpu as pltpu
from jax.experimental.pallas import tpu_sc as plsc

NC = 2
NS = 16
NW = NC * NS
CH = 128
LANES = 16


def _round_up(a, b):
  return (a + b - 1) // b * b




def _sc_deg(n_chunks, n_pad, dst3):
  rows_per_tile = n_pad // NS
  mesh = plsc.VectorSubcoreMesh(core_axis_name="c", subcore_axis_name="s")

  @functools.partial(
      pl.kernel,
      out_type=jax.ShapeDtypeStruct((NC, n_pad), jnp.float32),
      mesh=mesh,
      scratch_types=[
          pltpu.VMEM((n_chunks, CH), jnp.int32),
          pltpu.VMEM((CH,), jnp.float32),
          pltpu.VMEM((CH,), jnp.float32),
          pltpu.VMEM_SHARED((n_pad,), jnp.float32),
      ],
  )
  def k(dst_hbm, out_hbm, dv_all, ones_v, zbuf, deg_sh):
    c = lax.axis_index("c")
    s = lax.axis_index("s")
    wid = c * NS + s
    pltpu.sync_copy(dst_hbm.at[wid], dv_all)
    one16 = jnp.full((LANES,), 1.0, jnp.float32)
    z16 = jnp.zeros((LANES,), jnp.float32)
    for i in range(CH // LANES):
      ones_v[pl.ds(i * LANES, LANES)] = one16
      zbuf[pl.ds(i * LANES, LANES)] = z16
    tile_base = s * rows_per_tile
    for i in range(rows_per_tile // CH):
      pltpu.sync_copy(zbuf, deg_sh.at[pl.ds(tile_base + i * CH, CH)])
    plsc.subcore_barrier()

    def chunk(j, _):
      pltpu.sync_copy(ones_v, deg_sh.at[dv_all.at[j]], add=True)
      return 0

    lax.fori_loop(0, n_chunks, chunk, 0)
    plsc.subcore_barrier()
    for i in range(rows_per_tile // CH):
      r0 = tile_base + i * CH
      pltpu.sync_copy(deg_sh.at[pl.ds(r0, CH)], zbuf)
      pltpu.sync_copy(zbuf, out_hbm.at[c, pl.ds(r0, CH)])

  return k(dst3)


def _sc_aggregate(e_pad, n_pad, h, k0, idx_pairs, table):
  total_chunks = e_pad // CH
  k1 = total_chunks // NS - k0
  rows_per_tile = n_pad // NS
  mesh = plsc.VectorSubcoreMesh(core_axis_name="c", subcore_axis_name="s")

  @functools.partial(
      pl.kernel,
      out_type=jax.ShapeDtypeStruct((NC, n_pad, h), jnp.float32),
      mesh=mesh,
      scratch_types=[
          pltpu.VMEM((2, CH), jnp.int32),
          pltpu.VMEM((CH, h), jnp.float32),
          pltpu.VMEM_SHARED((n_pad, h), jnp.float32),
          pltpu.SemaphoreType.DMA,
      ],
  )
  def k(idx_hbm, table_hbm, out_hbm, iv, buf, acc_sh, gsem):
    c = lax.axis_index("c")
    s = lax.axis_index("s")
    wid = c * NS + s
    z16 = jnp.zeros((LANES,), jnp.float32)

    def zrow(r, _):
      for cc in range(h // LANES):
        buf[r, pl.ds(cc * LANES, LANES)] = z16
      return 0

    lax.fori_loop(0, CH, zrow, 0)
    tile_base = s * rows_per_tile
    for i in range(rows_per_tile // CH):
      pltpu.sync_copy(buf, acc_sh.at[pl.ds(tile_base + i * CH, CH)])
    plsc.subcore_barrier()

    my_chunks = jnp.where(c == 0, k0, k1)
    base_chunk = jnp.where(c == 0, s * k0, NS * k0 + s * k1)

    def chunk(j, _):
      pltpu.sync_copy(idx_hbm.at[base_chunk + j], iv)
      pltpu.async_copy(table_hbm.at[iv.at[0]], buf, gsem).wait()
      pltpu.sync_copy(buf, acc_sh.at[iv.at[1]], add=True)
      return 0

    lax.fori_loop(0, my_chunks, chunk, 0)
    plsc.subcore_barrier()
    for i in range(rows_per_tile // CH):
      r0 = tile_base + i * CH
      pltpu.sync_copy(acc_sh.at[pl.ds(r0, CH)], buf)
      pltpu.sync_copy(buf, out_hbm.at[c, pl.ds(r0, CH)])

  return k(idx_pairs, table)


def _sc_pairgather(e_pad, h, k0, idx_pairs, p_tab, q_tab):
  total_chunks = e_pad // CH
  k1 = total_chunks // NS - k0
  mesh = plsc.VectorSubcoreMesh(core_axis_name="c", subcore_axis_name="s")

  @functools.partial(
      pl.kernel,
      out_type=jax.ShapeDtypeStruct((e_pad, h), jnp.float32),
      mesh=mesh,
      scratch_types=[
          pltpu.VMEM((2, CH), jnp.int32),
          pltpu.VMEM((CH, h), jnp.float32),
          pltpu.VMEM((CH, h), jnp.float32),
          pltpu.SemaphoreType.DMA,
          pltpu.SemaphoreType.DMA,
      ],
  )
  def k(idx_hbm, p_hbm, q_hbm, out_hbm, iv, bp, bq, sp, sq):
    c = lax.axis_index("c")
    s = lax.axis_index("s")
    my_chunks = jnp.where(c == 0, k0, k1)
    base_chunk = jnp.where(c == 0, s * k0, NS * k0 + s * k1)

    def chunk(j, _):
      off = (base_chunk + j) * CH
      pltpu.sync_copy(idx_hbm.at[base_chunk + j], iv)
      cp = pltpu.async_copy(p_hbm.at[iv.at[0]], bp, sp)
      cq = pltpu.async_copy(q_hbm.at[iv.at[1]], bq, sq)
      cp.wait()
      cq.wait()

      def addrow(r, _):
        for cc in range(h // LANES):
          sl = pl.ds(cc * LANES, LANES)
          bp[r, sl] = bp[r, sl] + bq[r, sl]
        return 0

      lax.fori_loop(0, CH, addrow, 0)
      pltpu.sync_copy(bp, out_hbm.at[pl.ds(off, CH)])
      return 0

    lax.fori_loop(0, my_chunks, chunk, 0)

  return k(idx_pairs, p_tab, q_tab)




def _tc_matmul1(x, n_pad, w1, bn):
  d = x.shape[1]
  h = w1.shape[1]

  def body(x_ref, w_ref, g_ref):
    g_ref[...] = jnp.dot(x_ref[...], w_ref[...],
                         preferred_element_type=jnp.float32)

  return pl.pallas_call(
      body,
      grid=(n_pad // bn,),
      in_specs=[
          pl.BlockSpec((bn, d), lambda i: (i, 0)),
          pl.BlockSpec((d, h), lambda i: (0, 0)),
      ],
      out_specs=pl.BlockSpec((bn, h), lambda i: (i, 0)),
      out_shape=jax.ShapeDtypeStruct((n_pad, h), jnp.float32),
  )(x, w1)


def _tc_scale1(h1, deg_t, bn):
  n_pad, h = h1.shape

  def body(h_ref, deg_ref, g_ref, dinv_ref):
    deg = deg_ref[:, 0:1] + deg_ref[:, 1:2] + 1.0
    dinv = lax.rsqrt(deg)
    dinv_ref[...] = dinv
    g_ref[...] = h_ref[...] * dinv

  return pl.pallas_call(
      body,
      grid=(n_pad // bn,),
      in_specs=[
          pl.BlockSpec((bn, h), lambda i: (i, 0)),
          pl.BlockSpec((bn, 2), lambda i: (i, 0)),
      ],
      out_specs=[
          pl.BlockSpec((bn, h), lambda i: (i, 0)),
          pl.BlockSpec((bn, 1), lambda i: (i, 0)),
      ],
      out_shape=[
          jax.ShapeDtypeStruct((n_pad, h), jnp.float32),
          jax.ShapeDtypeStruct((n_pad, 1), jnp.float32),
      ],
  )(h1, deg_t)


def _tc_layer2(g1, agg1, dinv, b1, w2, bn):
  n_pad, h = g1.shape
  d2 = w2.shape[1]

  def body(g_ref, agg_ref, dinv_ref, b_ref, w_ref, out_ref):
    dinv = dinv_ref[...]
    pre = (agg_ref[0] + agg_ref[1] + g_ref[...]) * dinv + b_ref[...]
    h1 = jnp.maximum(pre, 0.0)
    out_ref[...] = jnp.dot(h1, w_ref[...],
                           preferred_element_type=jnp.float32) * dinv

  return pl.pallas_call(
      body,
      grid=(n_pad // bn,),
      in_specs=[
          pl.BlockSpec((bn, h), lambda i: (i, 0)),
          pl.BlockSpec((NC, bn, h), lambda i: (0, i, 0)),
          pl.BlockSpec((bn, 1), lambda i: (i, 0)),
          pl.BlockSpec((1, h), lambda i: (0, 0)),
          pl.BlockSpec((h, d2), lambda i: (0, 0)),
      ],
      out_specs=pl.BlockSpec((bn, d2), lambda i: (i, 0)),
      out_shape=jax.ShapeDtypeStruct((n_pad, d2), jnp.float32),
  )(g1, agg1, dinv, b1, w2)


def _tc_node_mlp(n, g2, agg2, dinv, b2, wo1, bo1, wo2, bo2, we1a, we1b, be1,
                 bn):
  n_pad, d = g2.shape
  h = wo1.shape[1]

  def body(g_ref, agg_ref, dinv_ref, b2_ref, wo1_ref, bo1_ref, wo2_ref,
           bo2_ref, wa_ref, wb_ref, be1_ref, h_ref, p_ref, q_ref):
    dinv = dinv_ref[...]
    pre = (agg_ref[0] + agg_ref[1] + g_ref[...]) * dinv + b2_ref[...]
    h2 = jnp.maximum(pre, 0.0)
    t = jnp.maximum(
        jnp.dot(h2, wo1_ref[...], preferred_element_type=jnp.float32)
        + bo1_ref[...], 0.0)
    hout = jnp.dot(t, wo2_ref[...],
                   preferred_element_type=jnp.float32) + bo2_ref[...]
    h_ref[...] = hout
    p_ref[...] = jnp.dot(hout, wa_ref[...],
                         preferred_element_type=jnp.float32) + be1_ref[...]
    q_ref[...] = jnp.dot(hout, wb_ref[...],
                         preferred_element_type=jnp.float32)

  return pl.pallas_call(
      body,
      grid=(n_pad // bn,),
      in_specs=[
          pl.BlockSpec((bn, d), lambda i: (i, 0)),
          pl.BlockSpec((NC, bn, d), lambda i: (0, i, 0)),
          pl.BlockSpec((bn, 1), lambda i: (i, 0)),
          pl.BlockSpec((1, d), lambda i: (0, 0)),
          pl.BlockSpec((d, h), lambda i: (0, 0)),
          pl.BlockSpec((1, h), lambda i: (0, 0)),
          pl.BlockSpec((h, d), lambda i: (0, 0)),
          pl.BlockSpec((1, d), lambda i: (0, 0)),
          pl.BlockSpec((d, h), lambda i: (0, 0)),
          pl.BlockSpec((d, h), lambda i: (0, 0)),
          pl.BlockSpec((1, h), lambda i: (0, 0)),
      ],
      out_specs=[
          pl.BlockSpec((bn, d), lambda i: (i, 0)),
          pl.BlockSpec((bn, h), lambda i: (i, 0)),
          pl.BlockSpec((bn, h), lambda i: (i, 0)),
      ],
      out_shape=[
          jax.ShapeDtypeStruct((n, d), jnp.float32),
          jax.ShapeDtypeStruct((n_pad, h), jnp.float32),
          jax.ShapeDtypeStruct((n_pad, h), jnp.float32),
      ],
  )(g2, agg2, dinv, b2, wo1, bo1, wo2, bo2, we1a, we1b, be1)


def _tc_edge_mlp(s_arr, edge_attr, we1c, we2, be2, be):
  e_num, de = edge_attr.shape
  h = s_arr.shape[1]

  def body(s_ref, ea_ref, wc_ref, w2_ref, b2_ref, e_ref):
    t = jnp.maximum(
        s_ref[...] + jnp.dot(ea_ref[...], wc_ref[...],
                             preferred_element_type=jnp.float32), 0.0)
    e_ref[...] = jnp.dot(t, w2_ref[...],
                         preferred_element_type=jnp.float32) + b2_ref[...]

  return pl.pallas_call(
      body,
      grid=(e_num // be,),
      in_specs=[
          pl.BlockSpec((be, h), lambda i: (i, 0)),
          pl.BlockSpec((be, de), lambda i: (i, 0)),
          pl.BlockSpec((de, h), lambda i: (0, 0)),
          pl.BlockSpec((h, de), lambda i: (0, 0)),
          pl.BlockSpec((1, de), lambda i: (0, 0)),
      ],
      out_specs=pl.BlockSpec((be, de), lambda i: (i, 0)),
      out_shape=jax.ShapeDtypeStruct((e_num, de), jnp.float32),
  )(s_arr, edge_attr, we1c, we2, be2)




def kernel(x, edge_index, edge_attr, W1, b1, W2, b2, Wo1, bo1, Wo2, bo2,
           We1, be1, We2, be2):
  n, d = x.shape
  h = W1.shape[1]
  e_num = edge_index.shape[1]

  e_pad = _round_up(e_num, NW * CH)
  n_pad = _round_up(n + 1, NS * CH)

  src = edge_index[0]
  dst = edge_index[1]
  pad_idx = jnp.full((e_pad - e_num,), n, jnp.int32)
  src_pad = jnp.concatenate([src, pad_idx])
  dst_pad = jnp.concatenate([dst, pad_idx])
  total_chunks = e_pad // CH
  idx_pairs = jnp.stack(
      [src_pad.reshape(total_chunks, CH), dst_pad.reshape(total_chunks, CH)],
      axis=1)

  bn = 1024
  assert n_pad % bn == 0

  degp = _sc_deg(e_pad // (NW * CH), n_pad, dst_pad.reshape(NW, e_pad // (NW * CH), CH))
  deg_t = degp.T

  h1 = _tc_matmul1(x, n_pad, W1, bn)
  g1, dinv = _tc_scale1(h1, deg_t, bn)
  total_per_sub = e_pad // CH // NS
  k0 = (total_per_sub * 13) // 20
  agg1 = _sc_aggregate(e_pad, n_pad, h, k0, idx_pairs, g1)
  g2 = _tc_layer2(g1, agg1, dinv, b1.reshape(1, -1), W2, bn)
  agg2 = _sc_aggregate(e_pad, n_pad, d, k0, idx_pairs, g2)
  hout, p_tab, q_tab = _tc_node_mlp(
      n, g2, agg2, dinv, b2.reshape(1, -1), Wo1, bo1.reshape(1, -1), Wo2,
      bo2.reshape(1, -1), We1[:d], We1[d:2 * d], be1.reshape(1, -1), bn)

  s_arr = _sc_pairgather(e_pad, h, k0, idx_pairs, p_tab, q_tab)
  e_out = _tc_edge_mlp(s_arr, edge_attr, We1[2 * d:], We2,
                       be2.reshape(1, -1), 2000)

  return hout, e_out

# --- scband reference (transcript-rebuilt; emitter-appended) ---
"""Pipeline reference for scband-gnnencoder-90890097918029 (READ-ONLY COPY).

The authoritative reference and input builder live on the scoring server;
editing this copy changes nothing except your own understanding.
"""

import jax, jax.numpy as jnp
import numpy as np

N = 10000
E = 320000
D = 128
H = 128
DE = 16


def setup_inputs(seed: int = 0) -> dict:
    key = jax.random.key(seed)
    ks = jax.random.split(key, 16)
    s = 0.05
    inp = {}
    inp["x"] = jax.random.normal(ks[0], (N, D), dtype=jnp.float32)
    inp["edge_index"] = jax.random.randint(ks[1], (2, E), 0, N, dtype=jnp.int32)
    inp["edge_attr"] = jax.random.normal(ks[2], (E, DE), dtype=jnp.float32)
    # GCNConv 1: D -> H
    inp["W1"] = jax.random.normal(ks[3], (D, H), dtype=jnp.float32) * s
    inp["b1"] = jnp.zeros((H,), dtype=jnp.float32)
    # GCNConv 2: H -> D
    inp["W2"] = jax.random.normal(ks[4], (H, D), dtype=jnp.float32) * s
    inp["b2"] = jnp.zeros((D,), dtype=jnp.float32)
    # output_layer: Linear(D,H) -> ReLU -> Linear(H,D)
    inp["Wo1"] = jax.random.normal(ks[5], (D, H), dtype=jnp.float32) * s
    inp["bo1"] = jnp.zeros((H,), dtype=jnp.float32)
    inp["Wo2"] = jax.random.normal(ks[6], (H, D), dtype=jnp.float32) * s
    inp["bo2"] = jnp.zeros((D,), dtype=jnp.float32)
    # edge_predictor: Linear(2D+DE, H) -> ReLU -> Linear(H, DE)
    inp["We1"] = jax.random.normal(ks[7], (2 * D + DE, H), dtype=jnp.float32) * s
    inp["be1"] = jnp.zeros((H,), dtype=jnp.float32)
    inp["We2"] = jax.random.normal(ks[8], (H, DE), dtype=jnp.float32) * s
    inp["be2"] = jnp.zeros((DE,), dtype=jnp.float32)
    return inp


def gcn_conv(x, src, dst, W, b):
    n = x.shape[0]
    loop = jnp.arange(n, dtype=src.dtype)
    s = jnp.concatenate([src, loop])
    d = jnp.concatenate([dst, loop])
    deg = jax.ops.segment_sum(jnp.ones_like(d, dtype=x.dtype), d, num_segments=n)
    dinv = jnp.where(deg > 0, jax.lax.rsqrt(jnp.maximum(deg, 1e-12)), 0.0)
    norm = dinv[s] * dinv[d]
    h = x @ W
    out = jax.ops.segment_sum(h[s] * norm[:, None], d, num_segments=n)
    return out + b


def reference(x, edge_index, edge_attr, W1, b1, W2, b2, Wo1, bo1, Wo2, bo2, We1, be1, We2, be2):
    src, dst = edge_index[0], edge_index[1]
    h = jax.nn.relu(gcn_conv(x, src, dst, W1, b1))
    h = jax.nn.relu(gcn_conv(h, src, dst, W2, b2))
    h = jax.nn.relu(h @ Wo1 + bo1) @ Wo2 + bo2
    edge_input = jnp.concatenate([h[src], h[dst], edge_attr], axis=1)
    e = jax.nn.relu(edge_input @ We1 + be1) @ We2 + be2
    return (h, e)

if __name__ == "__main__":
    import jax
    _d = setup_inputs()
    print(jax.jit(kernel)(*tuple(_d.values())))

</pallas_src>

<mosaic_0001>
#map = affine_map<(d0, d1) -> (0, 0, 0)>
#map1 = affine_map<(d0, d1) -> (0, 0)>
module attributes {stable_mosaic.version = 14 : i64} {
  func.func @k(%arg0: i32, %arg1: i32, %arg2: memref<2528x2x128xi32, #tpu.memory_space<hbm>>, %arg3: memref<10240x128xf32, #tpu.memory_space<hbm>>, %arg4: memref<10240x128xf32, #tpu.memory_space<hbm>>, %arg5: memref<323584x128xf32, #tpu.memory_space<hbm>>, %arg6: memref<2x128xi32, #tpu.memory_space<vmem>>, %arg7: memref<128x128xf32, #tpu.memory_space<vmem>>, %arg8: memref<128x128xf32, #tpu.memory_space<vmem>>, %arg9: memref<!tpu.dma_semaphore, #tpu.memory_space<semaphore_mem>>, %arg10: memref<!tpu.dma_semaphore, #tpu.memory_space<semaphore_mem>>) attributes {dimension_semantics = [#tpu.dimension_semantics<core_parallel>, #tpu.dimension_semantics<subcore_parallel>], iteration_bounds = array<i64: 2, 16>, scalar_prefetch = 0 : i64, scratch_operands = 5 : i64, tpu.core_type = #tpu.core_type<sc_vector_subcore>, window_params = [{transform_indices = #map}, {transform_indices = #map1}, {transform_indices = #map1}, {transform_indices = #map1}]} {
    %eq3A = arith.constant 0 : i32
    %eq3A_0 = arith.cmpi eq, %arg0, %eq3A : i32
    %jit3A = arith.constant 102 : i32
    %jit3A_1 = arith.constant 56 : i32
    %select_n3A = arith.select %eq3A_0, %jit3A, %jit3A_1 : i32
    %eq3A_2 = arith.constant 0 : i32
    %eq3A_3 = arith.cmpi eq, %arg0, %eq3A_2 : i32
    %mul3A = arith.constant 102 : i32
    %mul3A_4 = arith.muli %arg1, %mul3A : i32
    %mul3A_5 = arith.constant 56 : i32
    %mul3A_6 = arith.muli %arg1, %mul3A_5 : i32
    %add3A = arith.constant 1632 : i32
    %add3A_7 = arith.addi %add3A, %mul3A_6 : i32
    %select_n3A_8 = arith.select %eq3A_3, %mul3A_4, %add3A_7 : i32
    %while3A = arith.constant 0 : i32
    %while3A_9 = arith.constant 0 : i32
    %while3A_10 = arith.subi %select_n3A, %while3A : i32
    %while3A_11 = arith.addi %while3A, %while3A_10 : i32
    %while3A_12 = arith.constant 1 : i32
    %while3A_13 = arith.divsi %while3A_10, %while3A_12 : i32
    %while3A_14 = arith.muli %while3A_13, %while3A_12 : i32
    %while3A_15 = arith.addi %while3A, %while3A_14 : i32
    %while3A_16 = arith.constant 1 : i32
    %while3A_17 = scf.for %while3A_20 = %while3A to %while3A_15 step %while3A_16 iter_args(%while3A_21 = %while3A_9) -> (i32)  : i32 {
      %add3A_22 = arith.addi %select_n3A_8, %while3A_20 : i32
      %mul3A_23 = arith.constant 128 : i32
      %mul3A_24 = arith.muli %add3A_22, %mul3A_23 : i32
      %add3A_25 = arith.addi %select_n3A_8, %while3A_20 : i32
      "tpu.region"() ({
        %run_scoped3A = tpu.sem_alloc : memref<!tpu.dma_semaphore, #tpu.memory_space<semaphore_mem>>
        %dma_start3A_59 = arith.constant 0 : i32
        %dma_start3A_60 = arith.constant 0 : i32
        %dma_start3A_61 = tpu.memref_slice %arg2[%add3A_25, %dma_start3A_59, %dma_start3A_60] : memref<2528x2x128xi32, #tpu.memory_space<hbm>> -> memref<1x2x128xi32, #tpu.memory_space<hbm>>
        %dma_start3A_62 = tpu.memref_squeeze %dma_start3A_61 : memref<1x2x128xi32, #tpu.memory_space<hbm>> -> memref<2x128xi32, #tpu.memory_space<hbm>>
        %dma_start3A_63 = arith.constant 0 : i32
        %dma_start3A_64 = arith.constant 0 : i32
        %dma_start3A_65 = tpu.memref_slice %arg2[%add3A_25, %dma_start3A_63, %dma_start3A_64] : memref<2528x2x128xi32, #tpu.memory_space<hbm>> -> memref<1x2x128xi32, #tpu.memory_space<hbm>>
        %dma_start3A_66 = tpu.memref_squeeze %dma_start3A_65 : memref<1x2x128xi32, #tpu.memory_space<hbm>> -> memref<2x128xi32, #tpu.memory_space<hbm>>
        tpu.enqueue_dma source(%dma_start3A_66 : memref<2x128xi32, #tpu.memory_space<hbm>>) target(%arg6 : memref<2x128xi32, #tpu.memory_space<vmem>>) target_semaphore(%run_scoped3A : memref<!tpu.dma_semaphore, #tpu.memory_space<semaphore_mem>>)
        %dma_wait3A_67 = arith.constant 0 : i32
        %dma_wait3A_68 = arith.constant 0 : i32
        %dma_wait3A_69 = tpu.memref_slice %arg2[%add3A_25, %dma_wait3A_67, %dma_wait3A_68] : memref<2528x2x128xi32, #tpu.memory_space<hbm>> -> memref<1x2x128xi32, #tpu.memory_space<hbm>>
        %dma_wait3A_70 = tpu.memref_squeeze %dma_wait3A_69 : memref<1x2x128xi32, #tpu.memory_space<hbm>> -> memref<2x128xi32, #tpu.memory_space<hbm>>
        %dma_wait3A_71 = arith.constant 0 : i32
        %dma_wait3A_72 = arith.constant 0 : i32
        %dma_wait3A_73 = tpu.memref_slice %arg2[%add3A_25, %dma_wait3A_71, %dma_wait3A_72] : memref<2528x2x128xi32, #tpu.memory_space<hbm>> -> memref<1x2x128xi32, #tpu.memory_space<hbm>>
        %dma_wait3A_74 = tpu.memref_squeeze %dma_wait3A_73 : memref<1x2x128xi32, #tpu.memory_space<hbm>> -> memref<2x128xi32, #tpu.memory_space<hbm>>
        tpu.wait_dma2 semaphore(%run_scoped3A : memref<!tpu.dma_semaphore, #tpu.memory_space<semaphore_mem>>) src(%dma_wait3A_74 : memref<2x128xi32, #tpu.memory_space<hbm>>) dst(%arg6 : memref<2x128xi32, #tpu.memory_space<vmem>>)
        tpu.yield
      }) : () -> ()
      %dma_start3A = arith.constant 0 : i32
      %dma_start3A_26 = arith.constant 0 : i32
      %dma_start3A_27 = tpu.memref_slice %arg6[%dma_start3A, %dma_start3A_26] : memref<2x128xi32, #tpu.memory_space<vmem>> -> memref<1x128xi32, #tpu.memory_space<vmem>>
      %dma_start3A_28 = tpu.memref_squeeze %dma_start3A_27 : memref<1x128xi32, #tpu.memory_space<vmem>> -> memref<128xi32, #tpu.memory_space<vmem>>
      %dma_start3A_29 = arith.constant 0 : i32
      %dma_start3A_30 = arith.constant 0 : i32
      %dma_start3A_31 = tpu.memref_slice %arg3[%dma_start3A_29, %dma_start3A_30] : memref<10240x128xf32, #tpu.memory_space<hbm>> -> memref<10240x128xf32, #tpu.memory_space<hbm>>
      tpu.enqueue_indirect_dma source(%dma_start3A_31 : memref<10240x128xf32, #tpu.memory_space<hbm>>) target(%arg7 : memref<128x128xf32, #tpu.memory_space<vmem>>) offsets(%dma_start3A_28 : memref<128xi32, #tpu.memory_space<vmem>>) semaphore(%arg9 : memref<!tpu.dma_semaphore, #tpu.memory_space<semaphore_mem>>)
      %dma_start3A_32 = arith.constant 1 : i32
      %dma_start3A_33 = arith.constant 0 : i32
      %dma_start3A_34 = tpu.memref_slice %arg6[%dma_start3A_32, %dma_start3A_33] : memref<2x128xi32, #tpu.memory_space<vmem>> -> memref<1x128xi32, #tpu.memory_space<vmem>>
      %dma_start3A_35 = tpu.memref_squeeze %dma_start3A_34 : memref<1x128xi32, #tpu.memory_space<vmem>> -> memref<128xi32, #tpu.memory_space<vmem>>
      %dma_start3A_36 = arith.constant 0 : i32
      %dma_start3A_37 = arith.constant 0 : i32
      %dma_start3A_38 = tpu.memref_slice %arg4[%dma_start3A_36, %dma_start3A_37] : memref<10240x128xf32, #tpu.memory_space<hbm>> -> memref<10240x128xf32, #tpu.memory_space<hbm>>
      tpu.enqueue_indirect_dma source(%dma_start3A_38 : memref<10240x128xf32, #tpu.memory_space<hbm>>) target(%arg8 : memref<128x128xf32, #tpu.memory_space<vmem>>) offsets(%dma_start3A_35 : memref<128xi32, #tpu.memory_space<vmem>>) semaphore(%arg10 : memref<!tpu.dma_semaphore, #tpu.memory_space<semaphore_mem>>)
      %dma_wait3A = arith.constant 0 : i32
      %dma_wait3A_39 = arith.constant 0 : i32
      %dma_wait3A_40 = tpu.memref_slice %arg6[%dma_wait3A, %dma_wait3A_39] : memref<2x128xi32, #tpu.memory_space<vmem>> -> memref<1x128xi32, #tpu.memory_space<vmem>>
      %dma_wait3A_41 = tpu.memref_squeeze %dma_wait3A_40 : memref<1x128xi32, #tpu.memory_space<vmem>> -> memref<128xi32, #tpu.memory_space<vmem>>
      %dma_wait3A_42 = arith.constant 0 : i32
      %dma_wait3A_43 = arith.constant 0 : i32
      %dma_wait3A_44 = tpu.memref_slice %arg3[%dma_wait3A_42, %dma_wait3A_43] : memref<10240x128xf32, #tpu.memory_space<hbm>> -> memref<10240x128xf32, #tpu.memory_space<hbm>>
      tpu.wait_indirect_dma semaphore(%arg9 : memref<!tpu.dma_semaphore, #tpu.memory_space<semaphore_mem>>) src(%dma_wait3A_44 : memref<10240x128xf32, #tpu.memory_space<hbm>>) dst(%arg7 : memref<128x128xf32, #tpu.memory_space<vmem>>)
      %dma_wait3A_45 = arith.constant 1 : i32
      %dma_wait3A_46 = arith.constant 0 : i32
      %dma_wait3A_47 = tpu.memref_slice %arg6[%dma_wait3A_45, %dma_wait3A_46] : memref<2x128xi32, #tpu.memory_space<vmem>> -> memref<1x128xi32, #tpu.memory_space<vmem>>
      %dma_wait3A_48 = tpu.memref_squeeze %dma_wait3A_47 : memref<1x128xi32, #tpu.memory_space<vmem>> -> memref<128xi32, #tpu.memory_space<vmem>>
      %dma_wait3A_49 = arith.constant 0 : i32
      %dma_wait3A_50 = arith.constant 0 : i32
      %dma_wait3A_51 = tpu.memref_slice %arg4[%dma_wait3A_49, %dma_wait3A_50] : memref<10240x128xf32, #tpu.memory_space<hbm>> -> memref<10240x128xf32, #tpu.memory_space<hbm>>
      tpu.wait_indirect_dma semaphore(%arg10 : memref<!tpu.dma_semaphore, #tpu.memory_space<semaphore_mem>>) src(%dma_wait3A_51 : memref<10240x128xf32, #tpu.memory_space<hbm>>) dst(%arg8 : memref<128x128xf32, #tpu.memory_space<vmem>>)
      %scan3A = arith.constant 0 : i32
      %scan3A_52 = arith.constant 0 : i32
      %scan3A_53 = arith.constant 128 : i32
      %scan3A_54 = arith.addi %scan3A_52, %scan3A_53 : i32
      %scan3A_55 = arith.constant 1 : i32
      %scan3A_56 = scf.for %scan3A_59 = %scan3A_52 to %scan3A_54 step %scan3A_55 iter_args(%scan3A_60 = %scan3A) -> (i32)  : i32 {
        %get3A = arith.index_cast %scan3A_59 : i32 to index
        %get3A_61 = arith.constant 0 : index
        %get3A_62 = tpu.vector_load %arg7[%get3A, %get3A_61] {strides = array<i32>} : memref<128x128xf32, #tpu.memory_space<vmem>>, vector<1x16xf32>,
        %get3A_63 = vector.shape_cast %get3A_62 : vector<1x16xf32> to vector<16xf32>
        %get3A_64 = arith.index_cast %scan3A_59 : i32 to index
        %get3A_65 = arith.constant 0 : index
        %get3A_66 = tpu.vector_load %arg8[%get3A_64, %get3A_65] {strides = array<i32>} : memref<128x128xf32, #tpu.memory_space<vmem>>, vector<1x16xf32>,
        %get3A_67 = vector.shape_cast %get3A_66 : vector<1x16xf32> to vector<16xf32>
        %add3A_68 = arith.addf %get3A_63, %get3A_67 : vector<16xf32>
        %swap3A = arith.index_cast %scan3A_59 : i32 to index
        %swap3A_69 = arith.constant 0 : index
        %swap3A_70 = tpu.vector_load %arg7[%swap3A, %swap3A_69] {strides = array<i32>} : memref<128x128xf32, #tpu.memory_space<vmem>>, vector<1x16xf32>,
        %swap3A_71 = vector.shape_cast %swap3A_70 : vector<1x16xf32> to vector<16xf32>
        %swap3A_72 = vector.shape_cast %add3A_68 : vector<16xf32> to vector<1x16xf32>
        tpu.vector_store %arg7[%swap3A, %swap3A_69], %swap3A_72 {strides = array<i32>} : memref<128x128xf32, #tpu.memory_space<vmem>>, vector<1x16xf32>,
        %get3A_73 = arith.index_cast %scan3A_59 : i32 to index
        %get3A_74 = arith.constant 16 : index
        %get3A_75 = tpu.vector_load %arg7[%get3A_73, %get3A_74] {strides = array<i32>} : memref<128x128xf32, #tpu.memory_space<vmem>>, vector<1x16xf32>,
        %get3A_76 = vector.shape_cast %get3A_75 : vector<1x16xf32> to vector<16xf32>
        %get3A_77 = arith.index_cast %scan3A_59 : i32 to index
        %get3A_78 = arith.constant 16 : index
        %get3A_79 = tpu.vector_load %arg8[%get3A_77, %get3A_78] {strides = array<i32>} : memref<128x128xf32, #tpu.memory_space<vmem>>, vector<1x16xf32>,
        %get3A_80 = vector.shape_cast %get3A_79 : vector<1x16xf32> to vector<16xf32>
        %add3A_81 = arith.addf %get3A_76, %get3A_80 : vector<16xf32>
        %swap3A_82 = arith.index_cast %scan3A_59 : i32 to index
        %swap3A_83 = arith.constant 16 : index
        %swap3A_84 = tpu.vector_load %arg7[%swap3A_82, %swap3A_83] {strides = array<i32>} : memref<128x128xf32, #tpu.memory_space<vmem>>, vector<1x16xf32>,
        %swap3A_85 = vector.shape_cast %swap3A_84 : vector<1x16xf32> to vector<16xf32>
        %swap3A_86 = vector.shape_cast %add3A_81 : vector<16xf32> to vector<1x16xf32>
        tpu.vector_store %arg7[%swap3A_82, %swap3A_83], %swap3A_86 {strides = array<i32>} : memref<128x128xf32, #tpu.memory_space<vmem>>, vector<1x16xf32>,
        %get3A_87 = arith.index_cast %scan3A_59 : i32 to index
        %get3A_88 = arith.constant 32 : index
        %get3A_89 = tpu.vector_load %arg7[%get3A_87, %get3A_88] {strides = array<i32>} : memref<128x128xf32, #tpu.memory_space<vmem>>, vector<1x16xf32>,
        %get3A_90 = vector.shape_cast %get3A_89 : vector<1x16xf32> to vector<16xf32>
        %get3A_91 = arith.index_cast %scan3A_59 : i32 to index
        %get3A_92 = arith.constant 32 : index
        %get3A_93 = tpu.vector_load %arg8[%get3A_91, %get3A_92] {strides = array<i32>} : memref<128x128xf32, #tpu.memory_space<vmem>>, vector<1x16xf32>,
        %get3A_94 = vector.shape_cast %get3A_93 : vector<1x16xf32> to vector<16xf32>
        %add3A_95 = arith.addf %get3A_90, %get3A_94 : vector<16xf32>
        %swap3A_96 = arith.index_cast %scan3A_59 : i32 to index
        %swap3A_97 = arith.constant 32 : index
        %swap3A_98 = tpu.vector_load %arg7[%swap3A_96, %swap3A_97] {strides = array<i32>} : memref<128x128xf32, #tpu.memory_space<vmem>>, vector<1x16xf32>,
        %swap3A_99 = vector.shape_cast %swap3A_98 : vector<1x16xf32> to vector<16xf32>
        %swap3A_100 = vector.shape_cast %add3A_95 : vector<16xf32> to vector<1x16xf32>
        tpu.vector_store %arg7[%swap3A_96, %swap3A_97], %swap3A_100 {strides = array<i32>} : memref<128x128xf32, #tpu.memory_space<vmem>>, vector<1x16xf32>,
        %get3A_101 = arith.index_cast %scan3A_59 : i32 to index
        %get3A_102 = arith.constant 48 : index
        %get3A_103 = tpu.vector_load %arg7[%get3A_101, %get3A_102] {strides = array<i32>} : memref<128x128xf32, #tpu.memory_space<vmem>>, vector<1x16xf32>,
        %get3A_104 = vector.shape_cast %get3A_103 : vector<1x16xf32> to vector<16xf32>
        %get3A_105 = arith.index_cast %scan3A_59 : i32 to index
        %get3A_106 = arith.constant 48 : index
        %get3A_107 = tpu.vector_load %arg8[%get3A_105, %get3A_106] {strides = array<i32>} : memref<128x128xf32, #tpu.memory_space<vmem>>, vector<1x16xf32>,
        %get3A_108 = vector.shape_cast %get3A_107 : vector<1x16xf32> to vector<16xf32>
        %add3A_109 = arith.addf %get3A_104, %get3A_108 : vector<16xf32>
        %swap3A_110 = arith.index_cast %scan3A_59 : i32 to index
        %swap3A_111 = arith.constant 48 : index
        %swap3A_112 = tpu.vector_load %arg7[%swap3A_110, %swap3A_111] {strides = array<i32>} : memref<128x128xf32, #tpu.memory_space<vmem>>, vector<1x16xf32>,
        %swap3A_113 = vector.shape_cast %swap3A_112 : vector<1x16xf32> to vector<16xf32>
        %swap3A_114 = vector.shape_cast %add3A_109 : vector<16xf32> to vector<1x16xf32>
        tpu.vector_store %arg7[%swap3A_110, %swap3A_111], %swap3A_114 {strides = array<i32>} : memref<128x128xf32, #tpu.memory_space<vmem>>, vector<1x16xf32>,
        %get3A_115 = arith.index_cast %scan3A_59 : i32 to index
        %get3A_116 = arith.constant 64 : index
        %get3A_117 = tpu.vector_load %arg7[%get3A_115, %get3A_116] {strides = array<i32>} : memref<128x128xf32, #tpu.memory_space<vmem>>, vector<1x16xf32>,
        %get3A_118 = vector.shape_cast %get3A_117 : vector<1x16xf32> to vector<16xf32>
        %get3A_119 = arith.index_cast %scan3A_59 : i32 to index
        %get3A_120 = arith.constant 64 : index
        %get3A_121 = tpu.vector_load %arg8[%get3A_119, %get3A_120] {strides = array<i32>} : memref<128x128xf32, #tpu.memory_space<vmem>>, vector<1x16xf32>,
        %get3A_122 = vector.shape_cast %get3A_121 : vector<1x16xf32> to vector<16xf32>
        %add3A_123 = arith.addf %get3A_118, %get3A_122 : vector<16xf32>
        %swap3A_124 = arith.index_cast %scan3A_59 : i32 to index
        %swap3A_125 = arith.constant 64 : index
        %swap3A_126 = tpu.vector_load %arg7[%swap3A_124, %swap3A_125] {strides = array<i32>} : memref<128x128xf32, #tpu.memory_space<vmem>>, vector<1x16xf32>,
        %swap3A_127 = vector.shape_cast %swap3A_126 : vector<1x16xf32> to vector<16xf32>
        %swap3A_128 = vector.shape_cast %add3A_123 : vector<16xf32> to vector<1x16xf32>
        tpu.vector_store %arg7[%swap3A_124, %swap3A_125], %swap3A_128 {strides = array<i32>} : memref<128x128xf32, #tpu.memory_space<vmem>>, vector<1x16xf32>,
        %get3A_129 = arith.index_cast %scan3A_59 : i32 to index
        %get3A_130 = arith.constant 80 : index
        %get3A_131 = tpu.vector_load %arg7[%get3A_129, %get3A_130] {strides = array<i32>} : memref<128x128xf32, #tpu.memory_space<vmem>>, vector<1x16xf32>,
        %get3A_132 = vector.shape_cast %get3A_131 : vector<1x16xf32> to vector<16xf32>
        %get3A_133 = arith.index_cast %scan3A_59 : i32 to index
        %get3A_134 = arith.constant 80 : index
        %get3A_135 = tpu.vector_load %arg8[%get3A_133, %get3A_134] {strides = array<i32>} : memref<128x128xf32, #tpu.memory_space<vmem>>, vector<1x16xf32>,
        %get3A_136 = vector.shape_cast %get3A_135 : vector<1x16xf32> to vector<16xf32>
        %add3A_137 = arith.addf %get3A_132, %get3A_136 : vector<16xf32>
        %swap3A_138 = arith.index_cast %scan3A_59 : i32 to index
        %swap3A_139 = arith.constant 80 : index
        %swap3A_140 = tpu.vector_load %arg7[%swap3A_138, %swap3A_139] {strides = array<i32>} : memref<128x128xf32, #tpu.memory_space<vmem>>, vector<1x16xf32>,
        %swap3A_141 = vector.shape_cast %swap3A_140 : vector<1x16xf32> to vector<16xf32>
        %swap3A_142 = vector.shape_cast %add3A_137 : vector<16xf32> to vector<1x16xf32>
        tpu.vector_store %arg7[%swap3A_138, %swap3A_139], %swap3A_142 {strides = array<i32>} : memref<128x128xf32, #tpu.memory_space<vmem>>, vector<1x16xf32>,
        %get3A_143 = arith.index_cast %scan3A_59 : i32 to index
        %get3A_144 = arith.constant 96 : index
        %get3A_145 = tpu.vector_load %arg7[%get3A_143, %get3A_144] {strides = array<i32>} : memref<128x128xf32, #tpu.memory_space<vmem>>, vector<1x16xf32>,
        %get3A_146 = vector.shape_cast %get3A_145 : vector<1x16xf32> to vector<16xf32>
        %get3A_147 = arith.index_cast %scan3A_59 : i32 to index
        %get3A_148 = arith.constant 96 : index
        %get3A_149 = tpu.vector_load %arg8[%get3A_147, %get3A_148] {strides = array<i32>} : memref<128x128xf32, #tpu.memory_space<vmem>>, vector<1x16xf32>,
        %get3A_150 = vector.shape_cast %get3A_149 : vector<1x16xf32> to vector<16xf32>
        %add3A_151 = arith.addf %get3A_146, %get3A_150 : vector<16xf32>
        %swap3A_152 = arith.index_cast %scan3A_59 : i32 to index
        %swap3A_153 = arith.constant 96 : index
        %swap3A_154 = tpu.vector_load %arg7[%swap3A_152, %swap3A_153] {strides = array<i32>} : memref<128x128xf32, #tpu.memory_space<vmem>>, vector<1x16xf32>,
        %swap3A_155 = vector.shape_cast %swap3A_154 : vector<1x16xf32> to vector<16xf32>
        %swap3A_156 = vector.shape_cast %add3A_151 : vector<16xf32> to vector<1x16xf32>
        tpu.vector_store %arg7[%swap3A_152, %swap3A_153], %swap3A_156 {strides = array<i32>} : memref<128x128xf32, #tpu.memory_space<vmem>>, vector<1x16xf32>,
        %get3A_157 = arith.index_cast %scan3A_59 : i32 to index
        %get3A_158 = arith.constant 112 : index
        %get3A_159 = tpu.vector_load %arg7[%get3A_157, %get3A_158] {strides = array<i32>} : memref<128x128xf32, #tpu.memory_space<vmem>>, vector<1x16xf32>,
        %get3A_160 = vector.shape_cast %get3A_159 : vector<1x16xf32> to vector<16xf32>
        %get3A_161 = arith.index_cast %scan3A_59 : i32 to index
        %get3A_162 = arith.constant 112 : index
        %get3A_163 = tpu.vector_load %arg8[%get3A_161, %get3A_162] {strides = array<i32>} : memref<128x128xf32, #tpu.memory_space<vmem>>, vector<1x16xf32>,
        %get3A_164 = vector.shape_cast %get3A_163 : vector<1x16xf32> to vector<16xf32>
        %add3A_165 = arith.addf %get3A_160, %get3A_164 : vector<16xf32>
        %swap3A_166 = arith.index_cast %scan3A_59 : i32 to index
        %swap3A_167 = arith.constant 112 : index
        %swap3A_168 = tpu.vector_load %arg7[%swap3A_166, %swap3A_167] {strides = array<i32>} : memref<128x128xf32, #tpu.memory_space<vmem>>, vector<1x16xf32>,
        %swap3A_169 = vector.shape_cast %swap3A_168 : vector<1x16xf32> to vector<16xf32>
        %swap3A_170 = vector.shape_cast %add3A_165 : vector<16xf32> to vector<1x16xf32>
        tpu.vector_store %arg7[%swap3A_166, %swap3A_167], %swap3A_170 {strides = array<i32>} : memref<128x128xf32, #tpu.memory_space<vmem>>, vector<1x16xf32>,
        %scan3A_171 = arith.constant 0 : i32
        scf.yield %scan3A_171 : i32
      }
      %scan3A_57 = arith.constant 128 : i32
      "tpu.region"() ({
        %run_scoped3A = tpu.sem_alloc : memref<!tpu.dma_semaphore, #tpu.memory_space<semaphore_mem>>
        %dma_start3A_59 = arith.constant 0 : i32
        %dma_start3A_60 = tpu.memref_slice %arg5[%mul3A_24, %dma_start3A_59] : memref<323584x128xf32, #tpu.memory_space<hbm>> -> memref<128x128xf32, #tpu.memory_space<hbm>>
        %dma_start3A_61 = arith.constant 0 : i32
        %dma_start3A_62 = tpu.memref_slice %arg5[%mul3A_24, %dma_start3A_61] : memref<323584x128xf32, #tpu.memory_space<hbm>> -> memref<128x128xf32, #tpu.memory_space<hbm>>
        tpu.enqueue_dma source(%arg7 : memref<128x128xf32, #tpu.memory_space<vmem>>) target(%dma_start3A_62 : memref<128x128xf32, #tpu.memory_space<hbm>>) target_semaphore(%run_scoped3A : memref<!tpu.dma_semaphore, #tpu.memory_space<semaphore_mem>>)
        %dma_wait3A_63 = arith.constant 0 : i32
        %dma_wait3A_64 = tpu.memref_slice %arg5[%mul3A_24, %dma_wait3A_63] : memref<323584x128xf32, #tpu.memory_space<hbm>> -> memref<128x128xf32, #tpu.memory_space<hbm>>
        %dma_wait3A_65 = arith.constant 0 : i32
        %dma_wait3A_66 = tpu.memref_slice %arg5[%mul3A_24, %dma_wait3A_65] : memref<323584x128xf32, #tpu.memory_space<hbm>> -> memref<128x128xf32, #tpu.memory_space<hbm>>
        tpu.wait_dma2 semaphore(%run_scoped3A : memref<!tpu.dma_semaphore, #tpu.memory_space<semaphore_mem>>) src(%arg7 : memref<128x128xf32, #tpu.memory_space<vmem>>) dst(%dma_wait3A_66 : memref<128x128xf32, #tpu.memory_space<hbm>>)
        tpu.yield
      }) : () -> ()
      %while3A_58 = arith.constant 0 : i32
      scf.yield %while3A_58 : i32
    }
    %while3A_18 = arith.constant 1 : i32
    %while3A_19 = scf.for %while3A_20 = %while3A_15 to %while3A_11 step %while3A_18 iter_args(%while3A_21 = %while3A_17) -> (i32)  : i32 {
      %add3A_22 = arith.addi %select_n3A_8, %while3A_20 : i32
      %mul3A_23 = arith.constant 128 : i32
      %mul3A_24 = arith.muli %add3A_22, %mul3A_23 : i32
      %add3A_25 = arith.addi %select_n3A_8, %while3A_20 : i32
      "tpu.region"() ({
        %run_scoped3A = tpu.sem_alloc : memref<!tpu.dma_semaphore, #tpu.memory_space<semaphore_mem>>
        %dma_start3A_59 = arith.constant 0 : i32
        %dma_start3A_60 = arith.constant 0 : i32
        %dma_start3A_61 = tpu.memref_slice %arg2[%add3A_25, %dma_start3A_59, %dma_start3A_60] : memref<2528x2x128xi32, #tpu.memory_space<hbm>> -> memref<1x2x128xi32, #tpu.memory_space<hbm>>
        %dma_start3A_62 = tpu.memref_squeeze %dma_start3A_61 : memref<1x2x128xi32, #tpu.memory_space<hbm>> -> memref<2x128xi32, #tpu.memory_space<hbm>>
        %dma_start3A_63 = arith.constant 0 : i32
        %dma_start3A_64 = arith.constant 0 : i32
        %dma_start3A_65 = tpu.memref_slice %arg2[%add3A_25, %dma_start3A_63, %dma_start3A_64] : memref<2528x2x128xi32, #tpu.memory_space<hbm>> -> memref<1x2x128xi32, #tpu.memory_space<hbm>>
        %dma_start3A_66 = tpu.memref_squeeze %dma_start3A_65 : memref<1x2x128xi32, #tpu.memory_space<hbm>> -> memref<2x128xi32, #tpu.memory_space<hbm>>
        tpu.enqueue_dma source(%dma_start3A_66 : memref<2x128xi32, #tpu.memory_space<hbm>>) target(%arg6 : memref<2x128xi32, #tpu.memory_space<vmem>>) target_semaphore(%run_scoped3A : memref<!tpu.dma_semaphore, #tpu.memory_space<semaphore_mem>>)
        %dma_wait3A_67 = arith.constant 0 : i32
        %dma_wait3A_68 = arith.constant 0 : i32
        %dma_wait3A_69 = tpu.memref_slice %arg2[%add3A_25, %dma_wait3A_67, %dma_wait3A_68] : memref<2528x2x128xi32, #tpu.memory_space<hbm>> -> memref<1x2x128xi32, #tpu.memory_space<hbm>>
        %dma_wait3A_70 = tpu.memref_squeeze %dma_wait3A_69 : memref<1x2x128xi32, #tpu.memory_space<hbm>> -> memref<2x128xi32, #tpu.memory_space<hbm>>
        %dma_wait3A_71 = arith.constant 0 : i32
        %dma_wait3A_72 = arith.constant 0 : i32
        %dma_wait3A_73 = tpu.memref_slice %arg2[%add3A_25, %dma_wait3A_71, %dma_wait3A_72] : memref<2528x2x128xi32, #tpu.memory_space<hbm>> -> memref<1x2x128xi32, #tpu.memory_space<hbm>>
        %dma_wait3A_74 = tpu.memref_squeeze %dma_wait3A_73 : memref<1x2x128xi32, #tpu.memory_space<hbm>> -> memref<2x128xi32, #tpu.memory_space<hbm>>
        tpu.wait_dma2 semaphore(%run_scoped3A : memref<!tpu.dma_semaphore, #tpu.memory_space<semaphore_mem>>) src(%dma_wait3A_74 : memref<2x128xi32, #tpu.memory_space<hbm>>) dst(%arg6 : memref<2x128xi32, #tpu.memory_space<vmem>>)
        tpu.yield
      }) : () -> ()
      %dma_start3A = arith.constant 0 : i32
      %dma_start3A_26 = arith.constant 0 : i32
      %dma_start3A_27 = tpu.memref_slice %arg6[%dma_start3A, %dma_start3A_26] : memref<2x128xi32, #tpu.memory_space<vmem>> -> memref<1x128xi32, #tpu.memory_space<vmem>>
      %dma_start3A_28 = tpu.memref_squeeze %dma_start3A_27 : memref<1x128xi32, #tpu.memory_space<vmem>> -> memref<128xi32, #tpu.memory_space<vmem>>
      %dma_start3A_29 = arith.constant 0 : i32
      %dma_start3A_30 = arith.constant 0 : i32
      %dma_start3A_31 = tpu.memref_slice %arg3[%dma_start3A_29, %dma_start3A_30] : memref<10240x128xf32, #tpu.memory_space<hbm>> -> memref<10240x128xf32, #tpu.memory_space<hbm>>
      tpu.enqueue_indirect_dma source(%dma_start3A_31 : memref<10240x128xf32, #tpu.memory_space<hbm>>) target(%arg7 : memref<128x128xf32, #tpu.memory_space<vmem>>) offsets(%dma_start3A_28 : memref<128xi32, #tpu.memory_space<vmem>>) semaphore(%arg9 : memref<!tpu.dma_semaphore, #tpu.memory_space<semaphore_mem>>)
      %dma_start3A_32 = arith.constant 1 : i32
      %dma_start3A_33 = arith.constant 0 : i32
      %dma_start3A_34 = tpu.memref_slice %arg6[%dma_start3A_32, %dma_start3A_33] : memref<2x128xi32, #tpu.memory_space<vmem>> -> memref<1x128xi32, #tpu.memory_space<vmem>>
      %dma_start3A_35 = tpu.memref_squeeze %dma_start3A_34 : memref<1x128xi32, #tpu.memory_space<vmem>> -> memref<128xi32, #tpu.memory_space<vmem>>
      %dma_start3A_36 = arith.constant 0 : i32
      %dma_start3A_37 = arith.constant 0 : i32
      %dma_start3A_38 = tpu.memref_slice %arg4[%dma_start3A_36, %dma_start3A_37] : memref<10240x128xf32, #tpu.memory_space<hbm>> -> memref<10240x128xf32, #tpu.memory_space<hbm>>
      tpu.enqueue_indirect_dma source(%dma_start3A_38 : memref<10240x128xf32, #tpu.memory_space<hbm>>) target(%arg8 : memref<128x128xf32, #tpu.memory_space<vmem>>) offsets(%dma_start3A_35 : memref<128xi32, #tpu.memory_space<vmem>>) semaphore(%arg10 : memref<!tpu.dma_semaphore, #tpu.memory_space<semaphore_mem>>)
      %dma_wait3A = arith.constant 0 : i32
      %dma_wait3A_39 = arith.constant 0 : i32
      %dma_wait3A_40 = tpu.memref_slice %arg6[%dma_wait3A, %dma_wait3A_39] : memref<2x128xi32, #tpu.memory_space<vmem>> -> memref<1x128xi32, #tpu.memory_space<vmem>>
      %dma_wait3A_41 = tpu.memref_squeeze %dma_wait3A_40 : memref<1x128xi32, #tpu.memory_space<vmem>> -> memref<128xi32, #tpu.memory_space<vmem>>
      %dma_wait3A_42 = arith.constant 0 : i32
      %dma_wait3A_43 = arith.constant 0 : i32
      %dma_wait3A_44 = tpu.memref_slice %arg3[%dma_wait3A_42, %dma_wait3A_43] : memref<10240x128xf32, #tpu.memory_space<hbm>> -> memref<10240x128xf32, #tpu.memory_space<hbm>>
      tpu.wait_indirect_dma semaphore(%arg9 : memref<!tpu.dma_semaphore, #tpu.memory_space<semaphore_mem>>) src(%dma_wait3A_44 : memref<10240x128xf32, #tpu.memory_space<hbm>>) dst(%arg7 : memref<128x128xf32, #tpu.memory_space<vmem>>)
      %dma_wait3A_45 = arith.constant 1 : i32
      %dma_wait3A_46 = arith.constant 0 : i32
      %dma_wait3A_47 = tpu.memref_slice %arg6[%dma_wait3A_45, %dma_wait3A_46] : memref<2x128xi32, #tpu.memory_space<vmem>> -> memref<1x128xi32, #tpu.memory_space<vmem>>
      %dma_wait3A_48 = tpu.memref_squeeze %dma_wait3A_47 : memref<1x128xi32, #tpu.memory_space<vmem>> -> memref<128xi32, #tpu.memory_space<vmem>>
      %dma_wait3A_49 = arith.constant 0 : i32
      %dma_wait3A_50 = arith.constant 0 : i32
      %dma_wait3A_51 = tpu.memref_slice %arg4[%dma_wait3A_49, %dma_wait3A_50] : memref<10240x128xf32, #tpu.memory_space<hbm>> -> memref<10240x128xf32, #tpu.memory_space<hbm>>
      tpu.wait_indirect_dma semaphore(%arg10 : memref<!tpu.dma_semaphore, #tpu.memory_space<semaphore_mem>>) src(%dma_wait3A_51 : memref<10240x128xf32, #tpu.memory_space<hbm>>) dst(%arg8 : memref<128x128xf32, #tpu.memory_space<vmem>>)
      %scan3A = arith.constant 0 : i32
      %scan3A_52 = arith.constant 0 : i32
      %scan3A_53 = arith.constant 128 : i32
      %scan3A_54 = arith.addi %scan3A_52, %scan3A_53 : i32
      %scan3A_55 = arith.constant 1 : i32
      %scan3A_56 = scf.for %scan3A_59 = %scan3A_52 to %scan3A_54 step %scan3A_55 iter_args(%scan3A_60 = %scan3A) -> (i32)  : i32 {
        %get3A = arith.index_cast %scan3A_59 : i32 to index
        %get3A_61 = arith.constant 0 : index
        %get3A_62 = tpu.vector_load %arg7[%get3A, %get3A_61] {strides = array<i32>} : memref<128x128xf32, #tpu.memory_space<vmem>>, vector<1x16xf32>,
        %get3A_63 = vector.shape_cast %get3A_62 : vector<1x16xf32> to vector<16xf32>
        %get3A_64 = arith.index_cast %scan3A_59 : i32 to index
        %get3A_65 = arith.constant 0 : index
        %get3A_66 = tpu.vector_load %arg8[%get3A_64, %get3A_65] {strides = array<i32>} : memref<128x128xf32, #tpu.memory_space<vmem>>, vector<1x16xf32>,
        %get3A_67 = vector.shape_cast %get3A_66 : vector<1x16xf32> to vector<16xf32>
        %add3A_68 = arith.addf %get3A_63, %get3A_67 : vector<16xf32>
        %swap3A = arith.index_cast %scan3A_59 : i32 to index
        %swap3A_69 = arith.constant 0 : index
        %swap3A_70 = tpu.vector_load %arg7[%swap3A, %swap3A_69] {strides = array<i32>} : memref<128x128xf32, #tpu.memory_space<vmem>>, vector<1x16xf32>,
        %swap3A_71 = vector.shape_cast %swap3A_70 : vector<1x16xf32> to vector<16xf32>
        %swap3A_72 = vector.shape_cast %add3A_68 : vector<16xf32> to vector<1x16xf32>
        tpu.vector_store %arg7[%swap3A, %swap3A_69], %swap3A_72 {strides = array<i32>} : memref<128x128xf32, #tpu.memory_space<vmem>>, vector<1x16xf32>,
        %get3A_73 = arith.index_cast %scan3A_59 : i32 to index
        %get3A_74 = arith.constant 16 : index
        %get3A_75 = tpu.vector_load %arg7[%get3A_73, %get3A_74] {strides = array<i32>} : memref<128x128xf32, #tpu.memory_space<vmem>>, vector<1x16xf32>,
        %get3A_76 = vector.shape_cast %get3A_75 : vector<1x16xf32> to vector<16xf32>
        %get3A_77 = arith.index_cast %scan3A_59 : i32 to index
        %get3A_78 = arith.constant 16 : index
        %get3A_79 = tpu.vector_load %arg8[%get3A_77, %get3A_78] {strides = array<i32>} : memref<128x128xf32, #tpu.memory_space<vmem>>, vector<1x16xf32>,
        %get3A_80 = vector.shape_cast %get3A_79 : vector<1x16xf32> to vector<16xf32>
        %add3A_81 = arith.addf %get3A_76, %get3A_80 : vector<16xf32>
        %swap3A_82 = arith.index_cast %scan3A_59 : i32 to index
        %swap3A_83 = arith.constant 16 : index
        %swap3A_84 = tpu.vector_load %arg7[%swap3A_82, %swap3A_83] {strides = array<i32>} : memref<128x128xf32, #tpu.memory_space<vmem>>, vector<1x16xf32>,
        %swap3A_85 = vector.shape_cast %swap3A_84 : vector<1x16xf32> to vector<16xf32>
        %swap3A_86 = vector.shape_cast %add3A_81 : vector<16xf32> to vector<1x16xf32>
        tpu.vector_store %arg7[%swap3A_82, %swap3A_83], %swap3A_86 {strides = array<i32>} : memref<128x128xf32, #tpu.memory_space<vmem>>, vector<1x16xf32>,
        %get3A_87 = arith.index_cast %scan3A_59 : i32 to index
        %get3A_88 = arith.constant 32 : index
        %get3A_89 = tpu.vector_load %arg7[%get3A_87, %get3A_88] {strides = array<i32>} : memref<128x128xf32, #tpu.memory_space<vmem>>, vector<1x16xf32>,
        %get3A_90 = vector.shape_cast %get3A_89 : vector<1x16xf32> to vector<16xf32>
        %get3A_91 = arith.index_cast %scan3A_59 : i32 to index
        %get3A_92 = arith.constant 32 : index
        %get3A_93 = tpu.vector_load %arg8[%get3A_91, %get3A_92] {strides = array<i32>} : memref<128x128xf32, #tpu.memory_space<vmem>>, vector<1x16xf32>,
        %get3A_94 = vector.shape_cast %get3A_93 : vector<1x16xf32> to vector<16xf32>
        %add3A_95 = arith.addf %get3A_90, %get3A_94 : vector<16xf32>
        %swap3A_96 = arith.index_cast %scan3A_59 : i32 to index
        %swap3A_97 = arith.constant 32 : index
        %swap3A_98 = tpu.vector_load %arg7[%swap3A_96, %swap3A_97] {strides = array<i32>} : memref<128x128xf32, #tpu.memory_space<vmem>>, vector<1x16xf32>,
        %swap3A_99 = vector.shape_cast %swap3A_98 : vector<1x16xf32> to vector<16xf32>
        %swap3A_100 = vector.shape_cast %add3A_95 : vector<16xf32> to vector<1x16xf32>
        tpu.vector_store %arg7[%swap3A_96, %swap3A_97], %swap3A_100 {strides = array<i32>} : memref<128x128xf32, #tpu.memory_space<vmem>>, vector<1x16xf32>,
        %get3A_101 = arith.index_cast %scan3A_59 : i32 to index
        %get3A_102 = arith.constant 48 : index
        %get3A_103 = tpu.vector_load %arg7[%get3A_101, %get3A_102] {strides = array<i32>} : memref<128x128xf32, #tpu.memory_space<vmem>>, vector<1x16xf32>,
        %get3A_104 = vector.shape_cast %get3A_103 : vector<1x16xf32> to vector<16xf32>
        %get3A_105 = arith.index_cast %scan3A_59 : i32 to index
        %get3A_106 = arith.constant 48 : index
        %get3A_107 = tpu.vector_load %arg8[%get3A_105, %get3A_106] {strides = array<i32>} : memref<128x128xf32, #tpu.memory_space<vmem>>, vector<1x16xf32>,
        %get3A_108 = vector.shape_cast %get3A_107 : vector<1x16xf32> to vector<16xf32>
        %add3A_109 = arith.addf %get3A_104, %get3A_108 : vector<16xf32>
        %swap3A_110 = arith.index_cast %scan3A_59 : i32 to index
        %swap3A_111 = arith.constant 48 : index
        %swap3A_112 = tpu.vector_load %arg7[%swap3A_110, %swap3A_111] {strides = array<i32>} : memref<128x128xf32, #tpu.memory_space<vmem>>, vector<1x16xf32>,
        %swap3A_113 = vector.shape_cast %swap3A_112 : vector<1x16xf32> to vector<16xf32>
        %swap3A_114 = vector.shape_cast %add3A_109 : vector<16xf32> to vector<1x16xf32>
        tpu.vector_store %arg7[%swap3A_110, %swap3A_111], %swap3A_114 {strides = array<i32>} : memref<128x128xf32, #tpu.memory_space<vmem>>, vector<1x16xf32>,
        %get3A_115 = arith.index_cast %scan3A_59 : i32 to index
        %get3A_116 = arith.constant 64 : index
        %get3A_117 = tpu.vector_load %arg7[%get3A_115, %get3A_116] {strides = array<i32>} : memref<128x128xf32, #tpu.memory_space<vmem>>, vector<1x16xf32>,
        %get3A_118 = vector.shape_cast %get3A_117 : vector<1x16xf32> to vector<16xf32>
        %get3A_119 = arith.index_cast %scan3A_59 : i32 to index
        %get3A_120 = arith.constant 64 : index
        %get3A_121 = tpu.vector_load %arg8[%get3A_119, %get3A_120] {strides = array<i32>} : memref<128x128xf32, #tpu.memory_space<vmem>>, vector<1x16xf32>,
        %get3A_122 = vector.shape_cast %get3A_121 : vector<1x16xf32> to vector<16xf32>
        %add3A_123 = arith.addf %get3A_118, %get3A_122 : vector<16xf32>
        %swap3A_124 = arith.index_cast %scan3A_59 : i32 to index
        %swap3A_125 = arith.constant 64 : index
        %swap3A_126 = tpu.vector_load %arg7[%swap3A_124, %swap3A_125] {strides = array<i32>} : memref<128x128xf32, #tpu.memory_space<vmem>>, vector<1x16xf32>,
        %swap3A_127 = vector.shape_cast %swap3A_126 : vector<1x16xf32> to vector<16xf32>
        %swap3A_128 = vector.shape_cast %add3A_123 : vector<16xf32> to vector<1x16xf32>
        tpu.vector_store %arg7[%swap3A_124, %swap3A_125], %swap3A_128 {strides = array<i32>} : memref<128x128xf32, #tpu.memory_space<vmem>>, vector<1x16xf32>,
        %get3A_129 = arith.index_cast %scan3A_59 : i32 to index
        %get3A_130 = arith.constant 80 : index
        %get3A_131 = tpu.vector_load %arg7[%get3A_129, %get3A_130] {strides = array<i32>} : memref<128x128xf32, #tpu.memory_space<vmem>>, vector<1x16xf32>,
        %get3A_132 = vector.shape_cast %get3A_131 : vector<1x16xf32> to vector<16xf32>
        %get3A_133 = arith.index_cast %scan3A_59 : i32 to index
        %get3A_134 = arith.constant 80 : index
        %get3A_135 = tpu.vector_load %arg8[%get3A_133, %get3A_134] {strides = array<i32>} : memref<128x128xf32, #tpu.memory_space<vmem>>, vector<1x16xf32>,
        %get3A_136 = vector.shape_cast %get3A_135 : vector<1x16xf32> to vector<16xf32>
        %add3A_137 = arith.addf %get3A_132, %get3A_136 : vector<16xf32>
        %swap3A_138 = arith.index_cast %scan3A_59 : i32 to index
        %swap3A_139 = arith.constant 80 : index
        %swap3A_140 = tpu.vector_load %arg7[%swap3A_138, %swap3A_139] {strides = array<i32>} : memref<128x128xf32, #tpu.memory_space<vmem>>, vector<1x16xf32>,
        %swap3A_141 = vector.shape_cast %swap3A_140 : vector<1x16xf32> to vector<16xf32>
        %swap3A_142 = vector.shape_cast %add3A_137 : vector<16xf32> to vector<1x16xf32>
        tpu.vector_store %arg7[%swap3A_138, %swap3A_139], %swap3A_142 {strides = array<i32>} : memref<128x128xf32, #tpu.memory_space<vmem>>, vector<1x16xf32>,
        %get3A_143 = arith.index_cast %scan3A_59 : i32 to index
        %get3A_144 = arith.constant 96 : index
        %get3A_145 = tpu.vector_load %arg7[%get3A_143, %get3A_144] {strides = array<i32>} : memref<128x128xf32, #tpu.memory_space<vmem>>, vector<1x16xf32>,
        %get3A_146 = vector.shape_cast %get3A_145 : vector<1x16xf32> to vector<16xf32>
        %get3A_147 = arith.index_cast %scan3A_59 : i32 to index
        %get3A_148 = arith.constant 96 : index
        %get3A_149 = tpu.vector_load %arg8[%get3A_147, %get3A_148] {strides = array<i32>} : memref<128x128xf32, #tpu.memory_space<vmem>>, vector<1x16xf32>,
        %get3A_150 = vector.shape_cast %get3A_149 : vector<1x16xf32> to vector<16xf32>
        %add3A_151 = arith.addf %get3A_146, %get3A_150 : vector<16xf32>
        %swap3A_152 = arith.index_cast %scan3A_59 : i32 to index
        %swap3A_153 = arith.constant 96 : index
        %swap3A_154 = tpu.vector_load %arg7[%swap3A_152, %swap3A_153] {strides = array<i32>} : memref<128x128xf32, #tpu.memory_space<vmem>>, vector<1x16xf32>,
        %swap3A_155 = vector.shape_cast %swap3A_154 : vector<1x16xf32> to vector<16xf32>
        %swap3A_156 = vector.shape_cast %add3A_151 : vector<16xf32> to vector<1x16xf32>
        tpu.vector_store %arg7[%swap3A_152, %swap3A_153], %swap3A_156 {strides = array<i32>} : memref<128x128xf32, #tpu.memory_space<vmem>>, vector<1x16xf32>,
        %get3A_157 = arith.index_cast %scan3A_59 : i32 to index
        %get3A_158 = arith.constant 112 : index
        %get3A_159 = tpu.vector_load %arg7[%get3A_157, %get3A_158] {strides = array<i32>} : memref<128x128xf32, #tpu.memory_space<vmem>>, vector<1x16xf32>,
        %get3A_160 = vector.shape_cast %get3A_159 : vector<1x16xf32> to vector<16xf32>
        %get3A_161 = arith.index_cast %scan3A_59 : i32 to index
        %get3A_162 = arith.constant 112 : index
        %get3A_163 = tpu.vector_load %arg8[%get3A_161, %get3A_162] {strides = array<i32>} : memref<128x128xf32, #tpu.memory_space<vmem>>, vector<1x16xf32>,
        %get3A_164 = vector.shape_cast %get3A_163 : vector<1x16xf32> to vector<16xf32>
        %add3A_165 = arith.addf %get3A_160, %get3A_164 : vector<16xf32>
        %swap3A_166 = arith.index_cast %scan3A_59 : i32 to index
        %swap3A_167 = arith.constant 112 : index
        %swap3A_168 = tpu.vector_load %arg7[%swap3A_166, %swap3A_167] {strides = array<i32>} : memref<128x128xf32, #tpu.memory_space<vmem>>, vector<1x16xf32>,
        %swap3A_169 = vector.shape_cast %swap3A_168 : vector<1x16xf32> to vector<16xf32>
        %swap3A_170 = vector.shape_cast %add3A_165 : vector<16xf32> to vector<1x16xf32>
        tpu.vector_store %arg7[%swap3A_166, %swap3A_167], %swap3A_170 {strides = array<i32>} : memref<128x128xf32, #tpu.memory_space<vmem>>, vector<1x16xf32>,
        %scan3A_171 = arith.constant 0 : i32
        scf.yield %scan3A_171 : i32
      }
      %scan3A_57 = arith.constant 128 : i32
      "tpu.region"() ({
        %run_scoped3A = tpu.sem_alloc : memref<!tpu.dma_semaphore, #tpu.memory_space<semaphore_mem>>
        %dma_start3A_59 = arith.constant 0 : i32
        %dma_start3A_60 = tpu.memref_slice %arg5[%mul3A_24, %dma_start3A_59] : memref<323584x128xf32, #tpu.memory_space<hbm>> -> memref<128x128xf32, #tpu.memory_space<hbm>>
        %dma_start3A_61 = arith.constant 0 : i32
        %dma_start3A_62 = tpu.memref_slice %arg5[%mul3A_24, %dma_start3A_61] : memref<323584x128xf32, #tpu.memory_space<hbm>> -> memref<128x128xf32, #tpu.memory_space<hbm>>
        tpu.enqueue_dma source(%arg7 : memref<128x128xf32, #tpu.memory_space<vmem>>) target(%dma_start3A_62 : memref<128x128xf32, #tpu.memory_space<hbm>>) target_semaphore(%run_scoped3A : memref<!tpu.dma_semaphore, #tpu.memory_space<semaphore_mem>>)
        %dma_wait3A_63 = arith.constant 0 : i32
        %dma_wait3A_64 = tpu.memref_slice %arg5[%mul3A_24, %dma_wait3A_63] : memref<323584x128xf32, #tpu.memory_space<hbm>> -> memref<128x128xf32, #tpu.memory_space<hbm>>
        %dma_wait3A_65 = arith.constant 0 : i32
        %dma_wait3A_66 = tpu.memref_slice %arg5[%mul3A_24, %dma_wait3A_65] : memref<323584x128xf32, #tpu.memory_space<hbm>> -> memref<128x128xf32, #tpu.memory_space<hbm>>
        tpu.wait_dma2 semaphore(%run_scoped3A : memref<!tpu.dma_semaphore, #tpu.memory_space<semaphore_mem>>) src(%arg7 : memref<128x128xf32, #tpu.memory_space<vmem>>) dst(%dma_wait3A_66 : memref<128x128xf32, #tpu.memory_space<hbm>>)
        tpu.yield
      }) : () -> ()
      %while3A_58 = arith.constant 0 : i32
      scf.yield %while3A_58 : i32
    }
    return
  }
}

#map = affine_map<(d0, d1) -> (0, 0, 0)>
#map1 = affine_map<(d0, d1) -> (0, 0)>
module attributes {stable_mosaic.version = 14 : i64} {
  func.func @k(%arg0: i32, %arg1: i32, %arg2: memref<2528x2x128xi32, #tpu.memory_space<hbm>>, %arg3: memref<10240x128xf32, #tpu.memory_space<hbm>>, %arg4: memref<2x10240x128xf32, #tpu.memory_space<hbm>>, %arg5: memref<2x128xi32, #tpu.memory_space<vmem>>, %arg6: memref<128x128xf32, #tpu.memory_space<vmem>>, %arg7: memref<10240x128xf32, #tpu.memory_space<vmem_shared>>, %arg8: memref<!tpu.dma_semaphore, #tpu.memory_space<semaphore_mem>>) attributes {dimension_semantics = [#tpu.dimension_semantics<core_parallel>, #tpu.dimension_semantics<subcore_parallel>], iteration_bounds = array<i64: 2, 16>, scalar_prefetch = 0 : i64, scratch_operands = 4 : i64, tpu.core_type = #tpu.core_type<sc_vector_subcore>, window_params = [{transform_indices = #map}, {transform_indices = #map1}, {transform_indices = #map}]} {
    %mul3A = arith.constant 16 : i32
    %mul3A_0 = arith.muli %arg0, %mul3A : i32
    %add3A = arith.addi %mul3A_0, %arg1 : i32
    %broadcast_in_dim3A = arith.constant 0.000000e+00 : f32
    %broadcast_in_dim3A_1 = vector.broadcast %broadcast_in_dim3A : f32 to vector<16xf32>
    %scan3A = arith.constant 0 : i32
    %scan3A_2 = arith.constant 0 : i32
    %scan3A_3 = arith.constant 128 : i32
    %scan3A_4 = arith.addi %scan3A_2, %scan3A_3 : i32
    %scan3A_5 = arith.constant 1 : i32
    %scan3A_6 = scf.for %scan3A_53 = %scan3A_2 to %scan3A_4 step %scan3A_5 iter_args(%scan3A_54 = %scan3A) -> (i32)  : i32 {
      %swap3A = arith.index_cast %scan3A_53 : i32 to index
      %swap3A_55 = arith.constant 0 : index
      %swap3A_56 = tpu.vector_load %arg6[%swap3A, %swap3A_55] {strides = array<i32>} : memref<128x128xf32, #tpu.memory_space<vmem>>, vector<1x16xf32>,
      %swap3A_57 = vector.shape_cast %swap3A_56 : vector<1x16xf32> to vector<16xf32>
      %swap3A_58 = vector.shape_cast %broadcast_in_dim3A_1 : vector<16xf32> to vector<1x16xf32>
      tpu.vector_store %arg6[%swap3A, %swap3A_55], %swap3A_58 {strides = array<i32>} : memref<128x128xf32, #tpu.memory_space<vmem>>, vector<1x16xf32>,
      %swap3A_59 = arith.index_cast %scan3A_53 : i32 to index
      %swap3A_60 = arith.constant 16 : index
      %swap3A_61 = tpu.vector_load %arg6[%swap3A_59, %swap3A_60] {strides = array<i32>} : memref<128x128xf32, #tpu.memory_space<vmem>>, vector<1x16xf32>,
      %swap3A_62 = vector.shape_cast %swap3A_61 : vector<1x16xf32> to vector<16xf32>
      %swap3A_63 = vector.shape_cast %broadcast_in_dim3A_1 : vector<16xf32> to vector<1x16xf32>
      tpu.vector_store %arg6[%swap3A_59, %swap3A_60], %swap3A_63 {strides = array<i32>} : memref<128x128xf32, #tpu.memory_space<vmem>>, vector<1x16xf32>,
      %swap3A_64 = arith.index_cast %scan3A_53 : i32 to index
      %swap3A_65 = arith.constant 32 : index
      %swap3A_66 = tpu.vector_load %arg6[%swap3A_64, %swap3A_65] {strides = array<i32>} : memref<128x128xf32, #tpu.memory_space<vmem>>, vector<1x16xf32>,
      %swap3A_67 = vector.shape_cast %swap3A_66 : vector<1x16xf32> to vector<16xf32>
      %swap3A_68 = vector.shape_cast %broadcast_in_dim3A_1 : vector<16xf32> to vector<1x16xf32>
      tpu.vector_store %arg6[%swap3A_64, %swap3A_65], %swap3A_68 {strides = array<i32>} : memref<128x128xf32, #tpu.memory_space<vmem>>, vector<1x16xf32>,
      %swap3A_69 = arith.index_cast %scan3A_53 : i32 to index
      %swap3A_70 = arith.constant 48 : index
      %swap3A_71 = tpu.vector_load %arg6[%swap3A_69, %swap3A_70] {strides = array<i32>} : memref<128x128xf32, #tpu.memory_space<vmem>>, vector<1x16xf32>,
      %swap3A_72 = vector.shape_cast %swap3A_71 : vector<1x16xf32> to vector<16xf32>
      %swap3A_73 = vector.shape_cast %broadcast_in_dim3A_1 : vector<16xf32> to vector<1x16xf32>
      tpu.vector_store %arg6[%swap3A_69, %swap3A_70], %swap3A_73 {strides = array<i32>} : memref<128x128xf32, #tpu.memory_space<vmem>>, vector<1x16xf32>,
      %swap3A_74 = arith.index_cast %scan3A_53 : i32 to index
      %swap3A_75 = arith.constant 64 : index
      %swap3A_76 = tpu.vector_load %arg6[%swap3A_74, %swap3A_75] {strides = array<i32>} : memref<128x128xf32, #tpu.memory_space<vmem>>, vector<1x16xf32>,
      %swap3A_77 = vector.shape_cast %swap3A_76 : vector<1x16xf32> to vector<16xf32>
      %swap3A_78 = vector.shape_cast %broadcast_in_dim3A_1 : vector<16xf32> to vector<1x16xf32>
      tpu.vector_store %arg6[%swap3A_74, %swap3A_75], %swap3A_78 {strides = array<i32>} : memref<128x128xf32, #tpu.memory_space<vmem>>, vector<1x16xf32>,
      %swap3A_79 = arith.index_cast %scan3A_53 : i32 to index
      %swap3A_80 = arith.constant 80 : index
      %swap3A_81 = tpu.vector_load %arg6[%swap3A_79, %swap3A_80] {strides = array<i32>} : memref<128x128xf32, #tpu.memory_space<vmem>>, vector<1x16xf32>,
      %swap3A_82 = vector.shape_cast %swap3A_81 : vector<1x16xf32> to vector<16xf32>
      %swap3A_83 = vector.shape_cast %broadcast_in_dim3A_1 : vector<16xf32> to vector<1x16xf32>
      tpu.vector_store %arg6[%swap3A_79, %swap3A_80], %swap3A_83 {strides = array<i32>} : memref<128x128xf32, #tpu.memory_space<vmem>>, vector<1x16xf32>,
      %swap3A_84 = arith.index_cast %scan3A_53 : i32 to index
      %swap3A_85 = arith.constant 96 : index
      %swap3A_86 = tpu.vector_load %arg6[%swap3A_84, %swap3A_85] {strides = array<i32>} : memref<128x128xf32, #tpu.memory_space<vmem>>, vector<1x16xf32>,
      %swap3A_87 = vector.shape_cast %swap3A_86 : vector<1x16xf32> to vector<16xf32>
      %swap3A_88 = vector.shape_cast %broadcast_in_dim3A_1 : vector<16xf32> to vector<1x16xf32>
      tpu.vector_store %arg6[%swap3A_84, %swap3A_85], %swap3A_88 {strides = array<i32>} : memref<128x128xf32, #tpu.memory_space<vmem>>, vector<1x16xf32>,
      %swap3A_89 = arith.index_cast %scan3A_53 : i32 to index
      %swap3A_90 = arith.constant 112 : index
      %swap3A_91 = tpu.vector_load %arg6[%swap3A_89, %swap3A_90] {strides = array<i32>} : memref<128x128xf32, #tpu.memory_space<vmem>>, vector<1x16xf32>,
      %swap3A_92 = vector.shape_cast %swap3A_91 : vector<1x16xf32> to vector<16xf32>
      %swap3A_93 = vector.shape_cast %broadcast_in_dim3A_1 : vector<16xf32> to vector<1x16xf32>
      tpu.vector_store %arg6[%swap3A_89, %swap3A_90], %swap3A_93 {strides = array<i32>} : memref<128x128xf32, #tpu.memory_space<vmem>>, vector<1x16xf32>,
      %scan3A_94 = arith.constant 0 : i32
      scf.yield %scan3A_94 : i32
    }
    %scan3A_7 = arith.constant 128 : i32
    %mul3A_8 = arith.constant 640 : i32
    %mul3A_9 = arith.muli %arg1, %mul3A_8 : i32
    %add3A_10 = arith.constant 0 : i32
    %add3A_11 = arith.addi %mul3A_9, %add3A_10 : i32
    "tpu.region"() ({
      %run_scoped3A = tpu.sem_alloc : memref<!tpu.dma_semaphore, #tpu.memory_space<semaphore_mem>>
      %dma_start3A = arith.constant 0 : i32
      %dma_start3A_53 = tpu.memref_slice %arg7[%add3A_11, %dma_start3A] : memref<10240x128xf32, #tpu.memory_space<vmem_shared>> -> memref<128x128xf32, #tpu.memory_space<vmem_shared>>
      %dma_start3A_54 = arith.constant 0 : i32
      %dma_start3A_55 = tpu.memref_slice %arg7[%add3A_11, %dma_start3A_54] : memref<10240x128xf32, #tpu.memory_space<vmem_shared>> -> memref<128x128xf32, #tpu.memory_space<vmem_shared>>
      tpu.enqueue_dma source(%arg6 : memref<128x128xf32, #tpu.memory_space<vmem>>) target(%dma_start3A_55 : memref<128x128xf32, #tpu.memory_space<vmem_shared>>) target_semaphore(%run_scoped3A : memref<!tpu.dma_semaphore, #tpu.memory_space<semaphore_mem>>)
      %dma_wait3A = arith.constant 0 : i32
      %dma_wait3A_56 = tpu.memref_slice %arg7[%add3A_11, %dma_wait3A] : memref<10240x128xf32, #tpu.memory_space<vmem_shared>> -> memref<128x128xf32, #tpu.memory_space<vmem_shared>>
      %dma_wait3A_57 = arith.constant 0 : i32
      %dma_wait3A_58 = tpu.memref_slice %arg7[%add3A_11, %dma_wait3A_57] : memref<10240x128xf32, #tpu.memory_space<vmem_shared>> -> memref<128x128xf32, #tpu.memory_space<vmem_shared>>
      tpu.wait_dma2 semaphore(%run_scoped3A : memref<!tpu.dma_semaphore, #tpu.memory_space<semaphore_mem>>) src(%arg6 : memref<128x128xf32, #tpu.memory_space<vmem>>) dst(%dma_wait3A_58 : memref<128x128xf32, #tpu.memory_space<vmem_shared>>)
      tpu.yield
    }) : () -> ()
    %add3A_12 = arith.constant 128 : i32
    %add3A_13 = arith.addi %mul3A_9, %add3A_12 : i32
    "tpu.region"() ({
      %run_scoped3A = tpu.sem_alloc : memref<!tpu.dma_semaphore, #tpu.memory_space<semaphore_mem>>
      %dma_start3A = arith.constant 0 : i32
      %dma_start3A_53 = tpu.memref_slice %arg7[%add3A_13, %dma_start3A] : memref<10240x128xf32, #tpu.memory_space<vmem_shared>> -> memref<128x128xf32, #tpu.memory_space<vmem_shared>>
      %dma_start3A_54 = arith.constant 0 : i32
      %dma_start3A_55 = tpu.memref_slice %arg7[%add3A_13, %dma_start3A_54] : memref<10240x128xf32, #tpu.memory_space<vmem_shared>> -> memref<128x128xf32, #tpu.memory_space<vmem_shared>>
      tpu.enqueue_dma source(%arg6 : memref<128x128xf32, #tpu.memory_space<vmem>>) target(%dma_start3A_55 : memref<128x128xf32, #tpu.memory_space<vmem_shared>>) target_semaphore(%run_scoped3A : memref<!tpu.dma_semaphore, #tpu.memory_space<semaphore_mem>>)
      %dma_wait3A = arith.constant 0 : i32
      %dma_wait3A_56 = tpu.memref_slice %arg7[%add3A_13, %dma_wait3A] : memref<10240x128xf32, #tpu.memory_space<vmem_shared>> -> memref<128x128xf32, #tpu.memory_space<vmem_shared>>
      %dma_wait3A_57 = arith.constant 0 : i32
      %dma_wait3A_58 = tpu.memref_slice %arg7[%add3A_13, %dma_wait3A_57] : memref<10240x128xf32, #tpu.memory_space<vmem_shared>> -> memref<128x128xf32, #tpu.memory_space<vmem_shared>>
      tpu.wait_dma2 semaphore(%run_scoped3A : memref<!tpu.dma_semaphore, #tpu.memory_space<semaphore_mem>>) src(%arg6 : memref<128x128xf32, #tpu.memory_space<vmem>>) dst(%dma_wait3A_58 : memref<128x128xf32, #tpu.memory_space<vmem_shared>>)
      tpu.yield
    }) : () -> ()
    %add3A_14 = arith.constant 256 : i32
    %add3A_15 = arith.addi %mul3A_9, %add3A_14 : i32
    "tpu.region"() ({
      %run_scoped3A = tpu.sem_alloc : memref<!tpu.dma_semaphore, #tpu.memory_space<semaphore_mem>>
      %dma_start3A = arith.constant 0 : i32
      %dma_start3A_53 = tpu.memref_slice %arg7[%add3A_15, %dma_start3A] : memref<10240x128xf32, #tpu.memory_space<vmem_shared>> -> memref<128x128xf32, #tpu.memory_space<vmem_shared>>
      %dma_start3A_54 = arith.constant 0 : i32
      %dma_start3A_55 = tpu.memref_slice %arg7[%add3A_15, %dma_start3A_54] : memref<10240x128xf32, #tpu.memory_space<vmem_shared>> -> memref<128x128xf32, #tpu.memory_space<vmem_shared>>
      tpu.enqueue_dma source(%arg6 : memref<128x128xf32, #tpu.memory_space<vmem>>) target(%dma_start3A_55 : memref<128x128xf32, #tpu.memory_space<vmem_shared>>) target_semaphore(%run_scoped3A : memref<!tpu.dma_semaphore, #tpu.memory_space<semaphore_mem>>)
      %dma_wait3A = arith.constant 0 : i32
      %dma_wait3A_56 = tpu.memref_slice %arg7[%add3A_15, %dma_wait3A] : memref<10240x128xf32, #tpu.memory_space<vmem_shared>> -> memref<128x128xf32, #tpu.memory_space<vmem_shared>>
      %dma_wait3A_57 = arith.constant 0 : i32
      %dma_wait3A_58 = tpu.memref_slice %arg7[%add3A_15, %dma_wait3A_57] : memref<10240x128xf32, #tpu.memory_space<vmem_shared>> -> memref<128x128xf32, #tpu.memory_space<vmem_shared>>
      tpu.wait_dma2 semaphore(%run_scoped3A : memref<!tpu.dma_semaphore, #tpu.memory_space<semaphore_mem>>) src(%arg6 : memref<128x128xf32, #tpu.memory_space<vmem>>) dst(%dma_wait3A_58 : memref<128x128xf32, #tpu.memory_space<vmem_shared>>)
      tpu.yield
    }) : () -> ()
    %add3A_16 = arith.constant 384 : i32
    %add3A_17 = arith.addi %mul3A_9, %add3A_16 : i32
    "tpu.region"() ({
      %run_scoped3A = tpu.sem_alloc : memref<!tpu.dma_semaphore, #tpu.memory_space<semaphore_mem>>
      %dma_start3A = arith.constant 0 : i32
      %dma_start3A_53 = tpu.memref_slice %arg7[%add3A_17, %dma_start3A] : memref<10240x128xf32, #tpu.memory_space<vmem_shared>> -> memref<128x128xf32, #tpu.memory_space<vmem_shared>>
      %dma_start3A_54 = arith.constant 0 : i32
      %dma_start3A_55 = tpu.memref_slice %arg7[%add3A_17, %dma_start3A_54] : memref<10240x128xf32, #tpu.memory_space<vmem_shared>> -> memref<128x128xf32, #tpu.memory_space<vmem_shared>>
      tpu.enqueue_dma source(%arg6 : memref<128x128xf32, #tpu.memory_space<vmem>>) target(%dma_start3A_55 : memref<128x128xf32, #tpu.memory_space<vmem_shared>>) target_semaphore(%run_scoped3A : memref<!tpu.dma_semaphore, #tpu.memory_space<semaphore_mem>>)
      %dma_wait3A = arith.constant 0 : i32
      %dma_wait3A_56 = tpu.memref_slice %arg7[%add3A_17, %dma_wait3A] : memref<10240x128xf32, #tpu.memory_space<vmem_shared>> -> memref<128x128xf32, #tpu.memory_space<vmem_shared>>
      %dma_wait3A_57 = arith.constant 0 : i32
      %dma_wait3A_58 = tpu.memref_slice %arg7[%add3A_17, %dma_wait3A_57] : memref<10240x128xf32, #tpu.memory_space<vmem_shared>> -> memref<128x128xf32, #tpu.memory_space<vmem_shared>>
      tpu.wait_dma2 semaphore(%run_scoped3A : memref<!tpu.dma_semaphore, #tpu.memory_space<semaphore_mem>>) src(%arg6 : memref<128x128xf32, #tpu.memory_space<vmem>>) dst(%dma_wait3A_58 : memref<128x128xf32, #tpu.memory_space<vmem_shared>>)
      tpu.yield
    }) : () -> ()
    %add3A_18 = arith.constant 512 : i32
    %add3A_19 = arith.addi %mul3A_9, %add3A_18 : i32
    "tpu.region"() ({
      %run_scoped3A = tpu.sem_alloc : memref<!tpu.dma_semaphore, #tpu.memory_space<semaphore_mem>>
      %dma_start3A = arith.constant 0 : i32
      %dma_start3A_53 = tpu.memref_slice %arg7[%add3A_19, %dma_start3A] : memref<10240x128xf32, #tpu.memory_space<vmem_shared>> -> memref<128x128xf32, #tpu.memory_space<vmem_shared>>
      %dma_start3A_54 = arith.constant 0 : i32
      %dma_start3A_55 = tpu.memref_slice %arg7[%add3A_19, %dma_start3A_54] : memref<10240x128xf32, #tpu.memory_space<vmem_shared>> -> memref<128x128xf32, #tpu.memory_space<vmem_shared>>
      tpu.enqueue_dma source(%arg6 : memref<128x128xf32, #tpu.memory_space<vmem>>) target(%dma_start3A_55 : memref<128x128xf32, #tpu.memory_space<vmem_shared>>) target_semaphore(%run_scoped3A : memref<!tpu.dma_semaphore, #tpu.memory_space<semaphore_mem>>)
      %dma_wait3A = arith.constant 0 : i32
      %dma_wait3A_56 = tpu.memref_slice %arg7[%add3A_19, %dma_wait3A] : memref<10240x128xf32, #tpu.memory_space<vmem_shared>> -> memref<128x128xf32, #tpu.memory_space<vmem_shared>>
      %dma_wait3A_57 = arith.constant 0 : i32
      %dma_wait3A_58 = tpu.memref_slice %arg7[%add3A_19, %dma_wait3A_57] : memref<10240x128xf32, #tpu.memory_space<vmem_shared>> -> memref<128x128xf32, #tpu.memory_space<vmem_shared>>
      tpu.wait_dma2 semaphore(%run_scoped3A : memref<!tpu.dma_semaphore, #tpu.memory_space<semaphore_mem>>) src(%arg6 : memref<128x128xf32, #tpu.memory_space<vmem>>) dst(%dma_wait3A_58 : memref<128x128xf32, #tpu.memory_space<vmem_shared>>)
      tpu.yield
    }) : () -> ()
    %barrier3A = arith.constant 0 : index
    tpu.barrier barrier_id(%barrier3A)
    %eq3A = arith.constant 0 : i32
    %eq3A_20 = arith.cmpi eq, %arg0, %eq3A : i32
    %jit3A = arith.constant 102 : i32
    %jit3A_21 = arith.constant 56 : i32
    %select_n3A = arith.select %eq3A_20, %jit3A, %jit3A_21 : i32
    %eq3A_22 = arith.constant 0 : i32
    %eq3A_23 = arith.cmpi eq, %arg0, %eq3A_22 : i32
    %mul3A_24 = arith.constant 102 : i32
    %mul3A_25 = arith.muli %arg1, %mul3A_24 : i32
    %mul3A_26 = arith.constant 56 : i32
    %mul3A_27 = arith.muli %arg1, %mul3A_26 : i32
    %add3A_28 = arith.constant 1632 : i32
    %add3A_29 = arith.addi %add3A_28, %mul3A_27 : i32
    %select_n3A_30 = arith.select %eq3A_23, %mul3A_25, %add3A_29 : i32
    %while3A = arith.constant 0 : i32
    %while3A_31 = arith.constant 0 : i32
    %while3A_32 = arith.subi %select_n3A, %while3A : i32
    %while3A_33 = arith.addi %while3A, %while3A_32 : i32
    %while3A_34 = arith.constant 1 : i32
    %while3A_35 = arith.divsi %while3A_32, %while3A_34 : i32
    %while3A_36 = arith.muli %while3A_35, %while3A_34 : i32
    %while3A_37 = arith.addi %while3A, %while3A_36 : i32
    %while3A_38 = arith.constant 1 : i32
    %while3A_39 = scf.for %while3A_53 = %while3A to %while3A_37 step %while3A_38 iter_args(%while3A_54 = %while3A_31) -> (i32)  : i32 {
      %add3A_55 = arith.addi %select_n3A_30, %while3A_53 : i32
      "tpu.region"() ({
        %run_scoped3A_69 = tpu.sem_alloc : memref<!tpu.dma_semaphore, #tpu.memory_space<semaphore_mem>>
        %dma_start3A_70 = arith.constant 0 : i32
        %dma_start3A_71 = arith.constant 0 : i32
        %dma_start3A_72 = tpu.memref_slice %arg2[%add3A_55, %dma_start3A_70, %dma_start3A_71] : memref<2528x2x128xi32, #tpu.memory_space<hbm>> -> memref<1x2x128xi32, #tpu.memory_space<hbm>>
        %dma_start3A_73 = tpu.memref_squeeze %dma_start3A_72 : memref<1x2x128xi32, #tpu.memory_space<hbm>> -> memref<2x128xi32, #tpu.memory_space<hbm>>
        %dma_start3A_74 = arith.constant 0 : i32
        %dma_start3A_75 = arith.constant 0 : i32
        %dma_start3A_76 = tpu.memref_slice %arg2[%add3A_55, %dma_start3A_74, %dma_start3A_75] : memref<2528x2x128xi32, #tpu.memory_space<hbm>> -> memref<1x2x128xi32, #tpu.memory_space<hbm>>
        %dma_start3A_77 = tpu.memref_squeeze %dma_start3A_76 : memref<1x2x128xi32, #tpu.memory_space<hbm>> -> memref<2x128xi32, #tpu.memory_space<hbm>>
        tpu.enqueue_dma source(%dma_start3A_77 : memref<2x128xi32, #tpu.memory_space<hbm>>) target(%arg5 : memref<2x128xi32, #tpu.memory_space<vmem>>) target_semaphore(%run_scoped3A_69 : memref<!tpu.dma_semaphore, #tpu.memory_space<semaphore_mem>>)
        %dma_wait3A_78 = arith.constant 0 : i32
        %dma_wait3A_79 = arith.constant 0 : i32
        %dma_wait3A_80 = tpu.memref_slice %arg2[%add3A_55, %dma_wait3A_78, %dma_wait3A_79] : memref<2528x2x128xi32, #tpu.memory_space<hbm>> -> memref<1x2x128xi32, #tpu.memory_space<hbm>>
        %dma_wait3A_81 = tpu.memref_squeeze %dma_wait3A_80 : memref<1x2x128xi32, #tpu.memory_space<hbm>> -> memref<2x128xi32, #tpu.memory_space<hbm>>
        %dma_wait3A_82 = arith.constant 0 : i32
        %dma_wait3A_83 = arith.constant 0 : i32
        %dma_wait3A_84 = tpu.memref_slice %arg2[%add3A_55, %dma_wait3A_82, %dma_wait3A_83] : memref<2528x2x128xi32, #tpu.memory_space<hbm>> -> memref<1x2x128xi32, #tpu.memory_space<hbm>>
        %dma_wait3A_85 = tpu.memref_squeeze %dma_wait3A_84 : memref<1x2x128xi32, #tpu.memory_space<hbm>> -> memref<2x128xi32, #tpu.memory_space<hbm>>
        tpu.wait_dma2 semaphore(%run_scoped3A_69 : memref<!tpu.dma_semaphore, #tpu.memory_space<semaphore_mem>>) src(%dma_wait3A_85 : memref<2x128xi32, #tpu.memory_space<hbm>>) dst(%arg5 : memref<2x128xi32, #tpu.memory_space<vmem>>)
        tpu.yield
      }) : () -> ()
      %dma_start3A = arith.constant 0 : i32
      %dma_start3A_56 = arith.constant 0 : i32
      %dma_start3A_57 = tpu.memref_slice %arg5[%dma_start3A, %dma_start3A_56] : memref<2x128xi32, #tpu.memory_space<vmem>> -> memref<1x128xi32, #tpu.memory_space<vmem>>
      %dma_start3A_58 = tpu.memref_squeeze %dma_start3A_57 : memref<1x128xi32, #tpu.memory_space<vmem>> -> memref<128xi32, #tpu.memory_space<vmem>>
      %dma_start3A_59 = arith.constant 0 : i32
      %dma_start3A_60 = arith.constant 0 : i32
      %dma_start3A_61 = tpu.memref_slice %arg3[%dma_start3A_59, %dma_start3A_60] : memref<10240x128xf32, #tpu.memory_space<hbm>> -> memref<10240x128xf32, #tpu.memory_space<hbm>>
      tpu.enqueue_indirect_dma source(%dma_start3A_61 : memref<10240x128xf32, #tpu.memory_space<hbm>>) target(%arg6 : memref<128x128xf32, #tpu.memory_space<vmem>>) offsets(%dma_start3A_58 : memref<128xi32, #tpu.memory_space<vmem>>) semaphore(%arg8 : memref<!tpu.dma_semaphore, #tpu.memory_space<semaphore_mem>>)
      %dma_wait3A = arith.constant 0 : i32
      %dma_wait3A_62 = arith.constant 0 : i32
      %dma_wait3A_63 = tpu.memref_slice %arg5[%dma_wait3A, %dma_wait3A_62] : memref<2x128xi32, #tpu.memory_space<vmem>> -> memref<1x128xi32, #tpu.memory_space<vmem>>
      %dma_wait3A_64 = tpu.memref_squeeze %dma_wait3A_63 : memref<1x128xi32, #tpu.memory_space<vmem>> -> memref<128xi32, #tpu.memory_space<vmem>>
      %dma_wait3A_65 = arith.constant 0 : i32
      %dma_wait3A_66 = arith.constant 0 : i32
      %dma_wait3A_67 = tpu.memref_slice %arg3[%dma_wait3A_65, %dma_wait3A_66] : memref<10240x128xf32, #tpu.memory_space<hbm>> -> memref<10240x128xf32, #tpu.memory_space<hbm>>
      tpu.wait_indirect_dma semaphore(%arg8 : memref<!tpu.dma_semaphore, #tpu.memory_space<semaphore_mem>>) src(%dma_wait3A_67 : memref<10240x128xf32, #tpu.memory_space<hbm>>) dst(%arg6 : memref<128x128xf32, #tpu.memory_space<vmem>>)
      %run_scoped3A = arith.constant 1 : i32
      "tpu.region"() ({
        %run_scoped3A_69 = tpu.sem_alloc : memref<!tpu.dma_semaphore, #tpu.memory_space<semaphore_mem>>
        %dma_start3A_70 = arith.constant 0 : i32
        %dma_start3A_71 = tpu.memref_slice %arg5[%run_scoped3A, %dma_start3A_70] : memref<2x128xi32, #tpu.memory_space<vmem>> -> memref<1x128xi32, #tpu.memory_space<vmem>>
        %dma_start3A_72 = tpu.memref_squeeze %dma_start3A_71 : memref<1x128xi32, #tpu.memory_space<vmem>> -> memref<128xi32, #tpu.memory_space<vmem>>
        %dma_start3A_73 = arith.constant 0 : i32
        %dma_start3A_74 = arith.constant 0 : i32
        %dma_start3A_75 = tpu.memref_slice %arg7[%dma_start3A_73, %dma_start3A_74] : memref<10240x128xf32, #tpu.memory_space<vmem_shared>> -> memref<10240x128xf32, #tpu.memory_space<vmem_shared>>
        tpu.enqueue_indirect_dma source(%arg6 : memref<128x128xf32, #tpu.memory_space<vmem>>) target(%dma_start3A_75 : memref<10240x128xf32, #tpu.memory_space<vmem_shared>>) offsets(%dma_start3A_72 : memref<128xi32, #tpu.memory_space<vmem>>) semaphore(%run_scoped3A_69 : memref<!tpu.dma_semaphore, #tpu.memory_space<semaphore_mem>>) {add = true}
        %dma_wait3A_76 = arith.constant 0 : i32
        %dma_wait3A_77 = tpu.memref_slice %arg5[%run_scoped3A, %dma_wait3A_76] : memref<2x128xi32, #tpu.memory_space<vmem>> -> memref<1x128xi32, #tpu.memory_space<vmem>>
        %dma_wait3A_78 = tpu.memref_squeeze %dma_wait3A_77 : memref<1x128xi32, #tpu.memory_space<vmem>> -> memref<128xi32, #tpu.memory_space<vmem>>
        %dma_wait3A_79 = arith.constant 0 : i32
        %dma_wait3A_80 = arith.constant 0 : i32
        %dma_wait3A_81 = tpu.memref_slice %arg7[%dma_wait3A_79, %dma_wait3A_80] : memref<10240x128xf32, #tpu.memory_space<vmem_shared>> -> memref<10240x128xf32, #tpu.memory_space<vmem_shared>>
        tpu.wait_indirect_dma semaphore(%run_scoped3A_69 : memref<!tpu.dma_semaphore, #tpu.memory_space<semaphore_mem>>) src(%arg6 : memref<128x128xf32, #tpu.memory_space<vmem>>) dst(%dma_wait3A_81 : memref<10240x128xf32, #tpu.memory_space<vmem_shared>>)
        tpu.yield
      }) : () -> ()
      %while3A_68 = arith.constant 0 : i32
      scf.yield %while3A_68 : i32
    }
    %while3A_40 = arith.constant 1 : i32
    %while3A_41 = scf.for %while3A_53 = %while3A_37 to %while3A_33 step %while3A_40 iter_args(%while3A_54 = %while3A_39) -> (i32)  : i32 {
      %add3A_55 = arith.addi %select_n3A_30, %while3A_53 : i32
      "tpu.region"() ({
        %run_scoped3A_69 = tpu.sem_alloc : memref<!tpu.dma_semaphore, #tpu.memory_space<semaphore_mem>>
        %dma_start3A_70 = arith.constant 0 : i32
        %dma_start3A_71 = arith.constant 0 : i32
        %dma_start3A_72 = tpu.memref_slice %arg2[%add3A_55, %dma_start3A_70, %dma_start3A_71] : memref<2528x2x128xi32, #tpu.memory_space<hbm>> -> memref<1x2x128xi32, #tpu.memory_space<hbm>>
        %dma_start3A_73 = tpu.memref_squeeze %dma_start3A_72 : memref<1x2x128xi32, #tpu.memory_space<hbm>> -> memref<2x128xi32, #tpu.memory_space<hbm>>
        %dma_start3A_74 = arith.constant 0 : i32
        %dma_start3A_75 = arith.constant 0 : i32
        %dma_start3A_76 = tpu.memref_slice %arg2[%add3A_55, %dma_start3A_74, %dma_start3A_75] : memref<2528x2x128xi32, #tpu.memory_space<hbm>> -> memref<1x2x128xi32, #tpu.memory_space<hbm>>
        %dma_start3A_77 = tpu.memref_squeeze %dma_start3A_76 : memref<1x2x128xi32, #tpu.memory_space<hbm>> -> memref<2x128xi32, #tpu.memory_space<hbm>>
        tpu.enqueue_dma source(%dma_start3A_77 : memref<2x128xi32, #tpu.memory_space<hbm>>) target(%arg5 : memref<2x128xi32, #tpu.memory_space<vmem>>) target_semaphore(%run_scoped3A_69 : memref<!tpu.dma_semaphore, #tpu.memory_space<semaphore_mem>>)
        %dma_wait3A_78 = arith.constant 0 : i32
        %dma_wait3A_79 = arith.constant 0 : i32
        %dma_wait3A_80 = tpu.memref_slice %arg2[%add3A_55, %dma_wait3A_78, %dma_wait3A_79] : memref<2528x2x128xi32, #tpu.memory_space<hbm>> -> memref<1x2x128xi32, #tpu.memory_space<hbm>>
        %dma_wait3A_81 = tpu.memref_squeeze %dma_wait3A_80 : memref<1x2x128xi32, #tpu.memory_space<hbm>> -> memref<2x128xi32, #tpu.memory_space<hbm>>
        %dma_wait3A_82 = arith.constant 0 : i32
        %dma_wait3A_83 = arith.constant 0 : i32
        %dma_wait3A_84 = tpu.memref_slice %arg2[%add3A_55, %dma_wait3A_82, %dma_wait3A_83] : memref<2528x2x128xi32, #tpu.memory_space<hbm>> -> memref<1x2x128xi32, #tpu.memory_space<hbm>>
        %dma_wait3A_85 = tpu.memref_squeeze %dma_wait3A_84 : memref<1x2x128xi32, #tpu.memory_space<hbm>> -> memref<2x128xi32, #tpu.memory_space<hbm>>
        tpu.wait_dma2 semaphore(%run_scoped3A_69 : memref<!tpu.dma_semaphore, #tpu.memory_space<semaphore_mem>>) src(%dma_wait3A_85 : memref<2x128xi32, #tpu.memory_space<hbm>>) dst(%arg5 : memref<2x128xi32, #tpu.memory_space<vmem>>)
        tpu.yield
      }) : () -> ()
      %dma_start3A = arith.constant 0 : i32
      %dma_start3A_56 = arith.constant 0 : i32
      %dma_start3A_57 = tpu.memref_slice %arg5[%dma_start3A, %dma_start3A_56] : memref<2x128xi32, #tpu.memory_space<vmem>> -> memref<1x128xi32, #tpu.memory_space<vmem>>
      %dma_start3A_58 = tpu.memref_squeeze %dma_start3A_57 : memref<1x128xi32, #tpu.memory_space<vmem>> -> memref<128xi32, #tpu.memory_space<vmem>>
      %dma_start3A_59 = arith.constant 0 : i32
      %dma_start3A_60 = arith.constant 0 : i32
      %dma_start3A_61 = tpu.memref_slice %arg3[%dma_start3A_59, %dma_start3A_60] : memref<10240x128xf32, #tpu.memory_space<hbm>> -> memref<10240x128xf32, #tpu.memory_space<hbm>>
      tpu.enqueue_indirect_dma source(%dma_start3A_61 : memref<10240x128xf32, #tpu.memory_space<hbm>>) target(%arg6 : memref<128x128xf32, #tpu.memory_space<vmem>>) offsets(%dma_start3A_58 : memref<128xi32, #tpu.memory_space<vmem>>) semaphore(%arg8 : memref<!tpu.dma_semaphore, #tpu.memory_space<semaphore_mem>>)
      %dma_wait3A = arith.constant 0 : i32
      %dma_wait3A_62 = arith.constant 0 : i32
      %dma_wait3A_63 = tpu.memref_slice %arg5[%dma_wait3A, %dma_wait3A_62] : memref<2x128xi32, #tpu.memory_space<vmem>> -> memref<1x128xi32, #tpu.memory_space<vmem>>
      %dma_wait3A_64 = tpu.memref_squeeze %dma_wait3A_63 : memref<1x128xi32, #tpu.memory_space<vmem>> -> memref<128xi32, #tpu.memory_space<vmem>>
      %dma_wait3A_65 = arith.constant 0 : i32
      %dma_wait3A_66 = arith.constant 0 : i32
      %dma_wait3A_67 = tpu.memref_slice %arg3[%dma_wait3A_65, %dma_wait3A_66] : memref<10240x128xf32, #tpu.memory_space<hbm>> -> memref<10240x128xf32, #tpu.memory_space<hbm>>
      tpu.wait_indirect_dma semaphore(%arg8 : memref<!tpu.dma_semaphore, #tpu.memory_space<semaphore_mem>>) src(%dma_wait3A_67 : memref<10240x128xf32, #tpu.memory_space<hbm>>) dst(%arg6 : memref<128x128xf32, #tpu.memory_space<vmem>>)
      %run_scoped3A = arith.constant 1 : i32
      "tpu.region"() ({
        %run_scoped3A_69 = tpu.sem_alloc : memref<!tpu.dma_semaphore, #tpu.memory_space<semaphore_mem>>
        %dma_start3A_70 = arith.constant 0 : i32
        %dma_start3A_71 = tpu.memref_slice %arg5[%run_scoped3A, %dma_start3A_70] : memref<2x128xi32, #tpu.memory_space<vmem>> -> memref<1x128xi32, #tpu.memory_space<vmem>>
        %dma_start3A_72 = tpu.memref_squeeze %dma_start3A_71 : memref<1x128xi32, #tpu.memory_space<vmem>> -> memref<128xi32, #tpu.memory_space<vmem>>
        %dma_start3A_73 = arith.constant 0 : i32
        %dma_start3A_74 = arith.constant 0 : i32
        %dma_start3A_75 = tpu.memref_slice %arg7[%dma_start3A_73, %dma_start3A_74] : memref<10240x128xf32, #tpu.memory_space<vmem_shared>> -> memref<10240x128xf32, #tpu.memory_space<vmem_shared>>
        tpu.enqueue_indirect_dma source(%arg6 : memref<128x128xf32, #tpu.memory_space<vmem>>) target(%dma_start3A_75 : memref<10240x128xf32, #tpu.memory_space<vmem_shared>>) offsets(%dma_start3A_72 : memref<128xi32, #tpu.memory_space<vmem>>) semaphore(%run_scoped3A_69 : memref<!tpu.dma_semaphore, #tpu.memory_space<semaphore_mem>>) {add = true}
        %dma_wait3A_76 = arith.constant 0 : i32
        %dma_wait3A_77 = tpu.memref_slice %arg5[%run_scoped3A, %dma_wait3A_76] : memref<2x128xi32, #tpu.memory_space<vmem>> -> memref<1x128xi32, #tpu.memory_space<vmem>>
        %dma_wait3A_78 = tpu.memref_squeeze %dma_wait3A_77 : memref<1x128xi32, #tpu.memory_space<vmem>> -> memref<128xi32, #tpu.memory_space<vmem>>
        %dma_wait3A_79 = arith.constant 0 : i32
        %dma_wait3A_80 = arith.constant 0 : i32
        %dma_wait3A_81 = tpu.memref_slice %arg7[%dma_wait3A_79, %dma_wait3A_80] : memref<10240x128xf32, #tpu.memory_space<vmem_shared>> -> memref<10240x128xf32, #tpu.memory_space<vmem_shared>>
        tpu.wait_indirect_dma semaphore(%run_scoped3A_69 : memref<!tpu.dma_semaphore, #tpu.memory_space<semaphore_mem>>) src(%arg6 : memref<128x128xf32, #tpu.memory_space<vmem>>) dst(%dma_wait3A_81 : memref<10240x128xf32, #tpu.memory_space<vmem_shared>>)
        tpu.yield
      }) : () -> ()
      %while3A_68 = arith.constant 0 : i32
      scf.yield %while3A_68 : i32
    }
    %barrier3A_42 = arith.constant 0 : index
    tpu.barrier barrier_id(%barrier3A_42)
    %add3A_43 = arith.constant 0 : i32
    %add3A_44 = arith.addi %mul3A_9, %add3A_43 : i32
    "tpu.region"() ({
      %run_scoped3A = tpu.sem_alloc : memref<!tpu.dma_semaphore, #tpu.memory_space<semaphore_mem>>
      %dma_start3A = arith.constant 0 : i32
      %dma_start3A_53 = tpu.memref_slice %arg7[%add3A_44, %dma_start3A] : memref<10240x128xf32, #tpu.memory_space<vmem_shared>> -> memref<128x128xf32, #tpu.memory_space<vmem_shared>>
      %dma_start3A_54 = arith.constant 0 : i32
      %dma_start3A_55 = tpu.memref_slice %arg7[%add3A_44, %dma_start3A_54] : memref<10240x128xf32, #tpu.memory_space<vmem_shared>> -> memref<128x128xf32, #tpu.memory_space<vmem_shared>>
      tpu.enqueue_dma source(%dma_start3A_55 : memref<128x128xf32, #tpu.memory_space<vmem_shared>>) target(%arg6 : memref<128x128xf32, #tpu.memory_space<vmem>>) target_semaphore(%run_scoped3A : memref<!tpu.dma_semaphore, #tpu.memory_space<semaphore_mem>>)
      %dma_wait3A = arith.constant 0 : i32
      %dma_wait3A_56 = tpu.memref_slice %arg7[%add3A_44, %dma_wait3A] : memref<10240x128xf32, #tpu.memory_space<vmem_shared>> -> memref<128x128xf32, #tpu.memory_space<vmem_shared>>
      %dma_wait3A_57 = arith.constant 0 : i32
      %dma_wait3A_58 = tpu.memref_slice %arg7[%add3A_44, %dma_wait3A_57] : memref<10240x128xf32, #tpu.memory_space<vmem_shared>> -> memref<128x128xf32, #tpu.memory_space<vmem_shared>>
      tpu.wait_dma2 semaphore(%run_scoped3A : memref<!tpu.dma_semaphore, #tpu.memory_space<semaphore_mem>>) src(%dma_wait3A_58 : memref<128x128xf32, #tpu.memory_space<vmem_shared>>) dst(%arg6 : memref<128x128xf32, #tpu.memory_space<vmem>>)
      tpu.yield
    }) : () -> ()
    "tpu.region"() ({
      %run_scoped3A = tpu.sem_alloc : memref<!tpu.dma_semaphore, #tpu.memory_space<semaphore_mem>>
      %dma_start3A = arith.constant 0 : i32
      %dma_start3A_53 = tpu.memref_slice %arg4[%arg0, %add3A_44, %dma_start3A] : memref<2x10240x128xf32, #tpu.memory_space<hbm>> -> memref<1x128x128xf32, #tpu.memory_space<hbm>>
      %dma_start3A_54 = tpu.memref_squeeze %dma_start3A_53 : memref<1x128x128xf32, #tpu.memory_space<hbm>> -> memref<128x128xf32, #tpu.memory_space<hbm>>
      %dma_start3A_55 = arith.constant 0 : i32
      %dma_start3A_56 = tpu.memref_slice %arg4[%arg0, %add3A_44, %dma_start3A_55] : memref<2x10240x128xf32, #tpu.memory_space<hbm>> -> memref<1x128x128xf32, #tpu.memory_space<hbm>>
      %dma_start3A_57 = tpu.memref_squeeze %dma_start3A_56 : memref<1x128x128xf32, #tpu.memory_space<hbm>> -> memref<128x128xf32, #tpu.memory_space<hbm>>
      tpu.enqueue_dma source(%arg6 : memref<128x128xf32, #tpu.memory_space<vmem>>) target(%dma_start3A_57 : memref<128x128xf32, #tpu.memory_space<hbm>>) target_semaphore(%run_scoped3A : memref<!tpu.dma_semaphore, #tpu.memory_space<semaphore_mem>>)
      %dma_wait3A = arith.constant 0 : i32
      %dma_wait3A_58 = tpu.memref_slice %arg4[%arg0, %add3A_44, %dma_wait3A] : memref<2x10240x128xf32, #tpu.memory_space<hbm>> -> memref<1x128x128xf32, #tpu.memory_space<hbm>>
      %dma_wait3A_59 = tpu.memref_squeeze %dma_wait3A_58 : memref<1x128x128xf32, #tpu.memory_space<hbm>> -> memref<128x128xf32, #tpu.memory_space<hbm>>
      %dma_wait3A_60 = arith.constant 0 : i32
      %dma_wait3A_61 = tpu.memref_slice %arg4[%arg0, %add3A_44, %dma_wait3A_60] : memref<2x10240x128xf32, #tpu.memory_space<hbm>> -> memref<1x128x128xf32, #tpu.memory_space<hbm>>
      %dma_wait3A_62 = tpu.memref_squeeze %dma_wait3A_61 : memref<1x128x128xf32, #tpu.memory_space<hbm>> -> memref<128x128xf32, #tpu.memory_space<hbm>>
      tpu.wait_dma2 semaphore(%run_scoped3A : memref<!tpu.dma_semaphore, #tpu.memory_space<semaphore_mem>>) src(%arg6 : memref<128x128xf32, #tpu.memory_space<vmem>>) dst(%dma_wait3A_62 : memref<128x128xf32, #tpu.memory_space<hbm>>)
      tpu.yield
    }) : () -> ()
    %add3A_45 = arith.constant 128 : i32
    %add3A_46 = arith.addi %mul3A_9, %add3A_45 : i32
    "tpu.region"() ({
      %run_scoped3A = tpu.sem_alloc : memref<!tpu.dma_semaphore, #tpu.memory_space<semaphore_mem>>
      %dma_start3A = arith.constant 0 : i32
      %dma_start3A_53 = tpu.memref_slice %arg7[%add3A_46, %dma_start3A] : memref<10240x128xf32, #tpu.memory_space<vmem_shared>> -> memref<128x128xf32, #tpu.memory_space<vmem_shared>>
      %dma_start3A_54 = arith.constant 0 : i32
      %dma_start3A_55 = tpu.memref_slice %arg7[%add3A_46, %dma_start3A_54] : memref<10240x128xf32, #tpu.memory_space<vmem_shared>> -> memref<128x128xf32, #tpu.memory_space<vmem_shared>>
      tpu.enqueue_dma source(%dma_start3A_55 : memref<128x128xf32, #tpu.memory_space<vmem_shared>>) target(%arg6 : memref<128x128xf32, #tpu.memory_space<vmem>>) target_semaphore(%run_scoped3A : memref<!tpu.dma_semaphore, #tpu.memory_space<semaphore_mem>>)
      %dma_wait3A = arith.constant 0 : i32
      %dma_wait3A_56 = tpu.memref_slice %arg7[%add3A_46, %dma_wait3A] : memref<10240x128xf32, #tpu.memory_space<vmem_shared>> -> memref<128x128xf32, #tpu.memory_space<vmem_shared>>
      %dma_wait3A_57 = arith.constant 0 : i32
      %dma_wait3A_58 = tpu.memref_slice %arg7[%add3A_46, %dma_wait3A_57] : memref<10240x128xf32, #tpu.memory_space<vmem_shared>> -> memref<128x128xf32, #tpu.memory_space<vmem_shared>>
      tpu.wait_dma2 semaphore(%run_scoped3A : memref<!tpu.dma_semaphore, #tpu.memory_space<semaphore_mem>>) src(%dma_wait3A_58 : memref<128x128xf32, #tpu.memory_space<vmem_shared>>) dst(%arg6 : memref<128x128xf32, #tpu.memory_space<vmem>>)
      tpu.yield
    }) : () -> ()
    "tpu.region"() ({
      %run_scoped3A = tpu.sem_alloc : memref<!tpu.dma_semaphore, #tpu.memory_space<semaphore_mem>>
      %dma_start3A = arith.constant 0 : i32
      %dma_start3A_53 = tpu.memref_slice %arg4[%arg0, %add3A_46, %dma_start3A] : memref<2x10240x128xf32, #tpu.memory_space<hbm>> -> memref<1x128x128xf32, #tpu.memory_space<hbm>>
      %dma_start3A_54 = tpu.memref_squeeze %dma_start3A_53 : memref<1x128x128xf32, #tpu.memory_space<hbm>> -> memref<128x128xf32, #tpu.memory_space<hbm>>
      %dma_start3A_55 = arith.constant 0 : i32
      %dma_start3A_56 = tpu.memref_slice %arg4[%arg0, %add3A_46, %dma_start3A_55] : memref<2x10240x128xf32, #tpu.memory_space<hbm>> -> memref<1x128x128xf32, #tpu.memory_space<hbm>>
      %dma_start3A_57 = tpu.memref_squeeze %dma_start3A_56 : memref<1x128x128xf32, #tpu.memory_space<hbm>> -> memref<128x128xf32, #tpu.memory_space<hbm>>
      tpu.enqueue_dma source(%arg6 : memref<128x128xf32, #tpu.memory_space<vmem>>) target(%dma_start3A_57 : memref<128x128xf32, #tpu.memory_space<hbm>>) target_semaphore(%run_scoped3A : memref<!tpu.dma_semaphore, #tpu.memory_space<semaphore_mem>>)
      %dma_wait3A = arith.constant 0 : i32
      %dma_wait3A_58 = tpu.memref_slice %arg4[%arg0, %add3A_46, %dma_wait3A] : memref<2x10240x128xf32, #tpu.memory_space<hbm>> -> memref<1x128x128xf32, #tpu.memory_space<hbm>>
      %dma_wait3A_59 = tpu.memref_squeeze %dma_wait3A_58 : memref<1x128x128xf32, #tpu.memory_space<hbm>> -> memref<128x128xf32, #tpu.memory_space<hbm>>
      %dma_wait3A_60 = arith.constant 0 : i32
      %dma_wait3A_61 = tpu.memref_slice %arg4[%arg0, %add3A_46, %dma_wait3A_60] : memref<2x10240x128xf32, #tpu.memory_space<hbm>> -> memref<1x128x128xf32, #tpu.memory_space<hbm>>
      %dma_wait3A_62 = tpu.memref_squeeze %dma_wait3A_61 : memref<1x128x128xf32, #tpu.memory_space<hbm>> -> memref<128x128xf32, #tpu.memory_space<hbm>>
      tpu.wait_dma2 semaphore(%run_scoped3A : memref<!tpu.dma_semaphore, #tpu.memory_space<semaphore_mem>>) src(%arg6 : memref<128x128xf32, #tpu.memory_space<vmem>>) dst(%dma_wait3A_62 : memref<128x128xf32, #tpu.memory_space<hbm>>)
      tpu.yield
    }) : () -> ()
    %add3A_47 = arith.constant 256 : i32
    %add3A_48 = arith.addi %mul3A_9, %add3A_47 : i32
    "tpu.region"() ({
      %run_scoped3A = tpu.sem_alloc : memref<!tpu.dma_semaphore, #tpu.memory_space<semaphore_mem>>
      %dma_start3A = arith.constant 0 : i32
      %dma_start3A_53 = tpu.memref_slice %arg7[%add3A_48, %dma_start3A] : memref<10240x128xf32, #tpu.memory_space<vmem_shared>> -> memref<128x128xf32, #tpu.memory_space<vmem_shared>>
      %dma_start3A_54 = arith.constant 0 : i32
      %dma_start3A_55 = tpu.memref_slice %arg7[%add3A_48, %dma_start3A_54] : memref<10240x128xf32, #tpu.memory_space<vmem_shared>> -> memref<128x128xf32, #tpu.memory_space<vmem_shared>>
      tpu.enqueue_dma source(%dma_start3A_55 : memref<128x128xf32, #tpu.memory_space<vmem_shared>>) target(%arg6 : memref<128x128xf32, #tpu.memory_space<vmem>>) target_semaphore(%run_scoped3A : memref<!tpu.dma_semaphore, #tpu.memory_space<semaphore_mem>>)
      %dma_wait3A = arith.constant 0 : i32
      %dma_wait3A_56 = tpu.memref_slice %arg7[%add3A_48, %dma_wait3A] : memref<10240x128xf32, #tpu.memory_space<vmem_shared>> -> memref<128x128xf32, #tpu.memory_space<vmem_shared>>
      %dma_wait3A_57 = arith.constant 0 : i32
      %dma_wait3A_58 = tpu.memref_slice %arg7[%add3A_48, %dma_wait3A_57] : memref<10240x128xf32, #tpu.memory_space<vmem_shared>> -> memref<128x128xf32, #tpu.memory_space<vmem_shared>>
      tpu.wait_dma2 semaphore(%run_scoped3A : memref<!tpu.dma_semaphore, #tpu.memory_space<semaphore_mem>>) src(%dma_wait3A_58 : memref<128x128xf32, #tpu.memory_space<vmem_shared>>) dst(%arg6 : memref<128x128xf32, #tpu.memory_space<vmem>>)
      tpu.yield
    }) : () -> ()
    "tpu.region"() ({
      %run_scoped3A = tpu.sem_alloc : memref<!tpu.dma_semaphore, #tpu.memory_space<semaphore_mem>>
      %dma_start3A = arith.constant 0 : i32
      %dma_start3A_53 = tpu.memref_slice %arg4[%arg0, %add3A_48, %dma_start3A] : memref<2x10240x128xf32, #tpu.memory_space<hbm>> -> memref<1x128x128xf32, #tpu.memory_space<hbm>>
      %dma_start3A_54 = tpu.memref_squeeze %dma_start3A_53 : memref<1x128x128xf32, #tpu.memory_space<hbm>> -> memref<128x128xf32, #tpu.memory_space<hbm>>
      %dma_start3A_55 = arith.constant 0 : i32
      %dma_start3A_56 = tpu.memref_slice %arg4[%arg0, %add3A_48, %dma_start3A_55] : memref<2x10240x128xf32, #tpu.memory_space<hbm>> -> memref<1x128x128xf32, #tpu.memory_space<hbm>>
      %dma_start3A_57 = tpu.memref_squeeze %dma_start3A_56 : memref<1x128x128xf32, #tpu.memory_space<hbm>> -> memref<128x128xf32, #tpu.memory_space<hbm>>
      tpu.enqueue_dma source(%arg6 : memref<128x128xf32, #tpu.memory_space<vmem>>) target(%dma_start3A_57 : memref<128x128xf32, #tpu.memory_space<hbm>>) target_semaphore(%run_scoped3A : memref<!tpu.dma_semaphore, #tpu.memory_space<semaphore_mem>>)
      %dma_wait3A = arith.constant 0 : i32
      %dma_wait3A_58 = tpu.memref_slice %arg4[%arg0, %add3A_48, %dma_wait3A] : memref<2x10240x128xf32, #tpu.memory_space<hbm>> -> memref<1x128x128xf32, #tpu.memory_space<hbm>>
      %dma_wait3A_59 = tpu.memref_squeeze %dma_wait3A_58 : memref<1x128x128xf32, #tpu.memory_space<hbm>> -> memref<128x128xf32, #tpu.memory_space<hbm>>
      %dma_wait3A_60 = arith.constant 0 : i32
      %dma_wait3A_61 = tpu.memref_slice %arg4[%arg0, %add3A_48, %dma_wait3A_60] : memref<2x10240x128xf32, #tpu.memory_space<hbm>> -> memref<1x128x128xf32, #tpu.memory_space<hbm>>
      %dma_wait3A_62 = tpu.memref_squeeze %dma_wait3A_61 : memref<1x128x128xf32, #tpu.memory_space<hbm>> -> memref<128x128xf32, #tpu.memory_space<hbm>>
      tpu.wait_dma2 semaphore(%run_scoped3A : memref<!tpu.dma_semaphore, #tpu.memory_space<semaphore_mem>>) src(%arg6 : memref<128x128xf32, #tpu.memory_space<vmem>>) dst(%dma_wait3A_62 : memref<128x128xf32, #tpu.memory_space<hbm>>)
      tpu.yield
    }) : () -> ()
    %add3A_49 = arith.constant 384 : i32
    %add3A_50 = arith.addi %mul3A_9, %add3A_49 : i32
    "tpu.region"() ({
      %run_scoped3A = tpu.sem_alloc : memref<!tpu.dma_semaphore, #tpu.memory_space<semaphore_mem>>
      %dma_start3A = arith.constant 0 : i32
      %dma_start3A_53 = tpu.memref_slice %arg7[%add3A_50, %dma_start3A] : memref<10240x128xf32, #tpu.memory_space<vmem_shared>> -> memref<128x128xf32, #tpu.memory_space<vmem_shared>>
      %dma_start3A_54 = arith.constant 0 : i32
      %dma_start3A_55 = tpu.memref_slice %arg7[%add3A_50, %dma_start3A_54] : memref<10240x128xf32, #tpu.memory_space<vmem_shared>> -> memref<128x128xf32, #tpu.memory_space<vmem_shared>>
      tpu.enqueue_dma source(%dma_start3A_55 : memref<128x128xf32, #tpu.memory_space<vmem_shared>>) target(%arg6 : memref<128x128xf32, #tpu.memory_space<vmem>>) target_semaphore(%run_scoped3A : memref<!tpu.dma_semaphore, #tpu.memory_space<semaphore_mem>>)
      %dma_wait3A = arith.constant 0 : i32
      %dma_wait3A_56 = tpu.memref_slice %arg7[%add3A_50, %dma_wait3A] : memref<10240x128xf32, #tpu.memory_space<vmem_shared>> -> memref<128x128xf32, #tpu.memory_space<vmem_shared>>
      %dma_wait3A_57 = arith.constant 0 : i32
      %dma_wait3A_58 = tpu.memref_slice %arg7[%add3A_50, %dma_wait3A_57] : memref<10240x128xf32, #tpu.memory_space<vmem_shared>> -> memref<128x128xf32, #tpu.memory_space<vmem_shared>>
      tpu.wait_dma2 semaphore(%run_scoped3A : memref<!tpu.dma_semaphore, #tpu.memory_space<semaphore_mem>>) src(%dma_wait3A_58 : memref<128x128xf32, #tpu.memory_space<vmem_shared>>) dst(%arg6 : memref<128x128xf32, #tpu.memory_space<vmem>>)
      tpu.yield
    }) : () -> ()
    "tpu.region"() ({
      %run_scoped3A = tpu.sem_alloc : memref<!tpu.dma_semaphore, #tpu.memory_space<semaphore_mem>>
      %dma_start3A = arith.constant 0 : i32
      %dma_start3A_53 = tpu.memref_slice %arg4[%arg0, %add3A_50, %dma_start3A] : memref<2x10240x128xf32, #tpu.memory_space<hbm>> -> memref<1x128x128xf32, #tpu.memory_space<hbm>>
      %dma_start3A_54 = tpu.memref_squeeze %dma_start3A_53 : memref<1x128x128xf32, #tpu.memory_space<hbm>> -> memref<128x128xf32, #tpu.memory_space<hbm>>
      %dma_start3A_55 = arith.constant 0 : i32
      %dma_start3A_56 = tpu.memref_slice %arg4[%arg0, %add3A_50, %dma_start3A_55] : memref<2x10240x128xf32, #tpu.memory_space<hbm>> -> memref<1x128x128xf32, #tpu.memory_space<hbm>>
      %dma_start3A_57 = tpu.memref_squeeze %dma_start3A_56 : memref<1x128x128xf32, #tpu.memory_space<hbm>> -> memref<128x128xf32, #tpu.memory_space<hbm>>
      tpu.enqueue_dma source(%arg6 : memref<128x128xf32, #tpu.memory_space<vmem>>) target(%dma_start3A_57 : memref<128x128xf32, #tpu.memory_space<hbm>>) target_semaphore(%run_scoped3A : memref<!tpu.dma_semaphore, #tpu.memory_space<semaphore_mem>>)
      %dma_wait3A = arith.constant 0 : i32
      %dma_wait3A_58 = tpu.memref_slice %arg4[%arg0, %add3A_50, %dma_wait3A] : memref<2x10240x128xf32, #tpu.memory_space<hbm>> -> memref<1x128x128xf32, #tpu.memory_space<hbm>>
      %dma_wait3A_59 = tpu.memref_squeeze %dma_wait3A_58 : memref<1x128x128xf32, #tpu.memory_space<hbm>> -> memref<128x128xf32, #tpu.memory_space<hbm>>
      %dma_wait3A_60 = arith.constant 0 : i32
      %dma_wait3A_61 = tpu.memref_slice %arg4[%arg0, %add3A_50, %dma_wait3A_60] : memref<2x10240x128xf32, #tpu.memory_space<hbm>> -> memref<1x128x128xf32, #tpu.memory_space<hbm>>
      %dma_wait3A_62 = tpu.memref_squeeze %dma_wait3A_61 : memref<1x128x128xf32, #tpu.memory_space<hbm>> -> memref<128x128xf32, #tpu.memory_space<hbm>>
      tpu.wait_dma2 semaphore(%run_scoped3A : memref<!tpu.dma_semaphore, #tpu.memory_space<semaphore_mem>>) src(%arg6 : memref<128x128xf32, #tpu.memory_space<vmem>>) dst(%dma_wait3A_62 : memref<128x128xf32, #tpu.memory_space<hbm>>)
      tpu.yield
    }) : () -> ()
    %add3A_51 = arith.constant 512 : i32
    %add3A_52 = arith.addi %mul3A_9, %add3A_51 : i32
    "tpu.region"() ({
      %run_scoped3A = tpu.sem_alloc : memref<!tpu.dma_semaphore, #tpu.memory_space<semaphore_mem>>
      %dma_start3A = arith.constant 0 : i32
      %dma_start3A_53 = tpu.memref_slice %arg7[%add3A_52, %dma_start3A] : memref<10240x128xf32, #tpu.memory_space<vmem_shared>> -> memref<128x128xf32, #tpu.memory_space<vmem_shared>>
      %dma_start3A_54 = arith.constant 0 : i32
      %dma_start3A_55 = tpu.memref_slice %arg7[%add3A_52, %dma_start3A_54] : memref<10240x128xf32, #tpu.memory_space<vmem_shared>> -> memref<128x128xf32, #tpu.memory_space<vmem_shared>>
      tpu.enqueue_dma source(%dma_start3A_55 : memref<128x128xf32, #tpu.memory_space<vmem_shared>>) target(%arg6 : memref<128x128xf32, #tpu.memory_space<vmem>>) target_semaphore(%run_scoped3A : memref<!tpu.dma_semaphore, #tpu.memory_space<semaphore_mem>>)
      %dma_wait3A = arith.constant 0 : i32
      %dma_wait3A_56 = tpu.memref_slice %arg7[%add3A_52, %dma_wait3A] : memref<10240x128xf32, #tpu.memory_space<vmem_shared>> -> memref<128x128xf32, #tpu.memory_space<vmem_shared>>
      %dma_wait3A_57 = arith.constant 0 : i32
      %dma_wait3A_58 = tpu.memref_slice %arg7[%add3A_52, %dma_wait3A_57] : memref<10240x128xf32, #tpu.memory_space<vmem_shared>> -> memref<128x128xf32, #tpu.memory_space<vmem_shared>>
      tpu.wait_dma2 semaphore(%run_scoped3A : memref<!tpu.dma_semaphore, #tpu.memory_space<semaphore_mem>>) src(%dma_wait3A_58 : memref<128x128xf32, #tpu.memory_space<vmem_shared>>) dst(%arg6 : memref<128x128xf32, #tpu.memory_space<vmem>>)
      tpu.yield
    }) : () -> ()
    "tpu.region"() ({
      %run_scoped3A = tpu.sem_alloc : memref<!tpu.dma_semaphore, #tpu.memory_space<semaphore_mem>>
      %dma_start3A = arith.constant 0 : i32
      %dma_start3A_53 = tpu.memref_slice %arg4[%arg0, %add3A_52, %dma_start3A] : memref<2x10240x128xf32, #tpu.memory_space<hbm>> -> memref<1x128x128xf32, #tpu.memory_space<hbm>>
      %dma_start3A_54 = tpu.memref_squeeze %dma_start3A_53 : memref<1x128x128xf32, #tpu.memory_space<hbm>> -> memref<128x128xf32, #tpu.memory_space<hbm>>
      %dma_start3A_55 = arith.constant 0 : i32
      %dma_start3A_56 = tpu.memref_slice %arg4[%arg0, %add3A_52, %dma_start3A_55] : memref<2x10240x128xf32, #tpu.memory_space<hbm>> -> memref<1x128x128xf32, #tpu.memory_space<hbm>>
      %dma_start3A_57 = tpu.memref_squeeze %dma_start3A_56 : memref<1x128x128xf32, #tpu.memory_space<hbm>> -> memref<128x128xf32, #tpu.memory_space<hbm>>
      tpu.enqueue_dma source(%arg6 : memref<128x128xf32, #tpu.memory_space<vmem>>) target(%dma_start3A_57 : memref<128x128xf32, #tpu.memory_space<hbm>>) target_semaphore(%run_scoped3A : memref<!tpu.dma_semaphore, #tpu.memory_space<semaphore_mem>>)
      %dma_wait3A = arith.constant 0 : i32
      %dma_wait3A_58 = tpu.memref_slice %arg4[%arg0, %add3A_52, %dma_wait3A] : memref<2x10240x128xf32, #tpu.memory_space<hbm>> -> memref<1x128x128xf32, #tpu.memory_space<hbm>>
      %dma_wait3A_59 = tpu.memref_squeeze %dma_wait3A_58 : memref<1x128x128xf32, #tpu.memory_space<hbm>> -> memref<128x128xf32, #tpu.memory_space<hbm>>
      %dma_wait3A_60 = arith.constant 0 : i32
      %dma_wait3A_61 = tpu.memref_slice %arg4[%arg0, %add3A_52, %dma_wait3A_60] : memref<2x10240x128xf32, #tpu.memory_space<hbm>> -> memref<1x128x128xf32, #tpu.memory_space<hbm>>
      %dma_wait3A_62 = tpu.memref_squeeze %dma_wait3A_61 : memref<1x128x128xf32, #tpu.memory_space<hbm>> -> memref<128x128xf32, #tpu.memory_space<hbm>>
      tpu.wait_dma2 semaphore(%run_scoped3A : memref<!tpu.dma_semaphore, #tpu.memory_space<semaphore_mem>>) src(%arg6 : memref<128x128xf32, #tpu.memory_space<vmem>>) dst(%dma_wait3A_62 : memref<128x128xf32, #tpu.memory_space<hbm>>)
      tpu.yield
    }) : () -> ()
    return
  }
}

#map = affine_map<(d0, d1) -> (0, 0, 0)>
#map1 = affine_map<(d0, d1) -> (0, 0)>
module attributes {stable_mosaic.version = 14 : i64} {
  func.func @k(%arg0: i32, %arg1: i32, %arg2: memref<32x79x128xi32, #tpu.memory_space<hbm>>, %arg3: memref<2x10240xf32, #tpu.memory_space<hbm>>, %arg4: memref<79x128xi32, #tpu.memory_space<vmem>>, %arg5: memref<128xf32, #tpu.memory_space<vmem>>, %arg6: memref<128xf32, #tpu.memory_space<vmem>>, %arg7: memref<10240xf32, #tpu.memory_space<vmem_shared>>) attributes {dimension_semantics = [#tpu.dimension_semantics<core_parallel>, #tpu.dimension_semantics<subcore_parallel>], iteration_bounds = array<i64: 2, 16>, scalar_prefetch = 0 : i64, scratch_operands = 4 : i64, tpu.core_type = #tpu.core_type<sc_vector_subcore>, window_params = [{transform_indices = #map}, {transform_indices = #map1}]} {
    %mul3A = arith.constant 16 : i32
    %mul3A_0 = arith.muli %arg0, %mul3A : i32
    %add3A = arith.addi %mul3A_0, %arg1 : i32
    "tpu.region"() ({
      %run_scoped3A = tpu.sem_alloc : memref<!tpu.dma_semaphore, #tpu.memory_space<semaphore_mem>>
      %dma_start3A = arith.constant 0 : i32
      %dma_start3A_96 = arith.constant 0 : i32
      %dma_start3A_97 = tpu.memref_slice %arg2[%add3A, %dma_start3A, %dma_start3A_96] : memref<32x79x128xi32, #tpu.memory_space<hbm>> -> memref<1x79x128xi32, #tpu.memory_space<hbm>>
      %dma_start3A_98 = tpu.memref_squeeze %dma_start3A_97 : memref<1x79x128xi32, #tpu.memory_space<hbm>> -> memref<79x128xi32, #tpu.memory_space<hbm>>
      %dma_start3A_99 = arith.constant 0 : i32
      %dma_start3A_100 = arith.constant 0 : i32
      %dma_start3A_101 = tpu.memref_slice %arg2[%add3A, %dma_start3A_99, %dma_start3A_100] : memref<32x79x128xi32, #tpu.memory_space<hbm>> -> memref<1x79x128xi32, #tpu.memory_space<hbm>>
      %dma_start3A_102 = tpu.memref_squeeze %dma_start3A_101 : memref<1x79x128xi32, #tpu.memory_space<hbm>> -> memref<79x128xi32, #tpu.memory_space<hbm>>
      tpu.enqueue_dma source(%dma_start3A_102 : memref<79x128xi32, #tpu.memory_space<hbm>>) target(%arg4 : memref<79x128xi32, #tpu.memory_space<vmem>>) target_semaphore(%run_scoped3A : memref<!tpu.dma_semaphore, #tpu.memory_space<semaphore_mem>>)
      %dma_wait3A = arith.constant 0 : i32
      %dma_wait3A_103 = arith.constant 0 : i32
      %dma_wait3A_104 = tpu.memref_slice %arg2[%add3A, %dma_wait3A, %dma_wait3A_103] : memref<32x79x128xi32, #tpu.memory_space<hbm>> -> memref<1x79x128xi32, #tpu.memory_space<hbm>>
      %dma_wait3A_105 = tpu.memref_squeeze %dma_wait3A_104 : memref<1x79x128xi32, #tpu.memory_space<hbm>> -> memref<79x128xi32, #tpu.memory_space<hbm>>
      %dma_wait3A_106 = arith.constant 0 : i32
      %dma_wait3A_107 = arith.constant 0 : i32
      %dma_wait3A_108 = tpu.memref_slice %arg2[%add3A, %dma_wait3A_106, %dma_wait3A_107] : memref<32x79x128xi32, #tpu.memory_space<hbm>> -> memref<1x79x128xi32, #tpu.memory_space<hbm>>
      %dma_wait3A_109 = tpu.memref_squeeze %dma_wait3A_108 : memref<1x79x128xi32, #tpu.memory_space<hbm>> -> memref<79x128xi32, #tpu.memory_space<hbm>>
      tpu.wait_dma2 semaphore(%run_scoped3A : memref<!tpu.dma_semaphore, #tpu.memory_space<semaphore_mem>>) src(%dma_wait3A_109 : memref<79x128xi32, #tpu.memory_space<hbm>>) dst(%arg4 : memref<79x128xi32, #tpu.memory_space<vmem>>)
      tpu.yield
    }) : () -> ()
    %broadcast_in_dim3A = arith.constant 1.000000e+00 : f32
    %broadcast_in_dim3A_1 = vector.broadcast %broadcast_in_dim3A : f32 to vector<16xf32>
    %broadcast_in_dim3A_2 = arith.constant 0.000000e+00 : f32
    %broadcast_in_dim3A_3 = vector.broadcast %broadcast_in_dim3A_2 : f32 to vector<16xf32>
    %swap3A = arith.constant 0 : index
    %swap3A_4 = tpu.vector_load %arg5[%swap3A] {strides = array<i32>} : memref<128xf32, #tpu.memory_space<vmem>>, vector<16xf32>,
    %swap3A_5 = vector.shape_cast %swap3A_4 : vector<16xf32> to vector<16xf32>
    %swap3A_6 = vector.shape_cast %broadcast_in_dim3A_1 : vector<16xf32> to vector<16xf32>
    tpu.vector_store %arg5[%swap3A], %swap3A_6 {strides = array<i32>} : memref<128xf32, #tpu.memory_space<vmem>>, vector<16xf32>,
    %swap3A_7 = arith.constant 0 : index
    %swap3A_8 = tpu.vector_load %arg6[%swap3A_7] {strides = array<i32>} : memref<128xf32, #tpu.memory_space<vmem>>, vector<16xf32>,
    %swap3A_9 = vector.shape_cast %swap3A_8 : vector<16xf32> to vector<16xf32>
    %swap3A_10 = vector.shape_cast %broadcast_in_dim3A_3 : vector<16xf32> to vector<16xf32>
    tpu.vector_store %arg6[%swap3A_7], %swap3A_10 {strides = array<i32>} : memref<128xf32, #tpu.memory_space<vmem>>, vector<16xf32>,
    %swap3A_11 = arith.constant 16 : index
    %swap3A_12 = tpu.vector_load %arg5[%swap3A_11] {strides = array<i32>} : memref<128xf32, #tpu.memory_space<vmem>>, vector<16xf32>,
    %swap3A_13 = vector.shape_cast %swap3A_12 : vector<16xf32> to vector<16xf32>
    %swap3A_14 = vector.shape_cast %broadcast_in_dim3A_1 : vector<16xf32> to vector<16xf32>
    tpu.vector_store %arg5[%swap3A_11], %swap3A_14 {strides = array<i32>} : memref<128xf32, #tpu.memory_space<vmem>>, vector<16xf32>,
    %swap3A_15 = arith.constant 16 : index
    %swap3A_16 = tpu.vector_load %arg6[%swap3A_15] {strides = array<i32>} : memref<128xf32, #tpu.memory_space<vmem>>, vector<16xf32>,
    %swap3A_17 = vector.shape_cast %swap3A_16 : vector<16xf32> to vector<16xf32>
    %swap3A_18 = vector.shape_cast %broadcast_in_dim3A_3 : vector<16xf32> to vector<16xf32>
    tpu.vector_store %arg6[%swap3A_15], %swap3A_18 {strides = array<i32>} : memref<128xf32, #tpu.memory_space<vmem>>, vector<16xf32>,
    %swap3A_19 = arith.constant 32 : index
    %swap3A_20 = tpu.vector_load %arg5[%swap3A_19] {strides = array<i32>} : memref<128xf32, #tpu.memory_space<vmem>>, vector<16xf32>,
    %swap3A_21 = vector.shape_cast %swap3A_20 : vector<16xf32> to vector<16xf32>
    %swap3A_22 = vector.shape_cast %broadcast_in_dim3A_1 : vector<16xf32> to vector<16xf32>
    tpu.vector_store %arg5[%swap3A_19], %swap3A_22 {strides = array<i32>} : memref<128xf32, #tpu.memory_space<vmem>>, vector<16xf32>,
    %swap3A_23 = arith.constant 32 : index
    %swap3A_24 = tpu.vector_load %arg6[%swap3A_23] {strides = array<i32>} : memref<128xf32, #tpu.memory_space<vmem>>, vector<16xf32>,
    %swap3A_25 = vector.shape_cast %swap3A_24 : vector<16xf32> to vector<16xf32>
    %swap3A_26 = vector.shape_cast %broadcast_in_dim3A_3 : vector<16xf32> to vector<16xf32>
    tpu.vector_store %arg6[%swap3A_23], %swap3A_26 {strides = array<i32>} : memref<128xf32, #tpu.memory_space<vmem>>, vector<16xf32>,
    %swap3A_27 = arith.constant 48 : index
    %swap3A_28 = tpu.vector_load %arg5[%swap3A_27] {strides = array<i32>} : memref<128xf32, #tpu.memory_space<vmem>>, vector<16xf32>,
    %swap3A_29 = vector.shape_cast %swap3A_28 : vector<16xf32> to vector<16xf32>
    %swap3A_30 = vector.shape_cast %broadcast_in_dim3A_1 : vector<16xf32> to vector<16xf32>
    tpu.vector_store %arg5[%swap3A_27], %swap3A_30 {strides = array<i32>} : memref<128xf32, #tpu.memory_space<vmem>>, vector<16xf32>,
    %swap3A_31 = arith.constant 48 : index
    %swap3A_32 = tpu.vector_load %arg6[%swap3A_31] {strides = array<i32>} : memref<128xf32, #tpu.memory_space<vmem>>, vector<16xf32>,
    %swap3A_33 = vector.shape_cast %swap3A_32 : vector<16xf32> to vector<16xf32>
    %swap3A_34 = vector.shape_cast %broadcast_in_dim3A_3 : vector<16xf32> to vector<16xf32>
    tpu.vector_store %arg6[%swap3A_31], %swap3A_34 {strides = array<i32>} : memref<128xf32, #tpu.memory_space<vmem>>, vector<16xf32>,
    %swap3A_35 = arith.constant 64 : index
    %swap3A_36 = tpu.vector_load %arg5[%swap3A_35] {strides = array<i32>} : memref<128xf32, #tpu.memory_space<vmem>>, vector<16xf32>,
    %swap3A_37 = vector.shape_cast %swap3A_36 : vector<16xf32> to vector<16xf32>
    %swap3A_38 = vector.shape_cast %broadcast_in_dim3A_1 : vector<16xf32> to vector<16xf32>
    tpu.vector_store %arg5[%swap3A_35], %swap3A_38 {strides = array<i32>} : memref<128xf32, #tpu.memory_space<vmem>>, vector<16xf32>,
    %swap3A_39 = arith.constant 64 : index
    %swap3A_40 = tpu.vector_load %arg6[%swap3A_39] {strides = array<i32>} : memref<128xf32, #tpu.memory_space<vmem>>, vector<16xf32>,
    %swap3A_41 = vector.shape_cast %swap3A_40 : vector<16xf32> to vector<16xf32>
    %swap3A_42 = vector.shape_cast %broadcast_in_dim3A_3 : vector<16xf32> to vector<16xf32>
    tpu.vector_store %arg6[%swap3A_39], %swap3A_42 {strides = array<i32>} : memref<128xf32, #tpu.memory_space<vmem>>, vector<16xf32>,
    %swap3A_43 = arith.constant 80 : index
    %swap3A_44 = tpu.vector_load %arg5[%swap3A_43] {strides = array<i32>} : memref<128xf32, #tpu.memory_space<vmem>>, vector<16xf32>,
    %swap3A_45 = vector.shape_cast %swap3A_44 : vector<16xf32> to vector<16xf32>
    %swap3A_46 = vector.shape_cast %broadcast_in_dim3A_1 : vector<16xf32> to vector<16xf32>
    tpu.vector_store %arg5[%swap3A_43], %swap3A_46 {strides = array<i32>} : memref<128xf32, #tpu.memory_space<vmem>>, vector<16xf32>,
    %swap3A_47 = arith.constant 80 : index
    %swap3A_48 = tpu.vector_load %arg6[%swap3A_47] {strides = array<i32>} : memref<128xf32, #tpu.memory_space<vmem>>, vector<16xf32>,
    %swap3A_49 = vector.shape_cast %swap3A_48 : vector<16xf32> to vector<16xf32>
    %swap3A_50 = vector.shape_cast %broadcast_in_dim3A_3 : vector<16xf32> to vector<16xf32>
    tpu.vector_store %arg6[%swap3A_47], %swap3A_50 {strides = array<i32>} : memref<128xf32, #tpu.memory_space<vmem>>, vector<16xf32>,
    %swap3A_51 = arith.constant 96 : index
    %swap3A_52 = tpu.vector_load %arg5[%swap3A_51] {strides = array<i32>} : memref<128xf32, #tpu.memory_space<vmem>>, vector<16xf32>,
    %swap3A_53 = vector.shape_cast %swap3A_52 : vector<16xf32> to vector<16xf32>
    %swap3A_54 = vector.shape_cast %broadcast_in_dim3A_1 : vector<16xf32> to vector<16xf32>
    tpu.vector_store %arg5[%swap3A_51], %swap3A_54 {strides = array<i32>} : memref<128xf32, #tpu.memory_space<vmem>>, vector<16xf32>,
    %swap3A_55 = arith.constant 96 : index
    %swap3A_56 = tpu.vector_load %arg6[%swap3A_55] {strides = array<i32>} : memref<128xf32, #tpu.memory_space<vmem>>, vector<16xf32>,
    %swap3A_57 = vector.shape_cast %swap3A_56 : vector<16xf32> to vector<16xf32>
    %swap3A_58 = vector.shape_cast %broadcast_in_dim3A_3 : vector<16xf32> to vector<16xf32>
    tpu.vector_store %arg6[%swap3A_55], %swap3A_58 {strides = array<i32>} : memref<128xf32, #tpu.memory_space<vmem>>, vector<16xf32>,
    %swap3A_59 = arith.constant 112 : index
    %swap3A_60 = tpu.vector_load %arg5[%swap3A_59] {strides = array<i32>} : memref<128xf32, #tpu.memory_space<vmem>>, vector<16xf32>,
    %swap3A_61 = vector.shape_cast %swap3A_60 : vector<16xf32> to vector<16xf32>
    %swap3A_62 = vector.shape_cast %broadcast_in_dim3A_1 : vector<16xf32> to vector<16xf32>
    tpu.vector_store %arg5[%swap3A_59], %swap3A_62 {strides = array<i32>} : memref<128xf32, #tpu.memory_space<vmem>>, vector<16xf32>,
    %swap3A_63 = arith.constant 112 : index
    %swap3A_64 = tpu.vector_load %arg6[%swap3A_63] {strides = array<i32>} : memref<128xf32, #tpu.memory_space<vmem>>, vector<16xf32>,
    %swap3A_65 = vector.shape_cast %swap3A_64 : vector<16xf32> to vector<16xf32>
    %swap3A_66 = vector.shape_cast %broadcast_in_dim3A_3 : vector<16xf32> to vector<16xf32>
    tpu.vector_store %arg6[%swap3A_63], %swap3A_66 {strides = array<i32>} : memref<128xf32, #tpu.memory_space<vmem>>, vector<16xf32>,
    %mul3A_67 = arith.constant 640 : i32
    %mul3A_68 = arith.muli %arg1, %mul3A_67 : i32
    %add3A_69 = arith.constant 0 : i32
    %add3A_70 = arith.addi %mul3A_68, %add3A_69 : i32
    "tpu.region"() ({
      %run_scoped3A = tpu.sem_alloc : memref<!tpu.dma_semaphore, #tpu.memory_space<semaphore_mem>>
      %dma_start3A = tpu.memref_slice %arg7[%add3A_70] : memref<10240xf32, #tpu.memory_space<vmem_shared>> -> memref<128xf32, #tpu.memory_space<vmem_shared>>
      %dma_start3A_96 = tpu.memref_slice %arg7[%add3A_70] : memref<10240xf32, #tpu.memory_space<vmem_shared>> -> memref<128xf32, #tpu.memory_space<vmem_shared>>
      tpu.enqueue_dma source(%arg6 : memref<128xf32, #tpu.memory_space<vmem>>) target(%dma_start3A_96 : memref<128xf32, #tpu.memory_space<vmem_shared>>) target_semaphore(%run_scoped3A : memref<!tpu.dma_semaphore, #tpu.memory_space<semaphore_mem>>)
      %dma_wait3A = tpu.memref_slice %arg7[%add3A_70] : memref<10240xf32, #tpu.memory_space<vmem_shared>> -> memref<128xf32, #tpu.memory_space<vmem_shared>>
      %dma_wait3A_97 = tpu.memref_slice %arg7[%add3A_70] : memref<10240xf32, #tpu.memory_space<vmem_shared>> -> memref<128xf32, #tpu.memory_space<vmem_shared>>
      tpu.wait_dma2 semaphore(%run_scoped3A : memref<!tpu.dma_semaphore, #tpu.memory_space<semaphore_mem>>) src(%arg6 : memref<128xf32, #tpu.memory_space<vmem>>) dst(%dma_wait3A_97 : memref<128xf32, #tpu.memory_space<vmem_shared>>)
      tpu.yield
    }) : () -> ()
    %add3A_71 = arith.constant 128 : i32
    %add3A_72 = arith.addi %mul3A_68, %add3A_71 : i32
    "tpu.region"() ({
      %run_scoped3A = tpu.sem_alloc : memref<!tpu.dma_semaphore, #tpu.memory_space<semaphore_mem>>
      %dma_start3A = tpu.memref_slice %arg7[%add3A_72] : memref<10240xf32, #tpu.memory_space<vmem_shared>> -> memref<128xf32, #tpu.memory_space<vmem_shared>>
      %dma_start3A_96 = tpu.memref_slice %arg7[%add3A_72] : memref<10240xf32, #tpu.memory_space<vmem_shared>> -> memref<128xf32, #tpu.memory_space<vmem_shared>>
      tpu.enqueue_dma source(%arg6 : memref<128xf32, #tpu.memory_space<vmem>>) target(%dma_start3A_96 : memref<128xf32, #tpu.memory_space<vmem_shared>>) target_semaphore(%run_scoped3A : memref<!tpu.dma_semaphore, #tpu.memory_space<semaphore_mem>>)
      %dma_wait3A = tpu.memref_slice %arg7[%add3A_72] : memref<10240xf32, #tpu.memory_space<vmem_shared>> -> memref<128xf32, #tpu.memory_space<vmem_shared>>
      %dma_wait3A_97 = tpu.memref_slice %arg7[%add3A_72] : memref<10240xf32, #tpu.memory_space<vmem_shared>> -> memref<128xf32, #tpu.memory_space<vmem_shared>>
      tpu.wait_dma2 semaphore(%run_scoped3A : memref<!tpu.dma_semaphore, #tpu.memory_space<semaphore_mem>>) src(%arg6 : memref<128xf32, #tpu.memory_space<vmem>>) dst(%dma_wait3A_97 : memref<128xf32, #tpu.memory_space<vmem_shared>>)
      tpu.yield
    }) : () -> ()
    %add3A_73 = arith.constant 256 : i32
    %add3A_74 = arith.addi %mul3A_68, %add3A_73 : i32
    "tpu.region"() ({
      %run_scoped3A = tpu.sem_alloc : memref<!tpu.dma_semaphore, #tpu.memory_space<semaphore_mem>>
      %dma_start3A = tpu.memref_slice %arg7[%add3A_74] : memref<10240xf32, #tpu.memory_space<vmem_shared>> -> memref<128xf32, #tpu.memory_space<vmem_shared>>
      %dma_start3A_96 = tpu.memref_slice %arg7[%add3A_74] : memref<10240xf32, #tpu.memory_space<vmem_shared>> -> memref<128xf32, #tpu.memory_space<vmem_shared>>
      tpu.enqueue_dma source(%arg6 : memref<128xf32, #tpu.memory_space<vmem>>) target(%dma_start3A_96 : memref<128xf32, #tpu.memory_space<vmem_shared>>) target_semaphore(%run_scoped3A : memref<!tpu.dma_semaphore, #tpu.memory_space<semaphore_mem>>)
      %dma_wait3A = tpu.memref_slice %arg7[%add3A_74] : memref<10240xf32, #tpu.memory_space<vmem_shared>> -> memref<128xf32, #tpu.memory_space<vmem_shared>>
      %dma_wait3A_97 = tpu.memref_slice %arg7[%add3A_74] : memref<10240xf32, #tpu.memory_space<vmem_shared>> -> memref<128xf32, #tpu.memory_space<vmem_shared>>
      tpu.wait_dma2 semaphore(%run_scoped3A : memref<!tpu.dma_semaphore, #tpu.memory_space<semaphore_mem>>) src(%arg6 : memref<128xf32, #tpu.memory_space<vmem>>) dst(%dma_wait3A_97 : memref<128xf32, #tpu.memory_space<vmem_shared>>)
      tpu.yield
    }) : () -> ()
    %add3A_75 = arith.constant 384 : i32
    %add3A_76 = arith.addi %mul3A_68, %add3A_75 : i32
    "tpu.region"() ({
      %run_scoped3A = tpu.sem_alloc : memref<!tpu.dma_semaphore, #tpu.memory_space<semaphore_mem>>
      %dma_start3A = tpu.memref_slice %arg7[%add3A_76] : memref<10240xf32, #tpu.memory_space<vmem_shared>> -> memref<128xf32, #tpu.memory_space<vmem_shared>>
      %dma_start3A_96 = tpu.memref_slice %arg7[%add3A_76] : memref<10240xf32, #tpu.memory_space<vmem_shared>> -> memref<128xf32, #tpu.memory_space<vmem_shared>>
      tpu.enqueue_dma source(%arg6 : memref<128xf32, #tpu.memory_space<vmem>>) target(%dma_start3A_96 : memref<128xf32, #tpu.memory_space<vmem_shared>>) target_semaphore(%run_scoped3A : memref<!tpu.dma_semaphore, #tpu.memory_space<semaphore_mem>>)
      %dma_wait3A = tpu.memref_slice %arg7[%add3A_76] : memref<10240xf32, #tpu.memory_space<vmem_shared>> -> memref<128xf32, #tpu.memory_space<vmem_shared>>
      %dma_wait3A_97 = tpu.memref_slice %arg7[%add3A_76] : memref<10240xf32, #tpu.memory_space<vmem_shared>> -> memref<128xf32, #tpu.memory_space<vmem_shared>>
      tpu.wait_dma2 semaphore(%run_scoped3A : memref<!tpu.dma_semaphore, #tpu.memory_space<semaphore_mem>>) src(%arg6 : memref<128xf32, #tpu.memory_space<vmem>>) dst(%dma_wait3A_97 : memref<128xf32, #tpu.memory_space<vmem_shared>>)
      tpu.yield
    }) : () -> ()
    %add3A_77 = arith.constant 512 : i32
    %add3A_78 = arith.addi %mul3A_68, %add3A_77 : i32
    "tpu.region"() ({
      %run_scoped3A = tpu.sem_alloc : memref<!tpu.dma_semaphore, #tpu.memory_space<semaphore_mem>>
      %dma_start3A = tpu.memref_slice %arg7[%add3A_78] : memref<10240xf32, #tpu.memory_space<vmem_shared>> -> memref<128xf32, #tpu.memory_space<vmem_shared>>
      %dma_start3A_96 = tpu.memref_slice %arg7[%add3A_78] : memref<10240xf32, #tpu.memory_space<vmem_shared>> -> memref<128xf32, #tpu.memory_space<vmem_shared>>
      tpu.enqueue_dma source(%arg6 : memref<128xf32, #tpu.memory_space<vmem>>) target(%dma_start3A_96 : memref<128xf32, #tpu.memory_space<vmem_shared>>) target_semaphore(%run_scoped3A : memref<!tpu.dma_semaphore, #tpu.memory_space<semaphore_mem>>)
      %dma_wait3A = tpu.memref_slice %arg7[%add3A_78] : memref<10240xf32, #tpu.memory_space<vmem_shared>> -> memref<128xf32, #tpu.memory_space<vmem_shared>>
      %dma_wait3A_97 = tpu.memref_slice %arg7[%add3A_78] : memref<10240xf32, #tpu.memory_space<vmem_shared>> -> memref<128xf32, #tpu.memory_space<vmem_shared>>
      tpu.wait_dma2 semaphore(%run_scoped3A : memref<!tpu.dma_semaphore, #tpu.memory_space<semaphore_mem>>) src(%arg6 : memref<128xf32, #tpu.memory_space<vmem>>) dst(%dma_wait3A_97 : memref<128xf32, #tpu.memory_space<vmem_shared>>)
      tpu.yield
    }) : () -> ()
    %barrier3A = arith.constant 0 : index
    tpu.barrier barrier_id(%barrier3A)
    %scan3A = arith.constant 0 : i32
    %scan3A_79 = arith.constant 0 : i32
    %scan3A_80 = arith.constant 79 : i32
    %scan3A_81 = arith.addi %scan3A_79, %scan3A_80 : i32
    %scan3A_82 = arith.constant 1 : i32
    %scan3A_83 = scf.for %scan3A_96 = %scan3A_79 to %scan3A_81 step %scan3A_82 iter_args(%scan3A_97 = %scan3A) -> (i32)  : i32 {
      "tpu.region"() ({
        %run_scoped3A = tpu.sem_alloc : memref<!tpu.dma_semaphore, #tpu.memory_space<semaphore_mem>>
        %dma_start3A = arith.constant 0 : i32
        %dma_start3A_99 = tpu.memref_slice %arg4[%scan3A_96, %dma_start3A] : memref<79x128xi32, #tpu.memory_space<vmem>> -> memref<1x128xi32, #tpu.memory_space<vmem>>
        %dma_start3A_100 = tpu.memref_squeeze %dma_start3A_99 : memref<1x128xi32, #tpu.memory_space<vmem>> -> memref<128xi32, #tpu.memory_space<vmem>>
        %dma_start3A_101 = arith.constant 0 : i32
        %dma_start3A_102 = tpu.memref_slice %arg7[%dma_start3A_101] : memref<10240xf32, #tpu.memory_space<vmem_shared>> -> memref<10240xf32, #tpu.memory_space<vmem_shared>>
        tpu.enqueue_indirect_dma source(%arg5 : memref<128xf32, #tpu.memory_space<vmem>>) target(%dma_start3A_102 : memref<10240xf32, #tpu.memory_space<vmem_shared>>) offsets(%dma_start3A_100 : memref<128xi32, #tpu.memory_space<vmem>>) semaphore(%run_scoped3A : memref<!tpu.dma_semaphore, #tpu.memory_space<semaphore_mem>>) {add = true}
        %dma_wait3A = arith.constant 0 : i32
        %dma_wait3A_103 = tpu.memref_slice %arg4[%scan3A_96, %dma_wait3A] : memref<79x128xi32, #tpu.memory_space<vmem>> -> memref<1x128xi32, #tpu.memory_space<vmem>>
        %dma_wait3A_104 = tpu.memref_squeeze %dma_wait3A_103 : memref<1x128xi32, #tpu.memory_space<vmem>> -> memref<128xi32, #tpu.memory_space<vmem>>
        %dma_wait3A_105 = arith.constant 0 : i32
        %dma_wait3A_106 = tpu.memref_slice %arg7[%dma_wait3A_105] : memref<10240xf32, #tpu.memory_space<vmem_shared>> -> memref<10240xf32, #tpu.memory_space<vmem_shared>>
        tpu.wait_indirect_dma semaphore(%run_scoped3A : memref<!tpu.dma_semaphore, #tpu.memory_space<semaphore_mem>>) src(%arg5 : memref<128xf32, #tpu.memory_space<vmem>>) dst(%dma_wait3A_106 : memref<10240xf32, #tpu.memory_space<vmem_shared>>)
        tpu.yield
      }) : () -> ()
      %scan3A_98 = arith.constant 0 : i32
      scf.yield %scan3A_98 : i32
    }
    %scan3A_84 = arith.constant 79 : i32
    %barrier3A_85 = arith.constant 0 : index
    tpu.barrier barrier_id(%barrier3A_85)
    %add3A_86 = arith.constant 0 : i32
    %add3A_87 = arith.addi %mul3A_68, %add3A_86 : i32
    "tpu.region"() ({
      %run_scoped3A = tpu.sem_alloc : memref<!tpu.dma_semaphore, #tpu.memory_space<semaphore_mem>>
      %dma_start3A = tpu.memref_slice %arg7[%add3A_87] : memref<10240xf32, #tpu.memory_space<vmem_shared>> -> memref<128xf32, #tpu.memory_space<vmem_shared>>
      %dma_start3A_96 = tpu.memref_slice %arg7[%add3A_87] : memref<10240xf32, #tpu.memory_space<vmem_shared>> -> memref<128xf32, #tpu.memory_space<vmem_shared>>
      tpu.enqueue_dma source(%dma_start3A_96 : memref<128xf32, #tpu.memory_space<vmem_shared>>) target(%arg6 : memref<128xf32, #tpu.memory_space<vmem>>) target_semaphore(%run_scoped3A : memref<!tpu.dma_semaphore, #tpu.memory_space<semaphore_mem>>)
      %dma_wait3A = tpu.memref_slice %arg7[%add3A_87] : memref<10240xf32, #tpu.memory_space<vmem_shared>> -> memref<128xf32, #tpu.memory_space<vmem_shared>>
      %dma_wait3A_97 = tpu.memref_slice %arg7[%add3A_87] : memref<10240xf32, #tpu.memory_space<vmem_shared>> -> memref<128xf32, #tpu.memory_space<vmem_shared>>
      tpu.wait_dma2 semaphore(%run_scoped3A : memref<!tpu.dma_semaphore, #tpu.memory_space<semaphore_mem>>) src(%dma_wait3A_97 : memref<128xf32, #tpu.memory_space<vmem_shared>>) dst(%arg6 : memref<128xf32, #tpu.memory_space<vmem>>)
      tpu.yield
    }) : () -> ()
    "tpu.region"() ({
      %run_scoped3A = tpu.sem_alloc : memref<!tpu.dma_semaphore, #tpu.memory_space<semaphore_mem>>
      %dma_start3A = tpu.memref_slice %arg3[%arg0, %add3A_87] : memref<2x10240xf32, #tpu.memory_space<hbm>> -> memref<1x128xf32, #tpu.memory_space<hbm>>
      %dma_start3A_96 = tpu.memref_squeeze %dma_start3A : memref<1x128xf32, #tpu.memory_space<hbm>> -> memref<128xf32, #tpu.memory_space<hbm>>
      %dma_start3A_97 = tpu.memref_slice %arg3[%arg0, %add3A_87] : memref<2x10240xf32, #tpu.memory_space<hbm>> -> memref<1x128xf32, #tpu.memory_space<hbm>>
      %dma_start3A_98 = tpu.memref_squeeze %dma_start3A_97 : memref<1x128xf32, #tpu.memory_space<hbm>> -> memref<128xf32, #tpu.memory_space<hbm>>
      tpu.enqueue_dma source(%arg6 : memref<128xf32, #tpu.memory_space<vmem>>) target(%dma_start3A_98 : memref<128xf32, #tpu.memory_space<hbm>>) target_semaphore(%run_scoped3A : memref<!tpu.dma_semaphore, #tpu.memory_space<semaphore_mem>>)
      %dma_wait3A = tpu.memref_slice %arg3[%arg0, %add3A_87] : memref<2x10240xf32, #tpu.memory_space<hbm>> -> memref<1x128xf32, #tpu.memory_space<hbm>>
      %dma_wait3A_99 = tpu.memref_squeeze %dma_wait3A : memref<1x128xf32, #tpu.memory_space<hbm>> -> memref<128xf32, #tpu.memory_space<hbm>>
      %dma_wait3A_100 = tpu.memref_slice %arg3[%arg0, %add3A_87] : memref<2x10240xf32, #tpu.memory_space<hbm>> -> memref<1x128xf32, #tpu.memory_space<hbm>>
      %dma_wait3A_101 = tpu.memref_squeeze %dma_wait3A_100 : memref<1x128xf32, #tpu.memory_space<hbm>> -> memref<128xf32, #tpu.memory_space<hbm>>
      tpu.wait_dma2 semaphore(%run_scoped3A : memref<!tpu.dma_semaphore, #tpu.memory_space<semaphore_mem>>) src(%arg6 : memref<128xf32, #tpu.memory_space<vmem>>) dst(%dma_wait3A_101 : memref<128xf32, #tpu.memory_space<hbm>>)
      tpu.yield
    }) : () -> ()
    %add3A_88 = arith.constant 128 : i32
    %add3A_89 = arith.addi %mul3A_68, %add3A_88 : i32
    "tpu.region"() ({
      %run_scoped3A = tpu.sem_alloc : memref<!tpu.dma_semaphore, #tpu.memory_space<semaphore_mem>>
      %dma_start3A = tpu.memref_slice %arg7[%add3A_89] : memref<10240xf32, #tpu.memory_space<vmem_shared>> -> memref<128xf32, #tpu.memory_space<vmem_shared>>
      %dma_start3A_96 = tpu.memref_slice %arg7[%add3A_89] : memref<10240xf32, #tpu.memory_space<vmem_shared>> -> memref<128xf32, #tpu.memory_space<vmem_shared>>
      tpu.enqueue_dma source(%dma_start3A_96 : memref<128xf32, #tpu.memory_space<vmem_shared>>) target(%arg6 : memref<128xf32, #tpu.memory_space<vmem>>) target_semaphore(%run_scoped3A : memref<!tpu.dma_semaphore, #tpu.memory_space<semaphore_mem>>)
      %dma_wait3A = tpu.memref_slice %arg7[%add3A_89] : memref<10240xf32, #tpu.memory_space<vmem_shared>> -> memref<128xf32, #tpu.memory_space<vmem_shared>>
      %dma_wait3A_97 = tpu.memref_slice %arg7[%add3A_89] : memref<10240xf32, #tpu.memory_space<vmem_shared>> -> memref<128xf32, #tpu.memory_space<vmem_shared>>
      tpu.wait_dma2 semaphore(%run_scoped3A : memref<!tpu.dma_semaphore, #tpu.memory_space<semaphore_mem>>) src(%dma_wait3A_97 : memref<128xf32, #tpu.memory_space<vmem_shared>>) dst(%arg6 : memref<128xf32, #tpu.memory_space<vmem>>)
      tpu.yield
    }) : () -> ()
    "tpu.region"() ({
      %run_scoped3A = tpu.sem_alloc : memref<!tpu.dma_semaphore, #tpu.memory_space<semaphore_mem>>
      %dma_start3A = tpu.memref_slice %arg3[%arg0, %add3A_89] : memref<2x10240xf32, #tpu.memory_space<hbm>> -> memref<1x128xf32, #tpu.memory_space<hbm>>
      %dma_start3A_96 = tpu.memref_squeeze %dma_start3A : memref<1x128xf32, #tpu.memory_space<hbm>> -> memref<128xf32, #tpu.memory_space<hbm>>
      %dma_start3A_97 = tpu.memref_slice %arg3[%arg0, %add3A_89] : memref<2x10240xf32, #tpu.memory_space<hbm>> -> memref<1x128xf32, #tpu.memory_space<hbm>>
      %dma_start3A_98 = tpu.memref_squeeze %dma_start3A_97 : memref<1x128xf32, #tpu.memory_space<hbm>> -> memref<128xf32, #tpu.memory_space<hbm>>
      tpu.enqueue_dma source(%arg6 : memref<128xf32, #tpu.memory_space<vmem>>) target(%dma_start3A_98 : memref<128xf32, #tpu.memory_space<hbm>>) target_semaphore(%run_scoped3A : memref<!tpu.dma_semaphore, #tpu.memory_space<semaphore_mem>>)
      %dma_wait3A = tpu.memref_slice %arg3[%arg0, %add3A_89] : memref<2x10240xf32, #tpu.memory_space<hbm>> -> memref<1x128xf32, #tpu.memory_space<hbm>>
      %dma_wait3A_99 = tpu.memref_squeeze %dma_wait3A : memref<1x128xf32, #tpu.memory_space<hbm>> -> memref<128xf32, #tpu.memory_space<hbm>>
      %dma_wait3A_100 = tpu.memref_slice %arg3[%arg0, %add3A_89] : memref<2x10240xf32, #tpu.memory_space<hbm>> -> memref<1x128xf32, #tpu.memory_space<hbm>>
      %dma_wait3A_101 = tpu.memref_squeeze %dma_wait3A_100 : memref<1x128xf32, #tpu.memory_space<hbm>> -> memref<128xf32, #tpu.memory_space<hbm>>
      tpu.wait_dma2 semaphore(%run_scoped3A : memref<!tpu.dma_semaphore, #tpu.memory_space<semaphore_mem>>) src(%arg6 : memref<128xf32, #tpu.memory_space<vmem>>) dst(%dma_wait3A_101 : memref<128xf32, #tpu.memory_space<hbm>>)
      tpu.yield
    }) : () -> ()
    %add3A_90 = arith.constant 256 : i32
    %add3A_91 = arith.addi %mul3A_68, %add3A_90 : i32
    "tpu.region"() ({
      %run_scoped3A = tpu.sem_alloc : memref<!tpu.dma_semaphore, #tpu.memory_space<semaphore_mem>>
      %dma_start3A = tpu.memref_slice %arg7[%add3A_91] : memref<10240xf32, #tpu.memory_space<vmem_shared>> -> memref<128xf32, #tpu.memory_space<vmem_shared>>
      %dma_start3A_96 = tpu.memref_slice %arg7[%add3A_91] : memref<10240xf32, #tpu.memory_space<vmem_shared>> -> memref<128xf32, #tpu.memory_space<vmem_shared>>
      tpu.enqueue_dma source(%dma_start3A_96 : memref<128xf32, #tpu.memory_space<vmem_shared>>) target(%arg6 : memref<128xf32, #tpu.memory_space<vmem>>) target_semaphore(%run_scoped3A : memref<!tpu.dma_semaphore, #tpu.memory_space<semaphore_mem>>)
      %dma_wait3A = tpu.memref_slice %arg7[%add3A_91] : memref<10240xf32, #tpu.memory_space<vmem_shared>> -> memref<128xf32, #tpu.memory_space<vmem_shared>>
      %dma_wait3A_97 = tpu.memref_slice %arg7[%add3A_91] : memref<10240xf32, #tpu.memory_space<vmem_shared>> -> memref<128xf32, #tpu.memory_space<vmem_shared>>
      tpu.wait_dma2 semaphore(%run_scoped3A : memref<!tpu.dma_semaphore, #tpu.memory_space<semaphore_mem>>) src(%dma_wait3A_97 : memref<128xf32, #tpu.memory_space<vmem_shared>>) dst(%arg6 : memref<128xf32, #tpu.memory_space<vmem>>)
      tpu.yield
    }) : () -> ()
    "tpu.region"() ({
      %run_scoped3A = tpu.sem_alloc : memref<!tpu.dma_semaphore, #tpu.memory_space<semaphore_mem>>
      %dma_start3A = tpu.memref_slice %arg3[%arg0, %add3A_91] : memref<2x10240xf32, #tpu.memory_space<hbm>> -> memref<1x128xf32, #tpu.memory_space<hbm>>
      %dma_start3A_96 = tpu.memref_squeeze %dma_start3A : memref<1x128xf32, #tpu.memory_space<hbm>> -> memref<128xf32, #tpu.memory_space<hbm>>
      %dma_start3A_97 = tpu.memref_slice %arg3[%arg0, %add3A_91] : memref<2x10240xf32, #tpu.memory_space<hbm>> -> memref<1x128xf32, #tpu.memory_space<hbm>>
      %dma_start3A_98 = tpu.memref_squeeze %dma_start3A_97 : memref<1x128xf32, #tpu.memory_space<hbm>> -> memref<128xf32, #tpu.memory_space<hbm>>
      tpu.enqueue_dma source(%arg6 : memref<128xf32, #tpu.memory_space<vmem>>) target(%dma_start3A_98 : memref<128xf32, #tpu.memory_space<hbm>>) target_semaphore(%run_scoped3A : memref<!tpu.dma_semaphore, #tpu.memory_space<semaphore_mem>>)
      %dma_wait3A = tpu.memref_slice %arg3[%arg0, %add3A_91] : memref<2x10240xf32, #tpu.memory_space<hbm>> -> memref<1x128xf32, #tpu.memory_space<hbm>>
      %dma_wait3A_99 = tpu.memref_squeeze %dma_wait3A : memref<1x128xf32, #tpu.memory_space<hbm>> -> memref<128xf32, #tpu.memory_space<hbm>>
      %dma_wait3A_100 = tpu.memref_slice %arg3[%arg0, %add3A_91] : memref<2x10240xf32, #tpu.memory_space<hbm>> -> memref<1x128xf32, #tpu.memory_space<hbm>>
      %dma_wait3A_101 = tpu.memref_squeeze %dma_wait3A_100 : memref<1x128xf32, #tpu.memory_space<hbm>> -> memref<128xf32, #tpu.memory_space<hbm>>
      tpu.wait_dma2 semaphore(%run_scoped3A : memref<!tpu.dma_semaphore, #tpu.memory_space<semaphore_mem>>) src(%arg6 : memref<128xf32, #tpu.memory_space<vmem>>) dst(%dma_wait3A_101 : memref<128xf32, #tpu.memory_space<hbm>>)
      tpu.yield
    }) : () -> ()
    %add3A_92 = arith.constant 384 : i32
    %add3A_93 = arith.addi %mul3A_68, %add3A_92 : i32
    "tpu.region"() ({
      %run_scoped3A = tpu.sem_alloc : memref<!tpu.dma_semaphore, #tpu.memory_space<semaphore_mem>>
      %dma_start3A = tpu.memref_slice %arg7[%add3A_93] : memref<10240xf32, #tpu.memory_space<vmem_shared>> -> memref<128xf32, #tpu.memory_space<vmem_shared>>
      %dma_start3A_96 = tpu.memref_slice %arg7[%add3A_93] : memref<10240xf32, #tpu.memory_space<vmem_shared>> -> memref<128xf32, #tpu.memory_space<vmem_shared>>
      tpu.enqueue_dma source(%dma_start3A_96 : memref<128xf32, #tpu.memory_space<vmem_shared>>) target(%arg6 : memref<128xf32, #tpu.memory_space<vmem>>) target_semaphore(%run_scoped3A : memref<!tpu.dma_semaphore, #tpu.memory_space<semaphore_mem>>)
      %dma_wait3A = tpu.memref_slice %arg7[%add3A_93] : memref<10240xf32, #tpu.memory_space<vmem_shared>> -> memref<128xf32, #tpu.memory_space<vmem_shared>>
      %dma_wait3A_97 = tpu.memref_slice %arg7[%add3A_93] : memref<10240xf32, #tpu.memory_space<vmem_shared>> -> memref<128xf32, #tpu.memory_space<vmem_shared>>
      tpu.wait_dma2 semaphore(%run_scoped3A : memref<!tpu.dma_semaphore, #tpu.memory_space<semaphore_mem>>) src(%dma_wait3A_97 : memref<128xf32, #tpu.memory_space<vmem_shared>>) dst(%arg6 : memref<128xf32, #tpu.memory_space<vmem>>)
      tpu.yield
    }) : () -> ()
    "tpu.region"() ({
      %run_scoped3A = tpu.sem_alloc : memref<!tpu.dma_semaphore, #tpu.memory_space<semaphore_mem>>
      %dma_start3A = tpu.memref_slice %arg3[%arg0, %add3A_93] : memref<2x10240xf32, #tpu.memory_space<hbm>> -> memref<1x128xf32, #tpu.memory_space<hbm>>
      %dma_start3A_96 = tpu.memref_squeeze %dma_start3A : memref<1x128xf32, #tpu.memory_space<hbm>> -> memref<128xf32, #tpu.memory_space<hbm>>
      %dma_start3A_97 = tpu.memref_slice %arg3[%arg0, %add3A_93] : memref<2x10240xf32, #tpu.memory_space<hbm>> -> memref<1x128xf32, #tpu.memory_space<hbm>>
      %dma_start3A_98 = tpu.memref_squeeze %dma_start3A_97 : memref<1x128xf32, #tpu.memory_space<hbm>> -> memref<128xf32, #tpu.memory_space<hbm>>
      tpu.enqueue_dma source(%arg6 : memref<128xf32, #tpu.memory_space<vmem>>) target(%dma_start3A_98 : memref<128xf32, #tpu.memory_space<hbm>>) target_semaphore(%run_scoped3A : memref<!tpu.dma_semaphore, #tpu.memory_space<semaphore_mem>>)
      %dma_wait3A = tpu.memref_slice %arg3[%arg0, %add3A_93] : memref<2x10240xf32, #tpu.memory_space<hbm>> -> memref<1x128xf32, #tpu.memory_space<hbm>>
      %dma_wait3A_99 = tpu.memref_squeeze %dma_wait3A : memref<1x128xf32, #tpu.memory_space<hbm>> -> memref<128xf32, #tpu.memory_space<hbm>>
      %dma_wait3A_100 = tpu.memref_slice %arg3[%arg0, %add3A_93] : memref<2x10240xf32, #tpu.memory_space<hbm>> -> memref<1x128xf32, #tpu.memory_space<hbm>>
      %dma_wait3A_101 = tpu.memref_squeeze %dma_wait3A_100 : memref<1x128xf32, #tpu.memory_space<hbm>> -> memref<128xf32, #tpu.memory_space<hbm>>
      tpu.wait_dma2 semaphore(%run_scoped3A : memref<!tpu.dma_semaphore, #tpu.memory_space<semaphore_mem>>) src(%arg6 : memref<128xf32, #tpu.memory_space<vmem>>) dst(%dma_wait3A_101 : memref<128xf32, #tpu.memory_space<hbm>>)
      tpu.yield
    }) : () -> ()
    %add3A_94 = arith.constant 512 : i32
    %add3A_95 = arith.addi %mul3A_68, %add3A_94 : i32
    "tpu.region"() ({
      %run_scoped3A = tpu.sem_alloc : memref<!tpu.dma_semaphore, #tpu.memory_space<semaphore_mem>>
      %dma_start3A = tpu.memref_slice %arg7[%add3A_95] : memref<10240xf32, #tpu.memory_space<vmem_shared>> -> memref<128xf32, #tpu.memory_space<vmem_shared>>
      %dma_start3A_96 = tpu.memref_slice %arg7[%add3A_95] : memref<10240xf32, #tpu.memory_space<vmem_shared>> -> memref<128xf32, #tpu.memory_space<vmem_shared>>
      tpu.enqueue_dma source(%dma_start3A_96 : memref<128xf32, #tpu.memory_space<vmem_shared>>) target(%arg6 : memref<128xf32, #tpu.memory_space<vmem>>) target_semaphore(%run_scoped3A : memref<!tpu.dma_semaphore, #tpu.memory_space<semaphore_mem>>)
      %dma_wait3A = tpu.memref_slice %arg7[%add3A_95] : memref<10240xf32, #tpu.memory_space<vmem_shared>> -> memref<128xf32, #tpu.memory_space<vmem_shared>>
      %dma_wait3A_97 = tpu.memref_slice %arg7[%add3A_95] : memref<10240xf32, #tpu.memory_space<vmem_shared>> -> memref<128xf32, #tpu.memory_space<vmem_shared>>
      tpu.wait_dma2 semaphore(%run_scoped3A : memref<!tpu.dma_semaphore, #tpu.memory_space<semaphore_mem>>) src(%dma_wait3A_97 : memref<128xf32, #tpu.memory_space<vmem_shared>>) dst(%arg6 : memref<128xf32, #tpu.memory_space<vmem>>)
      tpu.yield
    }) : () -> ()
    "tpu.region"() ({
      %run_scoped3A = tpu.sem_alloc : memref<!tpu.dma_semaphore, #tpu.memory_space<semaphore_mem>>
      %dma_start3A = tpu.memref_slice %arg3[%arg0, %add3A_95] : memref<2x10240xf32, #tpu.memory_space<hbm>> -> memref<1x128xf32, #tpu.memory_space<hbm>>
      %dma_start3A_96 = tpu.memref_squeeze %dma_start3A : memref<1x128xf32, #tpu.memory_space<hbm>> -> memref<128xf32, #tpu.memory_space<hbm>>
      %dma_start3A_97 = tpu.memref_slice %arg3[%arg0, %add3A_95] : memref<2x10240xf32, #tpu.memory_space<hbm>> -> memref<1x128xf32, #tpu.memory_space<hbm>>
      %dma_start3A_98 = tpu.memref_squeeze %dma_start3A_97 : memref<1x128xf32, #tpu.memory_space<hbm>> -> memref<128xf32, #tpu.memory_space<hbm>>
      tpu.enqueue_dma source(%arg6 : memref<128xf32, #tpu.memory_space<vmem>>) target(%dma_start3A_98 : memref<128xf32, #tpu.memory_space<hbm>>) target_semaphore(%run_scoped3A : memref<!tpu.dma_semaphore, #tpu.memory_space<semaphore_mem>>)
      %dma_wait3A = tpu.memref_slice %arg3[%arg0, %add3A_95] : memref<2x10240xf32, #tpu.memory_space<hbm>> -> memref<1x128xf32, #tpu.memory_space<hbm>>
      %dma_wait3A_99 = tpu.memref_squeeze %dma_wait3A : memref<1x128xf32, #tpu.memory_space<hbm>> -> memref<128xf32, #tpu.memory_space<hbm>>
      %dma_wait3A_100 = tpu.memref_slice %arg3[%arg0, %add3A_95] : memref<2x10240xf32, #tpu.memory_space<hbm>> -> memref<1x128xf32, #tpu.memory_space<hbm>>
      %dma_wait3A_101 = tpu.memref_squeeze %dma_wait3A_100 : memref<1x128xf32, #tpu.memory_space<hbm>> -> memref<128xf32, #tpu.memory_space<hbm>>
      tpu.wait_dma2 semaphore(%run_scoped3A : memref<!tpu.dma_semaphore, #tpu.memory_space<semaphore_mem>>) src(%arg6 : memref<128xf32, #tpu.memory_space<vmem>>) dst(%dma_wait3A_101 : memref<128xf32, #tpu.memory_space<hbm>>)
      tpu.yield
    }) : () -> ()
    return
  }
}

#map = affine_map<(d0, d1) -> (0, 0, 0)>
#map1 = affine_map<(d0, d1) -> (0, 0)>
module attributes {stable_mosaic.version = 14 : i64} {
  func.func @k(%arg0: i32, %arg1: i32, %arg2: memref<2528x2x128xi32, #tpu.memory_space<hbm>>, %arg3: memref<10240x128xf32, #tpu.memory_space<hbm>>, %arg4: memref<2x10240x128xf32, #tpu.memory_space<hbm>>, %arg5: memref<2x128xi32, #tpu.memory_space<vmem>>, %arg6: memref<128x128xf32, #tpu.memory_space<vmem>>, %arg7: memref<10240x128xf32, #tpu.memory_space<vmem_shared>>, %arg8: memref<!tpu.dma_semaphore, #tpu.memory_space<semaphore_mem>>) attributes {dimension_semantics = [#tpu.dimension_semantics<core_parallel>, #tpu.dimension_semantics<subcore_parallel>], iteration_bounds = array<i64: 2, 16>, scalar_prefetch = 0 : i64, scratch_operands = 4 : i64, tpu.core_type = #tpu.core_type<sc_vector_subcore>, window_params = [{transform_indices = #map}, {transform_indices = #map1}, {transform_indices = #map}]} {
    %mul3A = arith.constant 16 : i32
    %mul3A_0 = arith.muli %arg0, %mul3A : i32
    %add3A = arith.addi %mul3A_0, %arg1 : i32
    %broadcast_in_dim3A = arith.constant 0.000000e+00 : f32
    %broadcast_in_dim3A_1 = vector.broadcast %broadcast_in_dim3A : f32 to vector<16xf32>
    %scan3A = arith.constant 0 : i32
    %scan3A_2 = arith.constant 0 : i32
    %scan3A_3 = arith.constant 128 : i32
    %scan3A_4 = arith.addi %scan3A_2, %scan3A_3 : i32
    %scan3A_5 = arith.constant 1 : i32
    %scan3A_6 = scf.for %scan3A_53 = %scan3A_2 to %scan3A_4 step %scan3A_5 iter_args(%scan3A_54 = %scan3A) -> (i32)  : i32 {
      %swap3A = arith.index_cast %scan3A_53 : i32 to index
      %swap3A_55 = arith.constant 0 : index
      %swap3A_56 = tpu.vector_load %arg6[%swap3A, %swap3A_55] {strides = array<i32>} : memref<128x128xf32, #tpu.memory_space<vmem>>, vector<1x16xf32>,
      %swap3A_57 = vector.shape_cast %swap3A_56 : vector<1x16xf32> to vector<16xf32>
      %swap3A_58 = vector.shape_cast %broadcast_in_dim3A_1 : vector<16xf32> to vector<1x16xf32>
      tpu.vector_store %arg6[%swap3A, %swap3A_55], %swap3A_58 {strides = array<i32>} : memref<128x128xf32, #tpu.memory_space<vmem>>, vector<1x16xf32>,
      %swap3A_59 = arith.index_cast %scan3A_53 : i32 to index
      %swap3A_60 = arith.constant 16 : index
      %swap3A_61 = tpu.vector_load %arg6[%swap3A_59, %swap3A_60] {strides = array<i32>} : memref<128x128xf32, #tpu.memory_space<vmem>>, vector<1x16xf32>,
      %swap3A_62 = vector.shape_cast %swap3A_61 : vector<1x16xf32> to vector<16xf32>
      %swap3A_63 = vector.shape_cast %broadcast_in_dim3A_1 : vector<16xf32> to vector<1x16xf32>
      tpu.vector_store %arg6[%swap3A_59, %swap3A_60], %swap3A_63 {strides = array<i32>} : memref<128x128xf32, #tpu.memory_space<vmem>>, vector<1x16xf32>,
      %swap3A_64 = arith.index_cast %scan3A_53 : i32 to index
      %swap3A_65 = arith.constant 32 : index
      %swap3A_66 = tpu.vector_load %arg6[%swap3A_64, %swap3A_65] {strides = array<i32>} : memref<128x128xf32, #tpu.memory_space<vmem>>, vector<1x16xf32>,
      %swap3A_67 = vector.shape_cast %swap3A_66 : vector<1x16xf32> to vector<16xf32>
      %swap3A_68 = vector.shape_cast %broadcast_in_dim3A_1 : vector<16xf32> to vector<1x16xf32>
      tpu.vector_store %arg6[%swap3A_64, %swap3A_65], %swap3A_68 {strides = array<i32>} : memref<128x128xf32, #tpu.memory_space<vmem>>, vector<1x16xf32>,
      %swap3A_69 = arith.index_cast %scan3A_53 : i32 to index
      %swap3A_70 = arith.constant 48 : index
      %swap3A_71 = tpu.vector_load %arg6[%swap3A_69, %swap3A_70] {strides = array<i32>} : memref<128x128xf32, #tpu.memory_space<vmem>>, vector<1x16xf32>,
      %swap3A_72 = vector.shape_cast %swap3A_71 : vector<1x16xf32> to vector<16xf32>
      %swap3A_73 = vector.shape_cast %broadcast_in_dim3A_1 : vector<16xf32> to vector<1x16xf32>
      tpu.vector_store %arg6[%swap3A_69, %swap3A_70], %swap3A_73 {strides = array<i32>} : memref<128x128xf32, #tpu.memory_space<vmem>>, vector<1x16xf32>,
      %swap3A_74 = arith.index_cast %scan3A_53 : i32 to index
      %swap3A_75 = arith.constant 64 : index
      %swap3A_76 = tpu.vector_load %arg6[%swap3A_74, %swap3A_75] {strides = array<i32>} : memref<128x128xf32, #tpu.memory_space<vmem>>, vector<1x16xf32>,
      %swap3A_77 = vector.shape_cast %swap3A_76 : vector<1x16xf32> to vector<16xf32>
      %swap3A_78 = vector.shape_cast %broadcast_in_dim3A_1 : vector<16xf32> to vector<1x16xf32>
      tpu.vector_store %arg6[%swap3A_74, %swap3A_75], %swap3A_78 {strides = array<i32>} : memref<128x128xf32, #tpu.memory_space<vmem>>, vector<1x16xf32>,
      %swap3A_79 = arith.index_cast %scan3A_53 : i32 to index
      %swap3A_80 = arith.constant 80 : index
      %swap3A_81 = tpu.vector_load %arg6[%swap3A_79, %swap3A_80] {strides = array<i32>} : memref<128x128xf32, #tpu.memory_space<vmem>>, vector<1x16xf32>,
      %swap3A_82 = vector.shape_cast %swap3A_81 : vector<1x16xf32> to vector<16xf32>
      %swap3A_83 = vector.shape_cast %broadcast_in_dim3A_1 : vector<16xf32> to vector<1x16xf32>
      tpu.vector_store %arg6[%swap3A_79, %swap3A_80], %swap3A_83 {strides = array<i32>} : memref<128x128xf32, #tpu.memory_space<vmem>>, vector<1x16xf32>,
      %swap3A_84 = arith.index_cast %scan3A_53 : i32 to index
      %swap3A_85 = arith.constant 96 : index
      %swap3A_86 = tpu.vector_load %arg6[%swap3A_84, %swap3A_85] {strides = array<i32>} : memref<128x128xf32, #tpu.memory_space<vmem>>, vector<1x16xf32>,
      %swap3A_87 = vector.shape_cast %swap3A_86 : vector<1x16xf32> to vector<16xf32>
      %swap3A_88 = vector.shape_cast %broadcast_in_dim3A_1 : vector<16xf32> to vector<1x16xf32>
      tpu.vector_store %arg6[%swap3A_84, %swap3A_85], %swap3A_88 {strides = array<i32>} : memref<128x128xf32, #tpu.memory_space<vmem>>, vector<1x16xf32>,
      %swap3A_89 = arith.index_cast %scan3A_53 : i32 to index
      %swap3A_90 = arith.constant 112 : index
      %swap3A_91 = tpu.vector_load %arg6[%swap3A_89, %swap3A_90] {strides = array<i32>} : memref<128x128xf32, #tpu.memory_space<vmem>>, vector<1x16xf32>,
      %swap3A_92 = vector.shape_cast %swap3A_91 : vector<1x16xf32> to vector<16xf32>
      %swap3A_93 = vector.shape_cast %broadcast_in_dim3A_1 : vector<16xf32> to vector<1x16xf32>
      tpu.vector_store %arg6[%swap3A_89, %swap3A_90], %swap3A_93 {strides = array<i32>} : memref<128x128xf32, #tpu.memory_space<vmem>>, vector<1x16xf32>,
      %scan3A_94 = arith.constant 0 : i32
      scf.yield %scan3A_94 : i32
    }
    %scan3A_7 = arith.constant 128 : i32
    %mul3A_8 = arith.constant 640 : i32
    %mul3A_9 = arith.muli %arg1, %mul3A_8 : i32
    %add3A_10 = arith.constant 0 : i32
    %add3A_11 = arith.addi %mul3A_9, %add3A_10 : i32
    "tpu.region"() ({
      %run_scoped3A = tpu.sem_alloc : memref<!tpu.dma_semaphore, #tpu.memory_space<semaphore_mem>>
      %dma_start3A = arith.constant 0 : i32
      %dma_start3A_53 = tpu.memref_slice %arg7[%add3A_11, %dma_start3A] : memref<10240x128xf32, #tpu.memory_space<vmem_shared>> -> memref<128x128xf32, #tpu.memory_space<vmem_shared>>
      %dma_start3A_54 = arith.constant 0 : i32
      %dma_start3A_55 = tpu.memref_slice %arg7[%add3A_11, %dma_start3A_54] : memref<10240x128xf32, #tpu.memory_space<vmem_shared>> -> memref<128x128xf32, #tpu.memory_space<vmem_shared>>
      tpu.enqueue_dma source(%arg6 : memref<128x128xf32, #tpu.memory_space<vmem>>) target(%dma_start3A_55 : memref<128x128xf32, #tpu.memory_space<vmem_shared>>) target_semaphore(%run_scoped3A : memref<!tpu.dma_semaphore, #tpu.memory_space<semaphore_mem>>)
      %dma_wait3A = arith.constant 0 : i32
      %dma_wait3A_56 = tpu.memref_slice %arg7[%add3A_11, %dma_wait3A] : memref<10240x128xf32, #tpu.memory_space<vmem_shared>> -> memref<128x128xf32, #tpu.memory_space<vmem_shared>>
      %dma_wait3A_57 = arith.constant 0 : i32
      %dma_wait3A_58 = tpu.memref_slice %arg7[%add3A_11, %dma_wait3A_57] : memref<10240x128xf32, #tpu.memory_space<vmem_shared>> -> memref<128x128xf32, #tpu.memory_space<vmem_shared>>
      tpu.wait_dma2 semaphore(%run_scoped3A : memref<!tpu.dma_semaphore, #tpu.memory_space<semaphore_mem>>) src(%arg6 : memref<128x128xf32, #tpu.memory_space<vmem>>) dst(%dma_wait3A_58 : memref<128x128xf32, #tpu.memory_space<vmem_shared>>)
      tpu.yield
    }) : () -> ()
    %add3A_12 = arith.constant 128 : i32
    %add3A_13 = arith.addi %mul3A_9, %add3A_12 : i32
    "tpu.region"() ({
      %run_scoped3A = tpu.sem_alloc : memref<!tpu.dma_semaphore, #tpu.memory_space<semaphore_mem>>
      %dma_start3A = arith.constant 0 : i32
      %dma_start3A_53 = tpu.memref_slice %arg7[%add3A_13, %dma_start3A] : memref<10240x128xf32, #tpu.memory_space<vmem_shared>> -> memref<128x128xf32, #tpu.memory_space<vmem_shared>>
      %dma_start3A_54 = arith.constant 0 : i32
      %dma_start3A_55 = tpu.memref_slice %arg7[%add3A_13, %dma_start3A_54] : memref<10240x128xf32, #tpu.memory_space<vmem_shared>> -> memref<128x128xf32, #tpu.memory_space<vmem_shared>>
      tpu.enqueue_dma source(%arg6 : memref<128x128xf32, #tpu.memory_space<vmem>>) target(%dma_start3A_55 : memref<128x128xf32, #tpu.memory_space<vmem_shared>>) target_semaphore(%run_scoped3A : memref<!tpu.dma_semaphore, #tpu.memory_space<semaphore_mem>>)
      %dma_wait3A = arith.constant 0 : i32
      %dma_wait3A_56 = tpu.memref_slice %arg7[%add3A_13, %dma_wait3A] : memref<10240x128xf32, #tpu.memory_space<vmem_shared>> -> memref<128x128xf32, #tpu.memory_space<vmem_shared>>
      %dma_wait3A_57 = arith.constant 0 : i32
      %dma_wait3A_58 = tpu.memref_slice %arg7[%add3A_13, %dma_wait3A_57] : memref<10240x128xf32, #tpu.memory_space<vmem_shared>> -> memref<128x128xf32, #tpu.memory_space<vmem_shared>>
      tpu.wait_dma2 semaphore(%run_scoped3A : memref<!tpu.dma_semaphore, #tpu.memory_space<semaphore_mem>>) src(%arg6 : memref<128x128xf32, #tpu.memory_space<vmem>>) dst(%dma_wait3A_58 : memref<128x128xf32, #tpu.memory_space<vmem_shared>>)
      tpu.yield
    }) : () -> ()
    %add3A_14 = arith.constant 256 : i32
    %add3A_15 = arith.addi %mul3A_9, %add3A_14 : i32
    "tpu.region"() ({
      %run_scoped3A = tpu.sem_alloc : memref<!tpu.dma_semaphore, #tpu.memory_space<semaphore_mem>>
      %dma_start3A = arith.constant 0 : i32
      %dma_start3A_53 = tpu.memref_slice %arg7[%add3A_15, %dma_start3A] : memref<10240x128xf32, #tpu.memory_space<vmem_shared>> -> memref<128x128xf32, #tpu.memory_space<vmem_shared>>
      %dma_start3A_54 = arith.constant 0 : i32
      %dma_start3A_55 = tpu.memref_slice %arg7[%add3A_15, %dma_start3A_54] : memref<10240x128xf32, #tpu.memory_space<vmem_shared>> -> memref<128x128xf32, #tpu.memory_space<vmem_shared>>
      tpu.enqueue_dma source(%arg6 : memref<128x128xf32, #tpu.memory_space<vmem>>) target(%dma_start3A_55 : memref<128x128xf32, #tpu.memory_space<vmem_shared>>) target_semaphore(%run_scoped3A : memref<!tpu.dma_semaphore, #tpu.memory_space<semaphore_mem>>)
      %dma_wait3A = arith.constant 0 : i32
      %dma_wait3A_56 = tpu.memref_slice %arg7[%add3A_15, %dma_wait3A] : memref<10240x128xf32, #tpu.memory_space<vmem_shared>> -> memref<128x128xf32, #tpu.memory_space<vmem_shared>>
      %dma_wait3A_57 = arith.constant 0 : i32
      %dma_wait3A_58 = tpu.memref_slice %arg7[%add3A_15, %dma_wait3A_57] : memref<10240x128xf32, #tpu.memory_space<vmem_shared>> -> memref<128x128xf32, #tpu.memory_space<vmem_shared>>
      tpu.wait_dma2 semaphore(%run_scoped3A : memref<!tpu.dma_semaphore, #tpu.memory_space<semaphore_mem>>) src(%arg6 : memref<128x128xf32, #tpu.memory_space<vmem>>) dst(%dma_wait3A_58 : memref<128x128xf32, #tpu.memory_space<vmem_shared>>)
      tpu.yield
    }) : () -> ()
    %add3A_16 = arith.constant 384 : i32
    %add3A_17 = arith.addi %mul3A_9, %add3A_16 : i32
    "tpu.region"() ({
      %run_scoped3A = tpu.sem_alloc : memref<!tpu.dma_semaphore, #tpu.memory_space<semaphore_mem>>
      %dma_start3A = arith.constant 0 : i32
      %dma_start3A_53 = tpu.memref_slice %arg7[%add3A_17, %dma_start3A] : memref<10240x128xf32, #tpu.memory_space<vmem_shared>> -> memref<128x128xf32, #tpu.memory_space<vmem_shared>>
      %dma_start3A_54 = arith.constant 0 : i32
      %dma_start3A_55 = tpu.memref_slice %arg7[%add3A_17, %dma_start3A_54] : memref<10240x128xf32, #tpu.memory_space<vmem_shared>> -> memref<128x128xf32, #tpu.memory_space<vmem_shared>>
      tpu.enqueue_dma source(%arg6 : memref<128x128xf32, #tpu.memory_space<vmem>>) target(%dma_start3A_55 : memref<128x128xf32, #tpu.memory_space<vmem_shared>>) target_semaphore(%run_scoped3A : memref<!tpu.dma_semaphore, #tpu.memory_space<semaphore_mem>>)
      %dma_wait3A = arith.constant 0 : i32
      %dma_wait3A_56 = tpu.memref_slice %arg7[%add3A_17, %dma_wait3A] : memref<10240x128xf32, #tpu.memory_space<vmem_shared>> -> memref<128x128xf32, #tpu.memory_space<vmem_shared>>
      %dma_wait3A_57 = arith.constant 0 : i32
      %dma_wait3A_58 = tpu.memref_slice %arg7[%add3A_17, %dma_wait3A_57] : memref<10240x128xf32, #tpu.memory_space<vmem_shared>> -> memref<128x128xf32, #tpu.memory_space<vmem_shared>>
      tpu.wait_dma2 semaphore(%run_scoped3A : memref<!tpu.dma_semaphore, #tpu.memory_space<semaphore_mem>>) src(%arg6 : memref<128x128xf32, #tpu.memory_space<vmem>>) dst(%dma_wait3A_58 : memref<128x128xf32, #tpu.memory_space<vmem_shared>>)
      tpu.yield
    }) : () -> ()
    %add3A_18 = arith.constant 512 : i32
    %add3A_19 = arith.addi %mul3A_9, %add3A_18 : i32
    "tpu.region"() ({
      %run_scoped3A = tpu.sem_alloc : memref<!tpu.dma_semaphore, #tpu.memory_space<semaphore_mem>>
      %dma_start3A = arith.constant 0 : i32
      %dma_start3A_53 = tpu.memref_slice %arg7[%add3A_19, %dma_start3A] : memref<10240x128xf32, #tpu.memory_space<vmem_shared>> -> memref<128x128xf32, #tpu.memory_space<vmem_shared>>
      %dma_start3A_54 = arith.constant 0 : i32
      %dma_start3A_55 = tpu.memref_slice %arg7[%add3A_19, %dma_start3A_54] : memref<10240x128xf32, #tpu.memory_space<vmem_shared>> -> memref<128x128xf32, #tpu.memory_space<vmem_shared>>
      tpu.enqueue_dma source(%arg6 : memref<128x128xf32, #tpu.memory_space<vmem>>) target(%dma_start3A_55 : memref<128x128xf32, #tpu.memory_space<vmem_shared>>) target_semaphore(%run_scoped3A : memref<!tpu.dma_semaphore, #tpu.memory_space<semaphore_mem>>)
      %dma_wait3A = arith.constant 0 : i32
      %dma_wait3A_56 = tpu.memref_slice %arg7[%add3A_19, %dma_wait3A] : memref<10240x128xf32, #tpu.memory_space<vmem_shared>> -> memref<128x128xf32, #tpu.memory_space<vmem_shared>>
      %dma_wait3A_57 = arith.constant 0 : i32
      %dma_wait3A_58 = tpu.memref_slice %arg7[%add3A_19, %dma_wait3A_57] : memref<10240x128xf32, #tpu.memory_space<vmem_shared>> -> memref<128x128xf32, #tpu.memory_space<vmem_shared>>
      tpu.wait_dma2 semaphore(%run_scoped3A : memref<!tpu.dma_semaphore, #tpu.memory_space<semaphore_mem>>) src(%arg6 : memref<128x128xf32, #tpu.memory_space<vmem>>) dst(%dma_wait3A_58 : memref<128x128xf32, #tpu.memory_space<vmem_shared>>)
      tpu.yield
    }) : () -> ()
    %barrier3A = arith.constant 0 : index
    tpu.barrier barrier_id(%barrier3A)
    %eq3A = arith.constant 0 : i32
    %eq3A_20 = arith.cmpi eq, %arg0, %eq3A : i32
    %jit3A = arith.constant 102 : i32
    %jit3A_21 = arith.constant 56 : i32
    %select_n3A = arith.select %eq3A_20, %jit3A, %jit3A_21 : i32
    %eq3A_22 = arith.constant 0 : i32
    %eq3A_23 = arith.cmpi eq, %arg0, %eq3A_22 : i32
    %mul3A_24 = arith.constant 102 : i32
    %mul3A_25 = arith.muli %arg1, %mul3A_24 : i32
    %mul3A_26 = arith.constant 56 : i32
    %mul3A_27 = arith.muli %arg1, %mul3A_26 : i32
    %add3A_28 = arith.constant 1632 : i32
    %add3A_29 = arith.addi %add3A_28, %mul3A_27 : i32
    %select_n3A_30 = arith.select %eq3A_23, %mul3A_25, %add3A_29 : i32
    %while3A = arith.constant 0 : i32
    %while3A_31 = arith.constant 0 : i32
    %while3A_32 = arith.subi %select_n3A, %while3A : i32
    %while3A_33 = arith.addi %while3A, %while3A_32 : i32
    %while3A_34 = arith.constant 1 : i32
    %while3A_35 = arith.divsi %while3A_32, %while3A_34 : i32
    %while3A_36 = arith.muli %while3A_35, %while3A_34 : i32
    %while3A_37 = arith.addi %while3A, %while3A_36 : i32
    %while3A_38 = arith.constant 1 : i32
    %while3A_39 = scf.for %while3A_53 = %while3A to %while3A_37 step %while3A_38 iter_args(%while3A_54 = %while3A_31) -> (i32)  : i32 {
      %add3A_55 = arith.addi %select_n3A_30, %while3A_53 : i32
      "tpu.region"() ({
        %run_scoped3A_69 = tpu.sem_alloc : memref<!tpu.dma_semaphore, #tpu.memory_space<semaphore_mem>>
        %dma_start3A_70 = arith.constant 0 : i32
        %dma_start3A_71 = arith.constant 0 : i32
        %dma_start3A_72 = tpu.memref_slice %arg2[%add3A_55, %dma_start3A_70, %dma_start3A_71] : memref<2528x2x128xi32, #tpu.memory_space<hbm>> -> memref<1x2x128xi32, #tpu.memory_space<hbm>>
        %dma_start3A_73 = tpu.memref_squeeze %dma_start3A_72 : memref<1x2x128xi32, #tpu.memory_space<hbm>> -> memref<2x128xi32, #tpu.memory_space<hbm>>
        %dma_start3A_74 = arith.constant 0 : i32
        %dma_start3A_75 = arith.constant 0 : i32
        %dma_start3A_76 = tpu.memref_slice %arg2[%add3A_55, %dma_start3A_74, %dma_start3A_75] : memref<2528x2x128xi32, #tpu.memory_space<hbm>> -> memref<1x2x128xi32, #tpu.memory_space<hbm>>
        %dma_start3A_77 = tpu.memref_squeeze %dma_start3A_76 : memref<1x2x128xi32, #tpu.memory_space<hbm>> -> memref<2x128xi32, #tpu.memory_space<hbm>>
        tpu.enqueue_dma source(%dma_start3A_77 : memref<2x128xi32, #tpu.memory_space<hbm>>) target(%arg5 : memref<2x128xi32, #tpu.memory_space<vmem>>) target_semaphore(%run_scoped3A_69 : memref<!tpu.dma_semaphore, #tpu.memory_space<semaphore_mem>>)
        %dma_wait3A_78 = arith.constant 0 : i32
        %dma_wait3A_79 = arith.constant 0 : i32
        %dma_wait3A_80 = tpu.memref_slice %arg2[%add3A_55, %dma_wait3A_78, %dma_wait3A_79] : memref<2528x2x128xi32, #tpu.memory_space<hbm>> -> memref<1x2x128xi32, #tpu.memory_space<hbm>>
        %dma_wait3A_81 = tpu.memref_squeeze %dma_wait3A_80 : memref<1x2x128xi32, #tpu.memory_space<hbm>> -> memref<2x128xi32, #tpu.memory_space<hbm>>
        %dma_wait3A_82 = arith.constant 0 : i32
        %dma_wait3A_83 = arith.constant 0 : i32
        %dma_wait3A_84 = tpu.memref_slice %arg2[%add3A_55, %dma_wait3A_82, %dma_wait3A_83] : memref<2528x2x128xi32, #tpu.memory_space<hbm>> -> memref<1x2x128xi32, #tpu.memory_space<hbm>>
        %dma_wait3A_85 = tpu.memref_squeeze %dma_wait3A_84 : memref<1x2x128xi32, #tpu.memory_space<hbm>> -> memref<2x128xi32, #tpu.memory_space<hbm>>
        tpu.wait_dma2 semaphore(%run_scoped3A_69 : memref<!tpu.dma_semaphore, #tpu.memory_space<semaphore_mem>>) src(%dma_wait3A_85 : memref<2x128xi32, #tpu.memory_space<hbm>>) dst(%arg5 : memref<2x128xi32, #tpu.memory_space<vmem>>)
        tpu.yield
      }) : () -> ()
      %dma_start3A = arith.constant 0 : i32
      %dma_start3A_56 = arith.constant 0 : i32
      %dma_start3A_57 = tpu.memref_slice %arg5[%dma_start3A, %dma_start3A_56] : memref<2x128xi32, #tpu.memory_space<vmem>> -> memref<1x128xi32, #tpu.memory_space<vmem>>
      %dma_start3A_58 = tpu.memref_squeeze %dma_start3A_57 : memref<1x128xi32, #tpu.memory_space<vmem>> -> memref<128xi32, #tpu.memory_space<vmem>>
      %dma_start3A_59 = arith.constant 0 : i32
      %dma_start3A_60 = arith.constant 0 : i32
      %dma_start3A_61 = tpu.memref_slice %arg3[%dma_start3A_59, %dma_start3A_60] : memref<10240x128xf32, #tpu.memory_space<hbm>> -> memref<10240x128xf32, #tpu.memory_space<hbm>>
      tpu.enqueue_indirect_dma source(%dma_start3A_61 : memref<10240x128xf32, #tpu.memory_space<hbm>>) target(%arg6 : memref<128x128xf32, #tpu.memory_space<vmem>>) offsets(%dma_start3A_58 : memref<128xi32, #tpu.memory_space<vmem>>) semaphore(%arg8 : memref<!tpu.dma_semaphore, #tpu.memory_space<semaphore_mem>>)
      %dma_wait3A = arith.constant 0 : i32
      %dma_wait3A_62 = arith.constant 0 : i32
      %dma_wait3A_63 = tpu.memref_slice %arg5[%dma_wait3A, %dma_wait3A_62] : memref<2x128xi32, #tpu.memory_space<vmem>> -> memref<1x128xi32, #tpu.memory_space<vmem>>
      %dma_wait3A_64 = tpu.memref_squeeze %dma_wait3A_63 : memref<1x128xi32, #tpu.memory_space<vmem>> -> memref<128xi32, #tpu.memory_space<vmem>>
      %dma_wait3A_65 = arith.constant 0 : i32
      %dma_wait3A_66 = arith.constant 0 : i32
      %dma_wait3A_67 = tpu.memref_slice %arg3[%dma_wait3A_65, %dma_wait3A_66] : memref<10240x128xf32, #tpu.memory_space<hbm>> -> memref<10240x128xf32, #tpu.memory_space<hbm>>
      tpu.wait_indirect_dma semaphore(%arg8 : memref<!tpu.dma_semaphore, #tpu.memory_space<semaphore_mem>>) src(%dma_wait3A_67 : memref<10240x128xf32, #tpu.memory_space<hbm>>) dst(%arg6 : memref<128x128xf32, #tpu.memory_space<vmem>>)
      %run_scoped3A = arith.constant 1 : i32
      "tpu.region"() ({
        %run_scoped3A_69 = tpu.sem_alloc : memref<!tpu.dma_semaphore, #tpu.memory_space<semaphore_mem>>
        %dma_start3A_70 = arith.constant 0 : i32
        %dma_start3A_71 = tpu.memref_slice %arg5[%run_scoped3A, %dma_start3A_70] : memref<2x128xi32, #tpu.memory_space<vmem>> -> memref<1x128xi32, #tpu.memory_space<vmem>>
        %dma_start3A_72 = tpu.memref_squeeze %dma_start3A_71 : memref<1x128xi32, #tpu.memory_space<vmem>> -> memref<128xi32, #tpu.memory_space<vmem>>
        %dma_start3A_73 = arith.constant 0 : i32
        %dma_start3A_74 = arith.constant 0 : i32
        %dma_start3A_75 = tpu.memref_slice %arg7[%dma_start3A_73, %dma_start3A_74] : memref<10240x128xf32, #tpu.memory_space<vmem_shared>> -> memref<10240x128xf32, #tpu.memory_space<vmem_shared>>
        tpu.enqueue_indirect_dma source(%arg6 : memref<128x128xf32, #tpu.memory_space<vmem>>) target(%dma_start3A_75 : memref<10240x128xf32, #tpu.memory_space<vmem_shared>>) offsets(%dma_start3A_72 : memref<128xi32, #tpu.memory_space<vmem>>) semaphore(%run_scoped3A_69 : memref<!tpu.dma_semaphore, #tpu.memory_space<semaphore_mem>>) {add = true}
        %dma_wait3A_76 = arith.constant 0 : i32
        %dma_wait3A_77 = tpu.memref_slice %arg5[%run_scoped3A, %dma_wait3A_76] : memref<2x128xi32, #tpu.memory_space<vmem>> -> memref<1x128xi32, #tpu.memory_space<vmem>>
        %dma_wait3A_78 = tpu.memref_squeeze %dma_wait3A_77 : memref<1x128xi32, #tpu.memory_space<vmem>> -> memref<128xi32, #tpu.memory_space<vmem>>
        %dma_wait3A_79 = arith.constant 0 : i32
        %dma_wait3A_80 = arith.constant 0 : i32
        %dma_wait3A_81 = tpu.memref_slice %arg7[%dma_wait3A_79, %dma_wait3A_80] : memref<10240x128xf32, #tpu.memory_space<vmem_shared>> -> memref<10240x128xf32, #tpu.memory_space<vmem_shared>>
        tpu.wait_indirect_dma semaphore(%run_scoped3A_69 : memref<!tpu.dma_semaphore, #tpu.memory_space<semaphore_mem>>) src(%arg6 : memref<128x128xf32, #tpu.memory_space<vmem>>) dst(%dma_wait3A_81 : memref<10240x128xf32, #tpu.memory_space<vmem_shared>>)
        tpu.yield
      }) : () -> ()
      %while3A_68 = arith.constant 0 : i32
      scf.yield %while3A_68 : i32
    }
    %while3A_40 = arith.constant 1 : i32
    %while3A_41 = scf.for %while3A_53 = %while3A_37 to %while3A_33 step %while3A_40 iter_args(%while3A_54 = %while3A_39) -> (i32)  : i32 {
      %add3A_55 = arith.addi %select_n3A_30, %while3A_53 : i32
      "tpu.region"() ({
        %run_scoped3A_69 = tpu.sem_alloc : memref<!tpu.dma_semaphore, #tpu.memory_space<semaphore_mem>>
        %dma_start3A_70 = arith.constant 0 : i32
        %dma_start3A_71 = arith.constant 0 : i32
        %dma_start3A_72 = tpu.memref_slice %arg2[%add3A_55, %dma_start3A_70, %dma_start3A_71] : memref<2528x2x128xi32, #tpu.memory_space<hbm>> -> memref<1x2x128xi32, #tpu.memory_space<hbm>>
        %dma_start3A_73 = tpu.memref_squeeze %dma_start3A_72 : memref<1x2x128xi32, #tpu.memory_space<hbm>> -> memref<2x128xi32, #tpu.memory_space<hbm>>
        %dma_start3A_74 = arith.constant 0 : i32
        %dma_start3A_75 = arith.constant 0 : i32
        %dma_start3A_76 = tpu.memref_slice %arg2[%add3A_55, %dma_start3A_74, %dma_start3A_75] : memref<2528x2x128xi32, #tpu.memory_space<hbm>> -> memref<1x2x128xi32, #tpu.memory_space<hbm>>
        %dma_start3A_77 = tpu.memref_squeeze %dma_start3A_76 : memref<1x2x128xi32, #tpu.memory_space<hbm>> -> memref<2x128xi32, #tpu.memory_space<hbm>>
        tpu.enqueue_dma source(%dma_start3A_77 : memref<2x128xi32, #tpu.memory_space<hbm>>) target(%arg5 : memref<2x128xi32, #tpu.memory_space<vmem>>) target_semaphore(%run_scoped3A_69 : memref<!tpu.dma_semaphore, #tpu.memory_space<semaphore_mem>>)
        %dma_wait3A_78 = arith.constant 0 : i32
        %dma_wait3A_79 = arith.constant 0 : i32
        %dma_wait3A_80 = tpu.memref_slice %arg2[%add3A_55, %dma_wait3A_78, %dma_wait3A_79] : memref<2528x2x128xi32, #tpu.memory_space<hbm>> -> memref<1x2x128xi32, #tpu.memory_space<hbm>>
        %dma_wait3A_81 = tpu.memref_squeeze %dma_wait3A_80 : memref<1x2x128xi32, #tpu.memory_space<hbm>> -> memref<2x128xi32, #tpu.memory_space<hbm>>
        %dma_wait3A_82 = arith.constant 0 : i32
        %dma_wait3A_83 = arith.constant 0 : i32
        %dma_wait3A_84 = tpu.memref_slice %arg2[%add3A_55, %dma_wait3A_82, %dma_wait3A_83] : memref<2528x2x128xi32, #tpu.memory_space<hbm>> -> memref<1x2x128xi32, #tpu.memory_space<hbm>>
        %dma_wait3A_85 = tpu.memref_squeeze %dma_wait3A_84 : memref<1x2x128xi32, #tpu.memory_space<hbm>> -> memref<2x128xi32, #tpu.memory_space<hbm>>
        tpu.wait_dma2 semaphore(%run_scoped3A_69 : memref<!tpu.dma_semaphore, #tpu.memory_space<semaphore_mem>>) src(%dma_wait3A_85 : memref<2x128xi32, #tpu.memory_space<hbm>>) dst(%arg5 : memref<2x128xi32, #tpu.memory_space<vmem>>)
        tpu.yield
      }) : () -> ()
      %dma_start3A = arith.constant 0 : i32
      %dma_start3A_56 = arith.constant 0 : i32
      %dma_start3A_57 = tpu.memref_slice %arg5[%dma_start3A, %dma_start3A_56] : memref<2x128xi32, #tpu.memory_space<vmem>> -> memref<1x128xi32, #tpu.memory_space<vmem>>
      %dma_start3A_58 = tpu.memref_squeeze %dma_start3A_57 : memref<1x128xi32, #tpu.memory_space<vmem>> -> memref<128xi32, #tpu.memory_space<vmem>>
      %dma_start3A_59 = arith.constant 0 : i32
      %dma_start3A_60 = arith.constant 0 : i32
      %dma_start3A_61 = tpu.memref_slice %arg3[%dma_start3A_59, %dma_start3A_60] : memref<10240x128xf32, #tpu.memory_space<hbm>> -> memref<10240x128xf32, #tpu.memory_space<hbm>>
      tpu.enqueue_indirect_dma source(%dma_start3A_61 : memref<10240x128xf32, #tpu.memory_space<hbm>>) target(%arg6 : memref<128x128xf32, #tpu.memory_space<vmem>>) offsets(%dma_start3A_58 : memref<128xi32, #tpu.memory_space<vmem>>) semaphore(%arg8 : memref<!tpu.dma_semaphore, #tpu.memory_space<semaphore_mem>>)
      %dma_wait3A = arith.constant 0 : i32
      %dma_wait3A_62 = arith.constant 0 : i32
      %dma_wait3A_63 = tpu.memref_slice %arg5[%dma_wait3A, %dma_wait3A_62] : memref<2x128xi32, #tpu.memory_space<vmem>> -> memref<1x128xi32, #tpu.memory_space<vmem>>
      %dma_wait3A_64 = tpu.memref_squeeze %dma_wait3A_63 : memref<1x128xi32, #tpu.memory_space<vmem>> -> memref<128xi32, #tpu.memory_space<vmem>>
      %dma_wait3A_65 = arith.constant 0 : i32
      %dma_wait3A_66 = arith.constant 0 : i32
      %dma_wait3A_67 = tpu.memref_slice %arg3[%dma_wait3A_65, %dma_wait3A_66] : memref<10240x128xf32, #tpu.memory_space<hbm>> -> memref<10240x128xf32, #tpu.memory_space<hbm>>
      tpu.wait_indirect_dma semaphore(%arg8 : memref<!tpu.dma_semaphore, #tpu.memory_space<semaphore_mem>>) src(%dma_wait3A_67 : memref<10240x128xf32, #tpu.memory_space<hbm>>) dst(%arg6 : memref<128x128xf32, #tpu.memory_space<vmem>>)
      %run_scoped3A = arith.constant 1 : i32
      "tpu.region"() ({
        %run_scoped3A_69 = tpu.sem_alloc : memref<!tpu.dma_semaphore, #tpu.memory_space<semaphore_mem>>
        %dma_start3A_70 = arith.constant 0 : i32
        %dma_start3A_71 = tpu.memref_slice %arg5[%run_scoped3A, %dma_start3A_70] : memref<2x128xi32, #tpu.memory_space<vmem>> -> memref<1x128xi32, #tpu.memory_space<vmem>>
        %dma_start3A_72 = tpu.memref_squeeze %dma_start3A_71 : memref<1x128xi32, #tpu.memory_space<vmem>> -> memref<128xi32, #tpu.memory_space<vmem>>
        %dma_start3A_73 = arith.constant 0 : i32
        %dma_start3A_74 = arith.constant 0 : i32
        %dma_start3A_75 = tpu.memref_slice %arg7[%dma_start3A_73, %dma_start3A_74] : memref<10240x128xf32, #tpu.memory_space<vmem_shared>> -> memref<10240x128xf32, #tpu.memory_space<vmem_shared>>
        tpu.enqueue_indirect_dma source(%arg6 : memref<128x128xf32, #tpu.memory_space<vmem>>) target(%dma_start3A_75 : memref<10240x128xf32, #tpu.memory_space<vmem_shared>>) offsets(%dma_start3A_72 : memref<128xi32, #tpu.memory_space<vmem>>) semaphore(%run_scoped3A_69 : memref<!tpu.dma_semaphore, #tpu.memory_space<semaphore_mem>>) {add = true}
        %dma_wait3A_76 = arith.constant 0 : i32
        %dma_wait3A_77 = tpu.memref_slice %arg5[%run_scoped3A, %dma_wait3A_76] : memref<2x128xi32, #tpu.memory_space<vmem>> -> memref<1x128xi32, #tpu.memory_space<vmem>>
        %dma_wait3A_78 = tpu.memref_squeeze %dma_wait3A_77 : memref<1x128xi32, #tpu.memory_space<vmem>> -> memref<128xi32, #tpu.memory_space<vmem>>
        %dma_wait3A_79 = arith.constant 0 : i32
        %dma_wait3A_80 = arith.constant 0 : i32
        %dma_wait3A_81 = tpu.memref_slice %arg7[%dma_wait3A_79, %dma_wait3A_80] : memref<10240x128xf32, #tpu.memory_space<vmem_shared>> -> memref<10240x128xf32, #tpu.memory_space<vmem_shared>>
        tpu.wait_indirect_dma semaphore(%run_scoped3A_69 : memref<!tpu.dma_semaphore, #tpu.memory_space<semaphore_mem>>) src(%arg6 : memref<128x128xf32, #tpu.memory_space<vmem>>) dst(%dma_wait3A_81 : memref<10240x128xf32, #tpu.memory_space<vmem_shared>>)
        tpu.yield
      }) : () -> ()
      %while3A_68 = arith.constant 0 : i32
      scf.yield %while3A_68 : i32
    }
    %barrier3A_42 = arith.constant 0 : index
    tpu.barrier barrier_id(%barrier3A_42)
    %add3A_43 = arith.constant 0 : i32
    %add3A_44 = arith.addi %mul3A_9, %add3A_43 : i32
    "tpu.region"() ({
      %run_scoped3A = tpu.sem_alloc : memref<!tpu.dma_semaphore, #tpu.memory_space<semaphore_mem>>
      %dma_start3A = arith.constant 0 : i32
      %dma_start3A_53 = tpu.memref_slice %arg7[%add3A_44, %dma_start3A] : memref<10240x128xf32, #tpu.memory_space<vmem_shared>> -> memref<128x128xf32, #tpu.memory_space<vmem_shared>>
      %dma_start3A_54 = arith.constant 0 : i32
      %dma_start3A_55 = tpu.memref_slice %arg7[%add3A_44, %dma_start3A_54] : memref<10240x128xf32, #tpu.memory_space<vmem_shared>> -> memref<128x128xf32, #tpu.memory_space<vmem_shared>>
      tpu.enqueue_dma source(%dma_start3A_55 : memref<128x128xf32, #tpu.memory_space<vmem_shared>>) target(%arg6 : memref<128x128xf32, #tpu.memory_space<vmem>>) target_semaphore(%run_scoped3A : memref<!tpu.dma_semaphore, #tpu.memory_space<semaphore_mem>>)
      %dma_wait3A = arith.constant 0 : i32
      %dma_wait3A_56 = tpu.memref_slice %arg7[%add3A_44, %dma_wait3A] : memref<10240x128xf32, #tpu.memory_space<vmem_shared>> -> memref<128x128xf32, #tpu.memory_space<vmem_shared>>
      %dma_wait3A_57 = arith.constant 0 : i32
      %dma_wait3A_58 = tpu.memref_slice %arg7[%add3A_44, %dma_wait3A_57] : memref<10240x128xf32, #tpu.memory_space<vmem_shared>> -> memref<128x128xf32, #tpu.memory_space<vmem_shared>>
      tpu.wait_dma2 semaphore(%run_scoped3A : memref<!tpu.dma_semaphore, #tpu.memory_space<semaphore_mem>>) src(%dma_wait3A_58 : memref<128x128xf32, #tpu.memory_space<vmem_shared>>) dst(%arg6 : memref<128x128xf32, #tpu.memory_space<vmem>>)
      tpu.yield
    }) : () -> ()
    "tpu.region"() ({
      %run_scoped3A = tpu.sem_alloc : memref<!tpu.dma_semaphore, #tpu.memory_space<semaphore_mem>>
      %dma_start3A = arith.constant 0 : i32
      %dma_start3A_53 = tpu.memref_slice %arg4[%arg0, %add3A_44, %dma_start3A] : memref<2x10240x128xf32, #tpu.memory_space<hbm>> -> memref<1x128x128xf32, #tpu.memory_space<hbm>>
      %dma_start3A_54 = tpu.memref_squeeze %dma_start3A_53 : memref<1x128x128xf32, #tpu.memory_space<hbm>> -> memref<128x128xf32, #tpu.memory_space<hbm>>
      %dma_start3A_55 = arith.constant 0 : i32
      %dma_start3A_56 = tpu.memref_slice %arg4[%arg0, %add3A_44, %dma_start3A_55] : memref<2x10240x128xf32, #tpu.memory_space<hbm>> -> memref<1x128x128xf32, #tpu.memory_space<hbm>>
      %dma_start3A_57 = tpu.memref_squeeze %dma_start3A_56 : memref<1x128x128xf32, #tpu.memory_space<hbm>> -> memref<128x128xf32, #tpu.memory_space<hbm>>
      tpu.enqueue_dma source(%arg6 : memref<128x128xf32, #tpu.memory_space<vmem>>) target(%dma_start3A_57 : memref<128x128xf32, #tpu.memory_space<hbm>>) target_semaphore(%run_scoped3A : memref<!tpu.dma_semaphore, #tpu.memory_space<semaphore_mem>>)
      %dma_wait3A = arith.constant 0 : i32
      %dma_wait3A_58 = tpu.memref_slice %arg4[%arg0, %add3A_44, %dma_wait3A] : memref<2x10240x128xf32, #tpu.memory_space<hbm>> -> memref<1x128x128xf32, #tpu.memory_space<hbm>>
      %dma_wait3A_59 = tpu.memref_squeeze %dma_wait3A_58 : memref<1x128x128xf32, #tpu.memory_space<hbm>> -> memref<128x128xf32, #tpu.memory_space<hbm>>
      %dma_wait3A_60 = arith.constant 0 : i32
      %dma_wait3A_61 = tpu.memref_slice %arg4[%arg0, %add3A_44, %dma_wait3A_60] : memref<2x10240x128xf32, #tpu.memory_space<hbm>> -> memref<1x128x128xf32, #tpu.memory_space<hbm>>
      %dma_wait3A_62 = tpu.memref_squeeze %dma_wait3A_61 : memref<1x128x128xf32, #tpu.memory_space<hbm>> -> memref<128x128xf32, #tpu.memory_space<hbm>>
      tpu.wait_dma2 semaphore(%run_scoped3A : memref<!tpu.dma_semaphore, #tpu.memory_space<semaphore_mem>>) src(%arg6 : memref<128x128xf32, #tpu.memory_space<vmem>>) dst(%dma_wait3A_62 : memref<128x128xf32, #tpu.memory_space<hbm>>)
      tpu.yield
    }) : () -> ()
    %add3A_45 = arith.constant 128 : i32
    %add3A_46 = arith.addi %mul3A_9, %add3A_45 : i32
    "tpu.region"() ({
      %run_scoped3A = tpu.sem_alloc : memref<!tpu.dma_semaphore, #tpu.memory_space<semaphore_mem>>
      %dma_start3A = arith.constant 0 : i32
      %dma_start3A_53 = tpu.memref_slice %arg7[%add3A_46, %dma_start3A] : memref<10240x128xf32, #tpu.memory_space<vmem_shared>> -> memref<128x128xf32, #tpu.memory_space<vmem_shared>>
      %dma_start3A_54 = arith.constant 0 : i32
      %dma_start3A_55 = tpu.memref_slice %arg7[%add3A_46, %dma_start3A_54] : memref<10240x128xf32, #tpu.memory_space<vmem_shared>> -> memref<128x128xf32, #tpu.memory_space<vmem_shared>>
      tpu.enqueue_dma source(%dma_start3A_55 : memref<128x128xf32, #tpu.memory_space<vmem_shared>>) target(%arg6 : memref<128x128xf32, #tpu.memory_space<vmem>>) target_semaphore(%run_scoped3A : memref<!tpu.dma_semaphore, #tpu.memory_space<semaphore_mem>>)
      %dma_wait3A = arith.constant 0 : i32
      %dma_wait3A_56 = tpu.memref_slice %arg7[%add3A_46, %dma_wait3A] : memref<10240x128xf32, #tpu.memory_space<vmem_shared>> -> memref<128x128xf32, #tpu.memory_space<vmem_shared>>
      %dma_wait3A_57 = arith.constant 0 : i32
      %dma_wait3A_58 = tpu.memref_slice %arg7[%add3A_46, %dma_wait3A_57] : memref<10240x128xf32, #tpu.memory_space<vmem_shared>> -> memref<128x128xf32, #tpu.memory_space<vmem_shared>>
      tpu.wait_dma2 semaphore(%run_scoped3A : memref<!tpu.dma_semaphore, #tpu.memory_space<semaphore_mem>>) src(%dma_wait3A_58 : memref<128x128xf32, #tpu.memory_space<vmem_shared>>) dst(%arg6 : memref<128x128xf32, #tpu.memory_space<vmem>>)
      tpu.yield
    }) : () -> ()
    "tpu.region"() ({
      %run_scoped3A = tpu.sem_alloc : memref<!tpu.dma_semaphore, #tpu.memory_space<semaphore_mem>>
      %dma_start3A = arith.constant 0 : i32
      %dma_start3A_53 = tpu.memref_slice %arg4[%arg0, %add3A_46, %dma_start3A] : memref<2x10240x128xf32, #tpu.memory_space<hbm>> -> memref<1x128x128xf32, #tpu.memory_space<hbm>>
      %dma_start3A_54 = tpu.memref_squeeze %dma_start3A_53 : memref<1x128x128xf32, #tpu.memory_space<hbm>> -> memref<128x128xf32, #tpu.memory_space<hbm>>
      %dma_start3A_55 = arith.constant 0 : i32
      %dma_start3A_56 = tpu.memref_slice %arg4[%arg0, %add3A_46, %dma_start3A_55] : memref<2x10240x128xf32, #tpu.memory_space<hbm>> -> memref<1x128x128xf32, #tpu.memory_space<hbm>>
      %dma_start3A_57 = tpu.memref_squeeze %dma_start3A_56 : memref<1x128x128xf32, #tpu.memory_space<hbm>> -> memref<128x128xf32, #tpu.memory_space<hbm>>
      tpu.enqueue_dma source(%arg6 : memref<128x128xf32, #tpu.memory_space<vmem>>) target(%dma_start3A_57 : memref<128x128xf32, #tpu.memory_space<hbm>>) target_semaphore(%run_scoped3A : memref<!tpu.dma_semaphore, #tpu.memory_space<semaphore_mem>>)
      %dma_wait3A = arith.constant 0 : i32
      %dma_wait3A_58 = tpu.memref_slice %arg4[%arg0, %add3A_46, %dma_wait3A] : memref<2x10240x128xf32, #tpu.memory_space<hbm>> -> memref<1x128x128xf32, #tpu.memory_space<hbm>>
      %dma_wait3A_59 = tpu.memref_squeeze %dma_wait3A_58 : memref<1x128x128xf32, #tpu.memory_space<hbm>> -> memref<128x128xf32, #tpu.memory_space<hbm>>
      %dma_wait3A_60 = arith.constant 0 : i32
      %dma_wait3A_61 = tpu.memref_slice %arg4[%arg0, %add3A_46, %dma_wait3A_60] : memref<2x10240x128xf32, #tpu.memory_space<hbm>> -> memref<1x128x128xf32, #tpu.memory_space<hbm>>
      %dma_wait3A_62 = tpu.memref_squeeze %dma_wait3A_61 : memref<1x128x128xf32, #tpu.memory_space<hbm>> -> memref<128x128xf32, #tpu.memory_space<hbm>>
      tpu.wait_dma2 semaphore(%run_scoped3A : memref<!tpu.dma_semaphore, #tpu.memory_space<semaphore_mem>>) src(%arg6 : memref<128x128xf32, #tpu.memory_space<vmem>>) dst(%dma_wait3A_62 : memref<128x128xf32, #tpu.memory_space<hbm>>)
      tpu.yield
    }) : () -> ()
    %add3A_47 = arith.constant 256 : i32
    %add3A_48 = arith.addi %mul3A_9, %add3A_47 : i32
    "tpu.region"() ({
      %run_scoped3A = tpu.sem_alloc : memref<!tpu.dma_semaphore, #tpu.memory_space<semaphore_mem>>
      %dma_start3A = arith.constant 0 : i32
      %dma_start3A_53 = tpu.memref_slice %arg7[%add3A_48, %dma_start3A] : memref<10240x128xf32, #tpu.memory_space<vmem_shared>> -> memref<128x128xf32, #tpu.memory_space<vmem_shared>>
      %dma_start3A_54 = arith.constant 0 : i32
      %dma_start3A_55 = tpu.memref_slice %arg7[%add3A_48, %dma_start3A_54] : memref<10240x128xf32, #tpu.memory_space<vmem_shared>> -> memref<128x128xf32, #tpu.memory_space<vmem_shared>>
      tpu.enqueue_dma source(%dma_start3A_55 : memref<128x128xf32, #tpu.memory_space<vmem_shared>>) target(%arg6 : memref<128x128xf32, #tpu.memory_space<vmem>>) target_semaphore(%run_scoped3A : memref<!tpu.dma_semaphore, #tpu.memory_space<semaphore_mem>>)
      %dma_wait3A = arith.constant 0 : i32
      %dma_wait3A_56 = tpu.memref_slice %arg7[%add3A_48, %dma_wait3A] : memref<10240x128xf32, #tpu.memory_space<vmem_shared>> -> memref<128x128xf32, #tpu.memory_space<vmem_shared>>
      %dma_wait3A_57 = arith.constant 0 : i32
      %dma_wait3A_58 = tpu.memref_slice %arg7[%add3A_48, %dma_wait3A_57] : memref<10240x128xf32, #tpu.memory_space<vmem_shared>> -> memref<128x128xf32, #tpu.memory_space<vmem_shared>>
      tpu.wait_dma2 semaphore(%run_scoped3A : memref<!tpu.dma_semaphore, #tpu.memory_space<semaphore_mem>>) src(%dma_wait3A_58 : memref<128x128xf32, #tpu.memory_space<vmem_shared>>) dst(%arg6 : memref<128x128xf32, #tpu.memory_space<vmem>>)
      tpu.yield
    }) : () -> ()
    "tpu.region"() ({
      %run_scoped3A = tpu.sem_alloc : memref<!tpu.dma_semaphore, #tpu.memory_space<semaphore_mem>>
      %dma_start3A = arith.constant 0 : i32
      %dma_start3A_53 = tpu.memref_slice %arg4[%arg0, %add3A_48, %dma_start3A] : memref<2x10240x128xf32, #tpu.memory_space<hbm>> -> memref<1x128x128xf32, #tpu.memory_space<hbm>>
      %dma_start3A_54 = tpu.memref_squeeze %dma_start3A_53 : memref<1x128x128xf32, #tpu.memory_space<hbm>> -> memref<128x128xf32, #tpu.memory_space<hbm>>
      %dma_start3A_55 = arith.constant 0 : i32
      %dma_start3A_56 = tpu.memref_slice %arg4[%arg0, %add3A_48, %dma_start3A_55] : memref<2x10240x128xf32, #tpu.memory_space<hbm>> -> memref<1x128x128xf32, #tpu.memory_space<hbm>>
      %dma_start3A_57 = tpu.memref_squeeze %dma_start3A_56 : memref<1x128x128xf32, #tpu.memory_space<hbm>> -> memref<128x128xf32, #tpu.memory_space<hbm>>
      tpu.enqueue_dma source(%arg6 : memref<128x128xf32, #tpu.memory_space<vmem>>) target(%dma_start3A_57 : memref<128x128xf32, #tpu.memory_space<hbm>>) target_semaphore(%run_scoped3A : memref<!tpu.dma_semaphore, #tpu.memory_space<semaphore_mem>>)
      %dma_wait3A = arith.constant 0 : i32
      %dma_wait3A_58 = tpu.memref_slice %arg4[%arg0, %add3A_48, %dma_wait3A] : memref<2x10240x128xf32, #tpu.memory_space<hbm>> -> memref<1x128x128xf32, #tpu.memory_space<hbm>>
      %dma_wait3A_59 = tpu.memref_squeeze %dma_wait3A_58 : memref<1x128x128xf32, #tpu.memory_space<hbm>> -> memref<128x128xf32, #tpu.memory_space<hbm>>
      %dma_wait3A_60 = arith.constant 0 : i32
      %dma_wait3A_61 = tpu.memref_slice %arg4[%arg0, %add3A_48, %dma_wait3A_60] : memref<2x10240x128xf32, #tpu.memory_space<hbm>> -> memref<1x128x128xf32, #tpu.memory_space<hbm>>
      %dma_wait3A_62 = tpu.memref_squeeze %dma_wait3A_61 : memref<1x128x128xf32, #tpu.memory_space<hbm>> -> memref<128x128xf32, #tpu.memory_space<hbm>>
      tpu.wait_dma2 semaphore(%run_scoped3A : memref<!tpu.dma_semaphore, #tpu.memory_space<semaphore_mem>>) src(%arg6 : memref<128x128xf32, #tpu.memory_space<vmem>>) dst(%dma_wait3A_62 : memref<128x128xf32, #tpu.memory_space<hbm>>)
      tpu.yield
    }) : () -> ()
    %add3A_49 = arith.constant 384 : i32
    %add3A_50 = arith.addi %mul3A_9, %add3A_49 : i32
    "tpu.region"() ({
      %run_scoped3A = tpu.sem_alloc : memref<!tpu.dma_semaphore, #tpu.memory_space<semaphore_mem>>
      %dma_start3A = arith.constant 0 : i32
      %dma_start3A_53 = tpu.memref_slice %arg7[%add3A_50, %dma_start3A] : memref<10240x128xf32, #tpu.memory_space<vmem_shared>> -> memref<128x128xf32, #tpu.memory_space<vmem_shared>>
      %dma_start3A_54 = arith.constant 0 : i32
      %dma_start3A_55 = tpu.memref_slice %arg7[%add3A_50, %dma_start3A_54] : memref<10240x128xf32, #tpu.memory_space<vmem_shared>> -> memref<128x128xf32, #tpu.memory_space<vmem_shared>>
      tpu.enqueue_dma source(%dma_start3A_55 : memref<128x128xf32, #tpu.memory_space<vmem_shared>>) target(%arg6 : memref<128x128xf32, #tpu.memory_space<vmem>>) target_semaphore(%run_scoped3A : memref<!tpu.dma_semaphore, #tpu.memory_space<semaphore_mem>>)
      %dma_wait3A = arith.constant 0 : i32
      %dma_wait3A_56 = tpu.memref_slice %arg7[%add3A_50, %dma_wait3A] : memref<10240x128xf32, #tpu.memory_space<vmem_shared>> -> memref<128x128xf32, #tpu.memory_space<vmem_shared>>
      %dma_wait3A_57 = arith.constant 0 : i32
      %dma_wait3A_58 = tpu.memref_slice %arg7[%add3A_50, %dma_wait3A_57] : memref<10240x128xf32, #tpu.memory_space<vmem_shared>> -> memref<128x128xf32, #tpu.memory_space<vmem_shared>>
      tpu.wait_dma2 semaphore(%run_scoped3A : memref<!tpu.dma_semaphore, #tpu.memory_space<semaphore_mem>>) src(%dma_wait3A_58 : memref<128x128xf32, #tpu.memory_space<vmem_shared>>) dst(%arg6 : memref<128x128xf32, #tpu.memory_space<vmem>>)
      tpu.yield
    }) : () -> ()
    "tpu.region"() ({
      %run_scoped3A = tpu.sem_alloc : memref<!tpu.dma_semaphore, #tpu.memory_space<semaphore_mem>>
      %dma_start3A = arith.constant 0 : i32
      %dma_start3A_53 = tpu.memref_slice %arg4[%arg0, %add3A_50, %dma_start3A] : memref<2x10240x128xf32, #tpu.memory_space<hbm>> -> memref<1x128x128xf32, #tpu.memory_space<hbm>>
      %dma_start3A_54 = tpu.memref_squeeze %dma_start3A_53 : memref<1x128x128xf32, #tpu.memory_space<hbm>> -> memref<128x128xf32, #tpu.memory_space<hbm>>
      %dma_start3A_55 = arith.constant 0 : i32
      %dma_start3A_56 = tpu.memref_slice %arg4[%arg0, %add3A_50, %dma_start3A_55] : memref<2x10240x128xf32, #tpu.memory_space<hbm>> -> memref<1x128x128xf32, #tpu.memory_space<hbm>>
      %dma_start3A_57 = tpu.memref_squeeze %dma_start3A_56 : memref<1x128x128xf32, #tpu.memory_space<hbm>> -> memref<128x128xf32, #tpu.memory_space<hbm>>
      tpu.enqueue_dma source(%arg6 : memref<128x128xf32, #tpu.memory_space<vmem>>) target(%dma_start3A_57 : memref<128x128xf32, #tpu.memory_space<hbm>>) target_semaphore(%run_scoped3A : memref<!tpu.dma_semaphore, #tpu.memory_space<semaphore_mem>>)
      %dma_wait3A = arith.constant 0 : i32
      %dma_wait3A_58 = tpu.memref_slice %arg4[%arg0, %add3A_50, %dma_wait3A] : memref<2x10240x128xf32, #tpu.memory_space<hbm>> -> memref<1x128x128xf32, #tpu.memory_space<hbm>>
      %dma_wait3A_59 = tpu.memref_squeeze %dma_wait3A_58 : memref<1x128x128xf32, #tpu.memory_space<hbm>> -> memref<128x128xf32, #tpu.memory_space<hbm>>
      %dma_wait3A_60 = arith.constant 0 : i32
      %dma_wait3A_61 = tpu.memref_slice %arg4[%arg0, %add3A_50, %dma_wait3A_60] : memref<2x10240x128xf32, #tpu.memory_space<hbm>> -> memref<1x128x128xf32, #tpu.memory_space<hbm>>
      %dma_wait3A_62 = tpu.memref_squeeze %dma_wait3A_61 : memref<1x128x128xf32, #tpu.memory_space<hbm>> -> memref<128x128xf32, #tpu.memory_space<hbm>>
      tpu.wait_dma2 semaphore(%run_scoped3A : memref<!tpu.dma_semaphore, #tpu.memory_space<semaphore_mem>>) src(%arg6 : memref<128x128xf32, #tpu.memory_space<vmem>>) dst(%dma_wait3A_62 : memref<128x128xf32, #tpu.memory_space<hbm>>)
      tpu.yield
    }) : () -> ()
    %add3A_51 = arith.constant 512 : i32
    %add3A_52 = arith.addi %mul3A_9, %add3A_51 : i32
    "tpu.region"() ({
      %run_scoped3A = tpu.sem_alloc : memref<!tpu.dma_semaphore, #tpu.memory_space<semaphore_mem>>
      %dma_start3A = arith.constant 0 : i32
      %dma_start3A_53 = tpu.memref_slice %arg7[%add3A_52, %dma_start3A] : memref<10240x128xf32, #tpu.memory_space<vmem_shared>> -> memref<128x128xf32, #tpu.memory_space<vmem_shared>>
      %dma_start3A_54 = arith.constant 0 : i32
      %dma_start3A_55 = tpu.memref_slice %arg7[%add3A_52, %dma_start3A_54] : memref<10240x128xf32, #tpu.memory_space<vmem_shared>> -> memref<128x128xf32, #tpu.memory_space<vmem_shared>>
      tpu.enqueue_dma source(%dma_start3A_55 : memref<128x128xf32, #tpu.memory_space<vmem_shared>>) target(%arg6 : memref<128x128xf32, #tpu.memory_space<vmem>>) target_semaphore(%run_scoped3A : memref<!tpu.dma_semaphore, #tpu.memory_space<semaphore_mem>>)
      %dma_wait3A = arith.constant 0 : i32
      %dma_wait3A_56 = tpu.memref_slice %arg7[%add3A_52, %dma_wait3A] : memref<10240x128xf32, #tpu.memory_space<vmem_shared>> -> memref<128x128xf32, #tpu.memory_space<vmem_shared>>
      %dma_wait3A_57 = arith.constant 0 : i32
      %dma_wait3A_58 = tpu.memref_slice %arg7[%add3A_52, %dma_wait3A_57] : memref<10240x128xf32, #tpu.memory_space<vmem_shared>> -> memref<128x128xf32, #tpu.memory_space<vmem_shared>>
      tpu.wait_dma2 semaphore(%run_scoped3A : memref<!tpu.dma_semaphore, #tpu.memory_space<semaphore_mem>>) src(%dma_wait3A_58 : memref<128x128xf32, #tpu.memory_space<vmem_shared>>) dst(%arg6 : memref<128x128xf32, #tpu.memory_space<vmem>>)
      tpu.yield
    }) : () -> ()
    "tpu.region"() ({
      %run_scoped3A = tpu.sem_alloc : memref<!tpu.dma_semaphore, #tpu.memory_space<semaphore_mem>>
      %dma_start3A = arith.constant 0 : i32
      %dma_start3A_53 = tpu.memref_slice %arg4[%arg0, %add3A_52, %dma_start3A] : memref<2x10240x128xf32, #tpu.memory_space<hbm>> -> memref<1x128x128xf32, #tpu.memory_space<hbm>>
      %dma_start3A_54 = tpu.memref_squeeze %dma_start3A_53 : memref<1x128x128xf32, #tpu.memory_space<hbm>> -> memref<128x128xf32, #tpu.memory_space<hbm>>
      %dma_start3A_55 = arith.constant 0 : i32
      %dma_start3A_56 = tpu.memref_slice %arg4[%arg0, %add3A_52, %dma_start3A_55] : memref<2x10240x128xf32, #tpu.memory_space<hbm>> -> memref<1x128x128xf32, #tpu.memory_space<hbm>>
      %dma_start3A_57 = tpu.memref_squeeze %dma_start3A_56 : memref<1x128x128xf32, #tpu.memory_space<hbm>> -> memref<128x128xf32, #tpu.memory_space<hbm>>
      tpu.enqueue_dma source(%arg6 : memref<128x128xf32, #tpu.memory_space<vmem>>) target(%dma_start3A_57 : memref<128x128xf32, #tpu.memory_space<hbm>>) target_semaphore(%run_scoped3A : memref<!tpu.dma_semaphore, #tpu.memory_space<semaphore_mem>>)
      %dma_wait3A = arith.constant 0 : i32
      %dma_wait3A_58 = tpu.memref_slice %arg4[%arg0, %add3A_52, %dma_wait3A] : memref<2x10240x128xf32, #tpu.memory_space<hbm>> -> memref<1x128x128xf32, #tpu.memory_space<hbm>>
      %dma_wait3A_59 = tpu.memref_squeeze %dma_wait3A_58 : memref<1x128x128xf32, #tpu.memory_space<hbm>> -> memref<128x128xf32, #tpu.memory_space<hbm>>
      %dma_wait3A_60 = arith.constant 0 : i32
      %dma_wait3A_61 = tpu.memref_slice %arg4[%arg0, %add3A_52, %dma_wait3A_60] : memref<2x10240x128xf32, #tpu.memory_space<hbm>> -> memref<1x128x128xf32, #tpu.memory_space<hbm>>
      %dma_wait3A_62 = tpu.memref_squeeze %dma_wait3A_61 : memref<1x128x128xf32, #tpu.memory_space<hbm>> -> memref<128x128xf32, #tpu.memory_space<hbm>>
      tpu.wait_dma2 semaphore(%run_scoped3A : memref<!tpu.dma_semaphore, #tpu.memory_space<semaphore_mem>>) src(%arg6 : memref<128x128xf32, #tpu.memory_space<vmem>>) dst(%dma_wait3A_62 : memref<128x128xf32, #tpu.memory_space<hbm>>)
      tpu.yield
    }) : () -> ()
    return
  }
}

module attributes {stable_mosaic.version = 14 : i64} {
  func.func @body(%arg0: i32, %arg1: memref<1024x128xf32, #tpu.memory_space<vmem>>, %arg2: memref<128x128xf32, #tpu.memory_space<vmem>>, %arg3: memref<1024x128xf32, #tpu.memory_space<vmem>>) attributes {dimension_semantics = [#tpu.dimension_semantics<arbitrary>], iteration_bounds = array<i64: 10>, scalar_prefetch = 0 : i64, scratch_operands = 0 : i64, tpu.core_type = #tpu.core_type<tc>, window_params = [{transform_indices = @transform_0, window_bounds = array<i64: 1024, 128>}, {pipeline_mode = #tpu.pipeline_mode<synchronous>, transform_indices = @transform_1, window_bounds = array<i64: 128, 128>}, {transform_indices = @transform_2, window_bounds = array<i64: 1024, 128>}]} {
    %get3A = arith.constant 0 : index
    %get3A_0 = arith.constant 0 : index
    %get3A_1 = vector.load %arg1[%get3A, %get3A_0] : memref<1024x128xf32, #tpu.memory_space<vmem>>, vector<1024x128xf32>
    %get3A_2 = arith.constant 0 : index
    %get3A_3 = arith.constant 0 : index
    %get3A_4 = vector.load %arg2[%get3A_2, %get3A_3] : memref<128x128xf32, #tpu.memory_space<vmem>>, vector<128x128xf32>
    %dot_general3A = arith.constant dense<0.000000e+00> : vector<1024x128xf32>
    %dot_general3A_5 = tpu.matmul %get3A_1, %get3A_4, %dot_general3A {dimension_numbers = #tpu.dot_dimension_numbers<[1], [0], [0], [1], [0, 0, 1, 1], [], []>, transpose_lhs_hint = false} : vector<1024x128xf32>, vector<128x128xf32>, vector<1024x128xf32> -> vector<1024x128xf32>
    %swap3A = arith.constant 0 : index
    %swap3A_6 = arith.constant 0 : index
    %swap3A_7 = vector.load %arg3[%swap3A, %swap3A_6] : memref<1024x128xf32, #tpu.memory_space<vmem>>, vector<1024x128xf32>
    tpu.vector_store %arg3[%swap3A, %swap3A_6], %dot_general3A_5 {strides = array<i32>} : memref<1024x128xf32, #tpu.memory_space<vmem>>, vector<1024x128xf32>,
    return
  }
  func.func @transform_0(%arg0: i32) -> (i32, i32) {
    %c0_i32 = arith.constant 0 : i32
    %c0_i32_0 = arith.constant 0 : i32
    return %arg0, %c0_i32 : i32, i32
  }
  func.func @transform_1(%arg0: i32) -> (i32, i32) {
    %c0_i32 = arith.constant 0 : i32
    %c0_i32_0 = arith.constant 0 : i32
    %c0_i32_1 = arith.constant 0 : i32
    return %c0_i32, %c0_i32_0 : i32, i32
  }
  func.func @transform_2(%arg0: i32) -> (i32, i32) {
    %c0_i32 = arith.constant 0 : i32
    %c0_i32_0 = arith.constant 0 : i32
    return %arg0, %c0_i32 : i32, i32
  }
}

module attributes {stable_mosaic.version = 14 : i64} {
  func.func @body(%arg0: i32, %arg1: memref<1024x128xf32, #tpu.memory_space<vmem>>, %arg2: memref<1024x2xf32, #tpu.memory_space<vmem>>, %arg3: memref<1024x128xf32, #tpu.memory_space<vmem>>, %arg4: memref<1024x1xf32, #tpu.memory_space<vmem>>) attributes {dimension_semantics = [#tpu.dimension_semantics<arbitrary>], iteration_bounds = array<i64: 10>, scalar_prefetch = 0 : i64, scratch_operands = 0 : i64, tpu.core_type = #tpu.core_type<tc>, window_params = [{transform_indices = @transform_0, window_bounds = array<i64: 1024, 128>}, {transform_indices = @transform_1, window_bounds = array<i64: 1024, 2>}, {transform_indices = @transform_2, window_bounds = array<i64: 1024, 128>}, {transform_indices = @transform_3, window_bounds = array<i64: 1024, 1>}]} {
    %get3A = arith.constant 0 : index
    %get3A_0 = arith.constant 0 : index
    %get3A_1 = vector.load %arg2[%get3A, %get3A_0] : memref<1024x2xf32, #tpu.memory_space<vmem>>, vector<1024x1xf32>
    %get3A_2 = arith.constant 0 : index
    %get3A_3 = arith.constant 1 : index
    %get3A_4 = vector.load %arg2[%get3A_2, %get3A_3] : memref<1024x2xf32, #tpu.memory_space<vmem>>, vector<1024x1xf32>
    %add3A = arith.addf %get3A_1, %get3A_4 : vector<1024x1xf32>
    %add3A_5 = arith.constant 1.000000e+00 : f32
    %add3A_6 = vector.broadcast %add3A_5 : f32 to vector<1024x1xf32>
    %add3A_7 = arith.addf %add3A, %add3A_6 : vector<1024x1xf32>
    %rsqrt3A = math.rsqrt %add3A_7 : vector<1024x1xf32>
    %swap3A = arith.constant 0 : index
    %swap3A_8 = arith.constant 0 : index
    %swap3A_9 = vector.load %arg4[%swap3A, %swap3A_8] : memref<1024x1xf32, #tpu.memory_space<vmem>>, vector<1024x1xf32>
    tpu.vector_store %arg4[%swap3A, %swap3A_8], %rsqrt3A {strides = array<i32>} : memref<1024x1xf32, #tpu.memory_space<vmem>>, vector<1024x1xf32>,
    %get3A_10 = arith.constant 0 : index
    %get3A_11 = arith.constant 0 : index
    %get3A_12 = vector.load %arg1[%get3A_10, %get3A_11] : memref<1024x128xf32, #tpu.memory_space<vmem>>, vector<1024x128xf32>
    %mul3A = vector.broadcast %rsqrt3A : vector<1024x1xf32> to vector<1024x128xf32>
    %mul3A_13 = arith.mulf %get3A_12, %mul3A : vector<1024x128xf32>
    %swap3A_14 = arith.constant 0 : index
    %swap3A_15 = arith.constant 0 : index
    %swap3A_16 = vector.load %arg3[%swap3A_14, %swap3A_15] : memref<1024x128xf32, #tpu.memory_space<vmem>>, vector<1024x128xf32>
    tpu.vector_store %arg3[%swap3A_14, %swap3A_15], %mul3A_13 {strides = array<i32>} : memref<1024x128xf32, #tpu.memory_space<vmem>>, vector<1024x128xf32>,
    return
  }
  func.func @transform_0(%arg0: i32) -> (i32, i32) {
    %c0_i32 = arith.constant 0 : i32
    %c0_i32_0 = arith.constant 0 : i32
    return %arg0, %c0_i32 : i32, i32
  }
  func.func @transform_1(%arg0: i32) -> (i32, i32) {
    %c0_i32 = arith.constant 0 : i32
    %c0_i32_0 = arith.constant 0 : i32
    return %arg0, %c0_i32 : i32, i32
  }
  func.func @transform_2(%arg0: i32) -> (i32, i32) {
    %c0_i32 = arith.constant 0 : i32
    %c0_i32_0 = arith.constant 0 : i32
    return %arg0, %c0_i32 : i32, i32
  }
  func.func @transform_3(%arg0: i32) -> (i32, i32) {
    %c0_i32 = arith.constant 0 : i32
    %c0_i32_0 = arith.constant 0 : i32
    return %arg0, %c0_i32 : i32, i32
  }
}

module attributes {stable_mosaic.version = 14 : i64} {
  func.func @body(%arg0: i32, %arg1: memref<1024x128xf32, #tpu.memory_space<vmem>>, %arg2: memref<2x1024x128xf32, #tpu.memory_space<vmem>>, %arg3: memref<1024x1xf32, #tpu.memory_space<vmem>>, %arg4: memref<1x128xf32, #tpu.memory_space<vmem>>, %arg5: memref<128x128xf32, #tpu.memory_space<vmem>>, %arg6: memref<1024x128xf32, #tpu.memory_space<vmem>>) attributes {dimension_semantics = [#tpu.dimension_semantics<arbitrary>], iteration_bounds = array<i64: 10>, scalar_prefetch = 0 : i64, scratch_operands = 0 : i64, tpu.core_type = #tpu.core_type<tc>, window_params = [{transform_indices = @transform_0, window_bounds = array<i64: 1024, 128>}, {transform_indices = @transform_1, window_bounds = array<i64: 2, 1024, 128>}, {transform_indices = @transform_2, window_bounds = array<i64: 1024, 1>}, {pipeline_mode = #tpu.pipeline_mode<synchronous>, transform_indices = @transform_3, window_bounds = array<i64: 1, 128>}, {pipeline_mode = #tpu.pipeline_mode<synchronous>, transform_indices = @transform_4, window_bounds = array<i64: 128, 128>}, {transform_indices = @transform_5, window_bounds = array<i64: 1024, 128>}]} {
    %get3A = arith.constant 0 : index
    %get3A_0 = arith.constant 0 : index
    %get3A_1 = vector.load %arg3[%get3A, %get3A_0] : memref<1024x1xf32, #tpu.memory_space<vmem>>, vector<1024x1xf32>
    %get3A_2 = arith.constant 0 : index
    %get3A_3 = arith.constant 0 : index
    %get3A_4 = arith.constant 0 : index
    %get3A_5 = vector.load %arg2[%get3A_2, %get3A_3, %get3A_4] : memref<2x1024x128xf32, #tpu.memory_space<vmem>>, vector<1x1024x128xf32>
    %get3A_6 = vector.shape_cast %get3A_5 : vector<1x1024x128xf32> to vector<1024x128xf32>
    %get3A_7 = arith.constant 1 : index
    %get3A_8 = arith.constant 0 : index
    %get3A_9 = arith.constant 0 : index
    %get3A_10 = vector.load %arg2[%get3A_7, %get3A_8, %get3A_9] : memref<2x1024x128xf32, #tpu.memory_space<vmem>>, vector<1x1024x128xf32>
    %get3A_11 = vector.shape_cast %get3A_10 : vector<1x1024x128xf32> to vector<1024x128xf32>
    %add3A = arith.addf %get3A_6, %get3A_11 : vector<1024x128xf32>
    %get3A_12 = arith.constant 0 : index
    %get3A_13 = arith.constant 0 : index
    %get3A_14 = vector.load %arg1[%get3A_12, %get3A_13] : memref<1024x128xf32, #tpu.memory_space<vmem>>, vector<1024x128xf32>
    %add3A_15 = arith.addf %add3A, %get3A_14 : vector<1024x128xf32>
    %mul3A = vector.broadcast %get3A_1 : vector<1024x1xf32> to vector<1024x128xf32>
    %mul3A_16 = arith.mulf %add3A_15, %mul3A : vector<1024x128xf32>
    %get3A_17 = arith.constant 0 : index
    %get3A_18 = arith.constant 0 : index
    %get3A_19 = vector.load %arg4[%get3A_17, %get3A_18] : memref<1x128xf32, #tpu.memory_space<vmem>>, vector<1x128xf32>
    %add3A_20 = vector.broadcast %get3A_19 : vector<1x128xf32> to vector<1024x128xf32>
    %add3A_21 = arith.addf %mul3A_16, %add3A_20 : vector<1024x128xf32>
    %max3A = arith.constant 0.000000e+00 : f32
    %max3A_22 = vector.broadcast %max3A : f32 to vector<1024x128xf32>
    %max3A_23 = arith.maximumf %add3A_21, %max3A_22 : vector<1024x128xf32>
    %get3A_24 = arith.constant 0 : index
    %get3A_25 = arith.constant 0 : index
    %get3A_26 = vector.load %arg5[%get3A_24, %get3A_25] : memref<128x128xf32, #tpu.memory_space<vmem>>, vector<128x128xf32>
    %dot_general3A = arith.constant dense<0.000000e+00> : vector<1024x128xf32>
    %dot_general3A_27 = tpu.matmul %max3A_23, %get3A_26, %dot_general3A {dimension_numbers = #tpu.dot_dimension_numbers<[1], [0], [0], [1], [0, 0, 1, 1], [], []>, transpose_lhs_hint = false} : vector<1024x128xf32>, vector<128x128xf32>, vector<1024x128xf32> -> vector<1024x128xf32>
    %mul3A_28 = vector.broadcast %get3A_1 : vector<1024x1xf32> to vector<1024x128xf32>
    %mul3A_29 = arith.mulf %dot_general3A_27, %mul3A_28 : vector<1024x128xf32>
    %swap3A = arith.constant 0 : index
    %swap3A_30 = arith.constant 0 : index
    %swap3A_31 = vector.load %arg6[%swap3A, %swap3A_30] : memref<1024x128xf32, #tpu.memory_space<vmem>>, vector<1024x128xf32>
    tpu.vector_store %arg6[%swap3A, %swap3A_30], %mul3A_29 {strides = array<i32>} : memref<1024x128xf32, #tpu.memory_space<vmem>>, vector<1024x128xf32>,
    return
  }
  func.func @transform_0(%arg0: i32) -> (i32, i32) {
    %c0_i32 = arith.constant 0 : i32
    %c0_i32_0 = arith.constant 0 : i32
    return %arg0, %c0_i32 : i32, i32
  }
  func.func @transform_1(%arg0: i32) -> (i32, i32, i32) {
    %c0_i32 = arith.constant 0 : i32
    %c0_i32_0 = arith.constant 0 : i32
    %c0_i32_1 = arith.constant 0 : i32
    return %c0_i32, %arg0, %c0_i32_0 : i32, i32, i32
  }
  func.func @transform_2(%arg0: i32) -> (i32, i32) {
    %c0_i32 = arith.constant 0 : i32
    %c0_i32_0 = arith.constant 0 : i32
    return %arg0, %c0_i32 : i32, i32
  }
  func.func @transform_3(%arg0: i32) -> (i32, i32) {
    %c0_i32 = arith.constant 0 : i32
    %c0_i32_0 = arith.constant 0 : i32
    %c0_i32_1 = arith.constant 0 : i32
    return %c0_i32, %c0_i32_0 : i32, i32
  }
  func.func @transform_4(%arg0: i32) -> (i32, i32) {
    %c0_i32 = arith.constant 0 : i32
    %c0_i32_0 = arith.constant 0 : i32
    %c0_i32_1 = arith.constant 0 : i32
    return %c0_i32, %c0_i32_0 : i32, i32
  }
  func.func @transform_5(%arg0: i32) -> (i32, i32) {
    %c0_i32 = arith.constant 0 : i32
    %c0_i32_0 = arith.constant 0 : i32
    return %arg0, %c0_i32 : i32, i32
  }
}

module attributes {stable_mosaic.version = 14 : i64} {
  func.func @body(%arg0: i32, %arg1: memref<1024x128xf32, #tpu.memory_space<vmem>>, %arg2: memref<2x1024x128xf32, #tpu.memory_space<vmem>>, %arg3: memref<1024x1xf32, #tpu.memory_space<vmem>>, %arg4: memref<1x128xf32, #tpu.memory_space<vmem>>, %arg5: memref<128x128xf32, #tpu.memory_space<vmem>>, %arg6: memref<1x128xf32, #tpu.memory_space<vmem>>, %arg7: memref<128x128xf32, #tpu.memory_space<vmem>>, %arg8: memref<1x128xf32, #tpu.memory_space<vmem>>, %arg9: memref<128x128xf32, #tpu.memory_space<vmem>>, %arg10: memref<128x128xf32, #tpu.memory_space<vmem>>, %arg11: memref<1x128xf32, #tpu.memory_space<vmem>>, %arg12: memref<1024x128xf32, #tpu.memory_space<vmem>>, %arg13: memref<1024x128xf32, #tpu.memory_space<vmem>>, %arg14: memref<1024x128xf32, #tpu.memory_space<vmem>>) attributes {dimension_semantics = [#tpu.dimension_semantics<arbitrary>], iteration_bounds = array<i64: 10>, scalar_prefetch = 0 : i64, scratch_operands = 0 : i64, tpu.core_type = #tpu.core_type<tc>, window_params = [{transform_indices = @transform_0, window_bounds = array<i64: 1024, 128>}, {transform_indices = @transform_1, window_bounds = array<i64: 2, 1024, 128>}, {transform_indices = @transform_2, window_bounds = array<i64: 1024, 1>}, {pipeline_mode = #tpu.pipeline_mode<synchronous>, transform_indices = @transform_3, window_bounds = array<i64: 1, 128>}, {pipeline_mode = #tpu.pipeline_mode<synchronous>, transform_indices = @transform_4, window_bounds = array<i64: 128, 128>}, {pipeline_mode = #tpu.pipeline_mode<synchronous>, transform_indices = @transform_5, window_bounds = array<i64: 1, 128>}, {pipeline_mode = #tpu.pipeline_mode<synchronous>, transform_indices = @transform_6, window_bounds = array<i64: 128, 128>}, {pipeline_mode = #tpu.pipeline_mode<synchronous>, transform_indices = @transform_7, window_bounds = array<i64: 1, 128>}, {pipeline_mode = #tpu.pipeline_mode<synchronous>, transform_indices = @transform_8, window_bounds = array<i64: 128, 128>}, {pipeline_mode = #tpu.pipeline_mode<synchronous>, transform_indices = @transform_9, window_bounds = array<i64: 128, 128>}, {pipeline_mode = #tpu.pipeline_mode<synchronous>, transform_indices = @transform_10, window_bounds = array<i64: 1, 128>}, {transform_indices = @transform_11, window_bounds = array<i64: 1024, 128>}, {transform_indices = @transform_12, window_bounds = array<i64: 1024, 128>}, {transform_indices = @transform_13, window_bounds = array<i64: 1024, 128>}]} {
    %get3A = arith.constant 0 : index
    %get3A_0 = arith.constant 0 : index
    %get3A_1 = vector.load %arg3[%get3A, %get3A_0] : memref<1024x1xf32, #tpu.memory_space<vmem>>, vector<1024x1xf32>
    %get3A_2 = arith.constant 0 : index
    %get3A_3 = arith.constant 0 : index
    %get3A_4 = arith.constant 0 : index
    %get3A_5 = vector.load %arg2[%get3A_2, %get3A_3, %get3A_4] : memref<2x1024x128xf32, #tpu.memory_space<vmem>>, vector<1x1024x128xf32>
    %get3A_6 = vector.shape_cast %get3A_5 : vector<1x1024x128xf32> to vector<1024x128xf32>
    %get3A_7 = arith.constant 1 : index
    %get3A_8 = arith.constant 0 : index
    %get3A_9 = arith.constant 0 : index
    %get3A_10 = vector.load %arg2[%get3A_7, %get3A_8, %get3A_9] : memref<2x1024x128xf32, #tpu.memory_space<vmem>>, vector<1x1024x128xf32>
    %get3A_11 = vector.shape_cast %get3A_10 : vector<1x1024x128xf32> to vector<1024x128xf32>
    %add3A = arith.addf %get3A_6, %get3A_11 : vector<1024x128xf32>
    %get3A_12 = arith.constant 0 : index
    %get3A_13 = arith.constant 0 : index
    %get3A_14 = vector.load %arg1[%get3A_12, %get3A_13] : memref<1024x128xf32, #tpu.memory_space<vmem>>, vector<1024x128xf32>
    %add3A_15 = arith.addf %add3A, %get3A_14 : vector<1024x128xf32>
    %mul3A = vector.broadcast %get3A_1 : vector<1024x1xf32> to vector<1024x128xf32>
    %mul3A_16 = arith.mulf %add3A_15, %mul3A : vector<1024x128xf32>
    %get3A_17 = arith.constant 0 : index
    %get3A_18 = arith.constant 0 : index
    %get3A_19 = vector.load %arg4[%get3A_17, %get3A_18] : memref<1x128xf32, #tpu.memory_space<vmem>>, vector<1x128xf32>
    %add3A_20 = vector.broadcast %get3A_19 : vector<1x128xf32> to vector<1024x128xf32>
    %add3A_21 = arith.addf %mul3A_16, %add3A_20 : vector<1024x128xf32>
    %max3A = arith.constant 0.000000e+00 : f32
    %max3A_22 = vector.broadcast %max3A : f32 to vector<1024x128xf32>
    %max3A_23 = arith.maximumf %add3A_21, %max3A_22 : vector<1024x128xf32>
    %get3A_24 = arith.constant 0 : index
    %get3A_25 = arith.constant 0 : index
    %get3A_26 = vector.load %arg5[%get3A_24, %get3A_25] : memref<128x128xf32, #tpu.memory_space<vmem>>, vector<128x128xf32>
    %dot_general3A = arith.constant dense<0.000000e+00> : vector<1024x128xf32>
    %dot_general3A_27 = tpu.matmul %max3A_23, %get3A_26, %dot_general3A {dimension_numbers = #tpu.dot_dimension_numbers<[1], [0], [0], [1], [0, 0, 1, 1], [], []>, transpose_lhs_hint = false} : vector<1024x128xf32>, vector<128x128xf32>, vector<1024x128xf32> -> vector<1024x128xf32>
    %get3A_28 = arith.constant 0 : index
    %get3A_29 = arith.constant 0 : index
    %get3A_30 = vector.load %arg6[%get3A_28, %get3A_29] : memref<1x128xf32, #tpu.memory_space<vmem>>, vector<1x128xf32>
    %add3A_31 = vector.broadcast %get3A_30 : vector<1x128xf32> to vector<1024x128xf32>
    %add3A_32 = arith.addf %dot_general3A_27, %add3A_31 : vector<1024x128xf32>
    %max3A_33 = arith.constant 0.000000e+00 : f32
    %max3A_34 = vector.broadcast %max3A_33 : f32 to vector<1024x128xf32>
    %max3A_35 = arith.maximumf %add3A_32, %max3A_34 : vector<1024x128xf32>
    %get3A_36 = arith.constant 0 : index
    %get3A_37 = arith.constant 0 : index
    %get3A_38 = vector.load %arg7[%get3A_36, %get3A_37] : memref<128x128xf32, #tpu.memory_space<vmem>>, vector<128x128xf32>
    %dot_general3A_39 = arith.constant dense<0.000000e+00> : vector<1024x128xf32>
    %dot_general3A_40 = tpu.matmul %max3A_35, %get3A_38, %dot_general3A_39 {dimension_numbers = #tpu.dot_dimension_numbers<[1], [0], [0], [1], [0, 0, 1, 1], [], []>, transpose_lhs_hint = false} : vector<1024x128xf32>, vector<128x128xf32>, vector<1024x128xf32> -> vector<1024x128xf32>
    %get3A_41 = arith.constant 0 : index
    %get3A_42 = arith.constant 0 : index
    %get3A_43 = vector.load %arg8[%get3A_41, %get3A_42] : memref<1x128xf32, #tpu.memory_space<vmem>>, vector<1x128xf32>
    %add3A_44 = vector.broadcast %get3A_43 : vector<1x128xf32> to vector<1024x128xf32>
    %add3A_45 = arith.addf %dot_general3A_40, %add3A_44 : vector<1024x128xf32>
    %swap3A = arith.constant 0 : index
    %swap3A_46 = arith.constant 0 : index
    %swap3A_47 = vector.load %arg12[%swap3A, %swap3A_46] : memref<1024x128xf32, #tpu.memory_space<vmem>>, vector<1024x128xf32>
    tpu.vector_store %arg12[%swap3A, %swap3A_46], %add3A_45 {strides = array<i32>} : memref<1024x128xf32, #tpu.memory_space<vmem>>, vector<1024x128xf32>,
    %get3A_48 = arith.constant 0 : index
    %get3A_49 = arith.constant 0 : index
    %get3A_50 = vector.load %arg9[%get3A_48, %get3A_49] : memref<128x128xf32, #tpu.memory_space<vmem>>, vector<128x128xf32>
    %dot_general3A_51 = arith.constant dense<0.000000e+00> : vector<1024x128xf32>
    %dot_general3A_52 = tpu.matmul %add3A_45, %get3A_50, %dot_general3A_51 {dimension_numbers = #tpu.dot_dimension_numbers<[1], [0], [0], [1], [0, 0, 1, 1], [], []>, transpose_lhs_hint = false} : vector<1024x128xf32>, vector<128x128xf32>, vector<1024x128xf32> -> vector<1024x128xf32>
    %get3A_53 = arith.constant 0 : index
    %get3A_54 = arith.constant 0 : index
    %get3A_55 = vector.load %arg11[%get3A_53, %get3A_54] : memref<1x128xf32, #tpu.memory_space<vmem>>, vector<1x128xf32>
    %add3A_56 = vector.broadcast %get3A_55 : vector<1x128xf32> to vector<1024x128xf32>
    %add3A_57 = arith.addf %dot_general3A_52, %add3A_56 : vector<1024x128xf32>
    %swap3A_58 = arith.constant 0 : index
    %swap3A_59 = arith.constant 0 : index
    %swap3A_60 = vector.load %arg13[%swap3A_58, %swap3A_59] : memref<1024x128xf32, #tpu.memory_space<vmem>>, vector<1024x128xf32>
    tpu.vector_store %arg13[%swap3A_58, %swap3A_59], %add3A_57 {strides = array<i32>} : memref<1024x128xf32, #tpu.memory_space<vmem>>, vector<1024x128xf32>,
    %get3A_61 = arith.constant 0 : index
    %get3A_62 = arith.constant 0 : index
    %get3A_63 = vector.load %arg10[%get3A_61, %get3A_62] : memref<128x128xf32, #tpu.memory_space<vmem>>, vector<128x128xf32>
    %dot_general3A_64 = arith.constant dense<0.000000e+00> : vector<1024x128xf32>
    %dot_general3A_65 = tpu.matmul %add3A_45, %get3A_63, %dot_general3A_64 {dimension_numbers = #tpu.dot_dimension_numbers<[1], [0], [0], [1], [0, 0, 1, 1], [], []>, transpose_lhs_hint = false} : vector<1024x128xf32>, vector<128x128xf32>, vector<1024x128xf32> -> vector<1024x128xf32>
    %swap3A_66 = arith.constant 0 : index
    %swap3A_67 = arith.constant 0 : index
    %swap3A_68 = vector.load %arg14[%swap3A_66, %swap3A_67] : memref<1024x128xf32, #tpu.memory_space<vmem>>, vector<1024x128xf32>
    tpu.vector_store %arg14[%swap3A_66, %swap3A_67], %dot_general3A_65 {strides = array<i32>} : memref<1024x128xf32, #tpu.memory_space<vmem>>, vector<1024x128xf32>,
    return
  }
  func.func @transform_0(%arg0: i32) -> (i32, i32) {
    %c0_i32 = arith.constant 0 : i32
    %c0_i32_0 = arith.constant 0 : i32
    return %arg0, %c0_i32 : i32, i32
  }
  func.func @transform_1(%arg0: i32) -> (i32, i32, i32) {
    %c0_i32 = arith.constant 0 : i32
    %c0_i32_0 = arith.constant 0 : i32
    %c0_i32_1 = arith.constant 0 : i32
    return %c0_i32, %arg0, %c0_i32_0 : i32, i32, i32
  }
  func.func @transform_2(%arg0: i32) -> (i32, i32) {
    %c0_i32 = arith.constant 0 : i32
    %c0_i32_0 = arith.constant 0 : i32
    return %arg0, %c0_i32 : i32, i32
  }
  func.func @transform_3(%arg0: i32) -> (i32, i32) {
    %c0_i32 = arith.constant 0 : i32
    %c0_i32_0 = arith.constant 0 : i32
    %c0_i32_1 = arith.constant 0 : i32
    return %c0_i32, %c0_i32_0 : i32, i32
  }
  func.func @transform_4(%arg0: i32) -> (i32, i32) {
    %c0_i32 = arith.constant 0 : i32
    %c0_i32_0 = arith.constant 0 : i32
    %c0_i32_1 = arith.constant 0 : i32
    return %c0_i32, %c0_i32_0 : i32, i32
  }
  func.func @transform_5(%arg0: i32) -> (i32, i32) {
    %c0_i32 = arith.constant 0 : i32
    %c0_i32_0 = arith.constant 0 : i32
    %c0_i32_1 = arith.constant 0 : i32
    return %c0_i32, %c0_i32_0 : i32, i32
  }
  func.func @transform_6(%arg0: i32) -> (i32, i32) {
    %c0_i32 = arith.constant 0 : i32
    %c0_i32_0 = arith.constant 0 : i32
    %c0_i32_1 = arith.constant 0 : i32
    return %c0_i32, %c0_i32_0 : i32, i32
  }
  func.func @transform_7(%arg0: i32) -> (i32, i32) {
    %c0_i32 = arith.constant 0 : i32
    %c0_i32_0 = arith.constant 0 : i32
    %c0_i32_1 = arith.constant 0 : i32
    return %c0_i32, %c0_i32_0 : i32, i32
  }
  func.func @transform_8(%arg0: i32) -> (i32, i32) {
    %c0_i32 = arith.constant 0 : i32
    %c0_i32_0 = arith.constant 0 : i32
    %c0_i32_1 = arith.constant 0 : i32
    return %c0_i32, %c0_i32_0 : i32, i32
  }
  func.func @transform_9(%arg0: i32) -> (i32, i32) {
    %c0_i32 = arith.constant 0 : i32
    %c0_i32_0 = arith.constant 0 : i32
    %c0_i32_1 = arith.constant 0 : i32
    return %c0_i32, %c0_i32_0 : i32, i32
  }
  func.func @transform_10(%arg0: i32) -> (i32, i32) {
    %c0_i32 = arith.constant 0 : i32
    %c0_i32_0 = arith.constant 0 : i32
    %c0_i32_1 = arith.constant 0 : i32
    return %c0_i32, %c0_i32_0 : i32, i32
  }
  func.func @transform_11(%arg0: i32) -> (i32, i32) {
    %c0_i32 = arith.constant 0 : i32
    %c0_i32_0 = arith.constant 0 : i32
    return %arg0, %c0_i32 : i32, i32
  }
  func.func @transform_12(%arg0: i32) -> (i32, i32) {
    %c0_i32 = arith.constant 0 : i32
    %c0_i32_0 = arith.constant 0 : i32
    return %arg0, %c0_i32 : i32, i32
  }
  func.func @transform_13(%arg0: i32) -> (i32, i32) {
    %c0_i32 = arith.constant 0 : i32
    %c0_i32_0 = arith.constant 0 : i32
    return %arg0, %c0_i32 : i32, i32
  }
}

module attributes {stable_mosaic.version = 14 : i64} {
  func.func @body(%arg0: i32, %arg1: memref<2000x128xf32, #tpu.memory_space<vmem>>, %arg2: memref<2000x16xf32, #tpu.memory_space<vmem>>, %arg3: memref<16x128xf32, #tpu.memory_space<vmem>>, %arg4: memref<128x16xf32, #tpu.memory_space<vmem>>, %arg5: memref<1x16xf32, #tpu.memory_space<vmem>>, %arg6: memref<2000x16xf32, #tpu.memory_space<vmem>>) attributes {dimension_semantics = [#tpu.dimension_semantics<arbitrary>], iteration_bounds = array<i64: 160>, scalar_prefetch = 0 : i64, scratch_operands = 0 : i64, tpu.core_type = #tpu.core_type<tc>, window_params = [{transform_indices = @transform_0, window_bounds = array<i64: 2000, 128>}, {transform_indices = @transform_1, window_bounds = array<i64: 2000, 16>}, {pipeline_mode = #tpu.pipeline_mode<synchronous>, transform_indices = @transform_2, window_bounds = array<i64: 16, 128>}, {pipeline_mode = #tpu.pipeline_mode<synchronous>, transform_indices = @transform_3, window_bounds = array<i64: 128, 16>}, {pipeline_mode = #tpu.pipeline_mode<synchronous>, transform_indices = @transform_4, window_bounds = array<i64: 1, 16>}, {transform_indices = @transform_5, window_bounds = array<i64: 2000, 16>}]} {
    %get3A = arith.constant 0 : index
    %get3A_0 = arith.constant 0 : index
    %get3A_1 = vector.load %arg1[%get3A, %get3A_0] : memref<2000x128xf32, #tpu.memory_space<vmem>>, vector<2000x128xf32>
    %get3A_2 = arith.constant 0 : index
    %get3A_3 = arith.constant 0 : index
    %get3A_4 = vector.load %arg2[%get3A_2, %get3A_3] : memref<2000x16xf32, #tpu.memory_space<vmem>>, vector<2000x16xf32>
    %get3A_5 = arith.constant 0 : index
    %get3A_6 = arith.constant 0 : index
    %get3A_7 = vector.load %arg3[%get3A_5, %get3A_6] : memref<16x128xf32, #tpu.memory_space<vmem>>, vector<16x128xf32>
    %dot_general3A = arith.constant dense<0.000000e+00> : vector<2000x128xf32>
    %dot_general3A_8 = tpu.matmul %get3A_4, %get3A_7, %dot_general3A {dimension_numbers = #tpu.dot_dimension_numbers<[1], [0], [0], [1], [0, 0, 1, 1], [], []>, transpose_lhs_hint = false} : vector<2000x16xf32>, vector<16x128xf32>, vector<2000x128xf32> -> vector<2000x128xf32>
    %add3A = arith.addf %get3A_1, %dot_general3A_8 : vector<2000x128xf32>
    %max3A = arith.constant 0.000000e+00 : f32
    %max3A_9 = vector.broadcast %max3A : f32 to vector<2000x128xf32>
    %max3A_10 = arith.maximumf %add3A, %max3A_9 : vector<2000x128xf32>
    %get3A_11 = arith.constant 0 : index
    %get3A_12 = arith.constant 0 : index
    %get3A_13 = vector.load %arg4[%get3A_11, %get3A_12] : memref<128x16xf32, #tpu.memory_space<vmem>>, vector<128x16xf32>
    %dot_general3A_14 = arith.constant dense<0.000000e+00> : vector<2000x16xf32>
    %dot_general3A_15 = tpu.matmul %max3A_10, %get3A_13, %dot_general3A_14 {dimension_numbers = #tpu.dot_dimension_numbers<[1], [0], [0], [1], [0, 0, 1, 1], [], []>, transpose_lhs_hint = false} : vector<2000x128xf32>, vector<128x16xf32>, vector<2000x16xf32> -> vector<2000x16xf32>
    %get3A_16 = arith.constant 0 : index
    %get3A_17 = arith.constant 0 : index
    %get3A_18 = vector.load %arg5[%get3A_16, %get3A_17] : memref<1x16xf32, #tpu.memory_space<vmem>>, vector<1x16xf32>
    %add3A_19 = vector.broadcast %get3A_18 : vector<1x16xf32> to vector<2000x16xf32>
    %add3A_20 = arith.addf %dot_general3A_15, %add3A_19 : vector<2000x16xf32>
    %swap3A = arith.constant 0 : index
    %swap3A_21 = arith.constant 0 : index
    %swap3A_22 = vector.load %arg6[%swap3A, %swap3A_21] : memref<2000x16xf32, #tpu.memory_space<vmem>>, vector<2000x16xf32>
    tpu.vector_store %arg6[%swap3A, %swap3A_21], %add3A_20 {strides = array<i32>} : memref<2000x16xf32, #tpu.memory_space<vmem>>, vector<2000x16xf32>,
    return
  }
  func.func @transform_0(%arg0: i32) -> (i32, i32) {
    %c0_i32 = arith.constant 0 : i32
    %c0_i32_0 = arith.constant 0 : i32
    return %arg0, %c0_i32 : i32, i32
  }
  func.func @transform_1(%arg0: i32) -> (i32, i32) {
    %c0_i32 = arith.constant 0 : i32
    %c0_i32_0 = arith.constant 0 : i32
    return %arg0, %c0_i32 : i32, i32
  }
  func.func @transform_2(%arg0: i32) -> (i32, i32) {
    %c0_i32 = arith.constant 0 : i32
    %c0_i32_0 = arith.constant 0 : i32
    %c0_i32_1 = arith.constant 0 : i32
    return %c0_i32, %c0_i32_0 : i32, i32
  }
  func.func @transform_3(%arg0: i32) -> (i32, i32) {
    %c0_i32 = arith.constant 0 : i32
    %c0_i32_0 = arith.constant 0 : i32
    %c0_i32_1 = arith.constant 0 : i32
    return %c0_i32, %c0_i32_0 : i32, i32
  }
  func.func @transform_4(%arg0: i32) -> (i32, i32) {
    %c0_i32 = arith.constant 0 : i32
    %c0_i32_0 = arith.constant 0 : i32
    %c0_i32_1 = arith.constant 0 : i32
    return %c0_i32, %c0_i32_0 : i32, i32
  }
  func.func @transform_5(%arg0: i32) -> (i32, i32) {
    %c0_i32 = arith.constant 0 : i32
    %c0_i32_0 = arith.constant 0 : i32
    return %arg0, %c0_i32 : i32, i32
  }
}

</mosaic_0001>

<sc_bundles>
// kernel: kernel.11.cloned.1.call-start
scs
__scs_entry_jumppad:
0x0: {  	(pc) =	sbr.rel $0x88, $3  }
0x1: {  	(tag) =	ssettag $0x0;
	lr =	simm.s32 $0x1  }
0x2: {  	[smem:$0x3F92] =	sst lr;
	_ =	strace $0xD0000000  }
0x3: {  	_ = 	snop  }
0x4: {  	_ = 	snop  }
0x5: {  	_ = 	snop  }
0x6: {  	_ = 	snop  }
0x7: {  	_ = 	snop  }
__scs_overlays_trampoline_lowered:
0x8: {  	[smem:$0x3FA1] =	sst s0  }
0x9: {  	[smem:$0x3FA2] =	sst s1  }
0xa: {  	[smem:$0x3FA3] =	sst s2  }
0xb: {  	[smem:$0x3FA4] =	sst s3  }
0xc: {  	[smem:$0x3FA5] =	sst s4  }
0xd: {  	[smem:$0x3FA6] =	sst s5  }
0xe: {  	[smem:$0x3FA7] =	sst s6  }
0xf: {  	[smem:$0x3FA8] =	sst s7  }
0x10: {  	[smem:$0x3FA9] =	sst s8  }
0x11: {  	[smem:$0x3FAA] =	sst s9;
	s0 =	simm.s32 @!p0 $0x0  }
0x12: {  	s1 =	sld [smem:$0x3F90];
	s0 =	simm.s32 @p0 $0x1  }
0x13: {  	[smem:$0x3FAB] =	sst s0;
	s0 =	simm.s32 @!p1 $0x0  }
0x14: {  	s2 =	sld [smem:$0x3F8F];
	s0 =	simm.s32 @p1 $0x1  }
0x15: {  	[smem:$0x3FAC] =	sst s0;
	s0 =	simm.s32 @!p2 $0x0  }
0x16: {  	s3 =	sld [smem:$0x3FDB];
	s0 =	simm.s32 @p2 $0x1  }
0x17: {  	s4 =	simm.s32 $0x1BF5;
	[smem:$0x3FAE] =	sst s0  }
0x18: {  	s0 =	sld [smem:$0x3F91];
	_ =	swait.ge [sflag:s4], $0x0  }
0x19: {  	s7 =	sld [smem:$0x3F92]  }
0x1a: {  	s8 =	sadd.s32 $0xFFFFE003, lr  }
0x1b: {  	s9 =	sadd.s32 $0xFFFFFEF7, lr;
	s5 =	simm.s32 $0xFFFFFFFF;
	p2 =	slt.u32 s8, $0xFFFFF086  }
0x1c: {  	p1 =	slt.u32 s9, $0xF7A;
	s5 =	simm.s32 @!p2 $0x0  }
0x1d: {  	s5 =	simm.s32 @p1 $0x1;
	p0 =	seq.s32 s7, s2  }
0x1e: {  	s7 =	smul.u32 @!p0 $0xF7A, s2;
	p2 =	seq.s32 @!p0 s5, $0x0  }
0x1f: {  	s9 =	smul.u32 $0xF7A, s1;
	s8 =	simm.s32 @!p0 $0x1BF5;
	p2 =	por !p2, p0  }
0x20: {  	[sflag:s8] =	ssyncset.s32 @!p0 $0xFFFFF086;
	s6 =	sadd.s32 @!p0 s3, s7;
	s7 =	simm.s32 @!p0 $0x108  }
0x21: {  	s3 =	sadd.s32 s3, s9;
	s6 =	sadd.s32 @!p0 $0x88, s6;
	s7 =	simm.s32 @p2 $0x1082  }
0x22: {  	[simem:s7], [sflag:s8] =	dma.local @!p0 [hbm:s6], $0xF7A  }
0x23: {  	s9 =	sor.u32 $0xD0000000, s2;
	s6 =	simm.s32 $0x108;
	_ =	swait.ge @!p0 [sflag:s8], $0x0  }
0x24: {  	s3 =	sadd.s32 $0x88, s3;
	s6 =	simm.s32 @!p1 $0x1082;
	[sflag:s4] =	ssyncset.s32 $0xFFFFF086  }
0x25: {  	[simem:s6], [sflag:s4] =	dma.local [hbm:s3], $0xF7A  }
0x26: {  	[smem:$0x3F92] =	sst s1;
	(tag) =	ssettag s2;
	_ =	strace s9  }
0x27: {  	s1 =	sld [smem:$0x3FA2]  }
0x28: {  	s2 =	sld [smem:$0x3FA3]  }
0x29: {  	s4 =	sld [smem:$0x3FA5]  }
0x2a: {  	p0 =	seq.s32 s5, $0x0;
	s5 =	sld [smem:$0x3FA6]  }
0x2b: {  	s6 =	sld [smem:$0x3FA7]  }
0x2c: {  	s7 =	sld [smem:$0x3FA8]  }
0x2d: {  	s3 =	simm.s32 $0x108;
	s8 =	sld [smem:$0x3FA9]  }
0x2e: {  	s3 =	simm.s32 @!p0 $0x1082;
	s9 =	sld [smem:$0x3FAA]  }
0x2f: {  	lr =	sadd.s32 s0, s3;
	s0 =	sld [smem:$0x3FA1]  }
0x30: {  	s3 =	sld [smem:$0x3FA4]  }
0x31: {  	[smem:$0x3FAD] =	sst s10  }
0x32: {  	s10 =	sld [smem:$0x3FAB];
	_ =	sdelay $0x3  }
0x33: {  	p0 =	seq.s32 s10, $0x1;
	s10 =	sld [smem:$0x3FAD];
	_ =	sdelay $0x3  }
0x34: {  	[smem:$0x3FAD] =	sst s10  }
0x35: {  	s10 =	sld [smem:$0x3FAC];
	_ =	sdelay $0x3  }
0x36: {  	p1 =	seq.s32 s10, $0x1;
	s10 =	sld [smem:$0x3FAD];
	_ =	sdelay $0x3  }
0x37: {  	[smem:$0x3FAD] =	sst s10  }
0x38: {  	s10 =	sld [smem:$0x3FAE]  }
0x39: {  	_ = 	snop;
	(pc) =	sbr.ind lr, $3  }
0x3a: {  	_ = 	snop  }
0x3b: {  	_ = 	snop  }
0x3c: {  	p2 =	seq.s32 s10, $0x1;
	s10 =	sld [smem:$0x3FAD]  }
0x3d: {  	_ =	shalt  }
0x3e: {  	_ =	shalt  }
0x3f: {  	_ =	shalt  }
0x40: {  	_ =	shalt  }
0x41: {  	_ =	shalt  }
0x42: {  	_ =	shalt  }
0x43: {  	_ =	shalt  }
0x44: {  	_ =	shalt  }
0x45: {  	_ =	shalt  }
0x46: {  	_ =	shalt  }
0x47: {  	_ =	shalt  }
0x48: {  	_ =	shalt  }
0x49: {  	_ =	shalt  }
0x4a: {  	_ =	shalt  }
0x4b: {  	_ =	shalt  }
0x4c: {  	_ =	shalt  }
0x4d: {  	_ =	shalt  }
0x4e: {  	_ =	shalt  }
0x4f: {  	_ =	shalt  }
0x50: {  	_ =	shalt  }
0x51: {  	_ =	shalt  }
0x52: {  	_ =	shalt  }
0x53: {  	_ =	shalt  }
0x54: {  	_ =	shalt  }
0x55: {  	_ =	shalt  }
0x56: {  	_ =	shalt  }
0x57: {  	_ =	shalt  }
0x58: {  	_ =	shalt  }
0x59: {  	_ =	shalt  }
0x5a: {  	_ =	shalt  }
0x5b: {  	_ =	shalt  }
0x5c: {  	_ =	shalt  }
0x5d: {  	_ =	shalt  }
0x5e: {  	_ =	shalt  }
0x5f: {  	_ =	shalt  }
0x60: {  	_ =	shalt  }
0x61: {  	_ =	shalt  }
0x62: {  	_ =	shalt  }
0x63: {  	_ =	shalt  }
0x64: {  	_ =	shalt  }
0x65: {  	_ =	shalt  }
0x66: {  	_ =	shalt  }
0x67: {  	_ =	shalt  }
0x68: {  	_ =	shalt  }
0x69: {  	_ =	shalt  }
0x6a: {  	_ =	shalt  }
0x6b: {  	_ =	shalt  }
0x6c: {  	_ =	shalt  }
0x6d: {  	_ =	shalt  }
0x6e: {  	_ =	shalt  }
0x6f: {  	_ =	shalt  }
0x70: {  	_ =	shalt  }
0x71: {  	_ =	shalt  }
0x72: {  	_ =	shalt  }
0x73: {  	_ =	shalt  }
0x74: {  	_ =	shalt  }
0x75: {  	_ =	shalt  }
0x76: {  	_ =	shalt  }
0x77: {  	_ =	shalt  }
0x78: {  	_ =	shalt  }
0x79: {  	_ =	shalt  }
0x7a: {  	_ =	shalt  }
0x7b: {  	_ =	shalt  }
0x7c: {  	_ =	shalt  }
0x7d: {  	_ =	shalt  }
0x7e: {  	_ =	shalt  }
0x7f: {  	_ =	shalt  }
0x80: {  	_ =	shalt  }
0x81: {  	_ =	shalt  }
0x82: {  	_ =	shalt  }
0x83: {  	_ =	shalt  }
0x84: {  	_ =	shalt  }
0x85: {  	_ =	shalt  }
0x86: {  	_ =	shalt  }
0x87: {  	_ =	shalt  }
.Lfunc_end0:
.L_simem_size_0:
called_computation_lowered:
.L_overlay_start_0:
0x88: {  	s2 =	sld [smem:$0x3FD9]  }
0x89: {  	s3 =	sld [smem:$0x3FFE];
	_ =	sdelay $0x1  }
0x8a: {  	s1 =	srdreg.scid  }
0x8b: {  	s0 =	sand.u32 $0x1, s1  }
0x8c: {  	s15 =	sshll.u32 s0, $0xA;
	s2 =	sadd.s32 s3, s2  }
0x8d: {  	s2 =	sadd.s32 s2, s15  }
0x8e: {  	[smem:$0x3FB9] =	sst s2  }
0x8f: {  	_ = 	snop  }
0x90: {  	s2 =	sld [smem:$0x3FD0];
	_ =	sdelay $0x2  }
0x91: {  	s16 =	simm.s32 $0xA;
	s4 =	simm.s32 $0x10  }
0x92: {  	[smem:s4], [sflag:s16] =	dma.local [hbm:s2], $0x1  }
0x93: {  	_ =	swait.eq [sflag:s16], $0x1  }
0x94: {  	[sflag:s16] =	ssyncset.done $0x0  }
0x95: {  	s17 =	sld [smem:$0x10];
	[sflag:s16] =	ssyncadd.s32 $0xFFFFFFFF  }
0x96: {  	s18 =	sld [smem:$0x11];
	(tm) =	ssettm $0x1  }
0x97: {  	s19 =	sld [smem:$0x3FFB];
	_ =	sdelay $0x3  }
0x98: {  	_ =	strace s19  }
0x99: {  	s4 =	sld [smem:$0x3FFC];
	_ =	sdelay $0x3  }
0x9a: {  	_ =	strace s4  }
0x9b: {  	s4 =	sld [smem:$0x3FFD];
	_ =	sdelay $0x3  }
0x9c: {  	_ =	strace s4  }
0x9d: {  	_ =	strace $0x8FFFFFFF  }
0x9e: {  	s20 =	sld [smem:$0x3FDB];
	_ =	sdelay $0x1  }
0x9f: {  	s5 =	simm.s32 $_scs_section_size  }
0xa0: {  	s6 =	simm.s32 $_size__tile_overlayer_lowered;
	s7 =	simm.s32 $_tile_overlayer_lowered  }
0xa1: {  	s23 =	simm.s32 $0x1BFF;
	s22 =	sshll.u32 s7, $0x1;
	s4 =	sadd.s32 s5, s20  }
0xa2: {  	s8 =	simm.s32 $0x0;
	s21 =	sshll.u32 s6, $0x1;
	s6 =	sadd.s32 s22, s4  }
0xa3: {  	[timem:s8], [sflag:s23] =	dma.local [hbm:s6], s21  }
0xa4: {  	_ =	swait.ge [sflag:s23], s21  }
0xa5: {  	s5 =	ssub.s32 $0x0, s21;
	[sflag:s23] =	ssyncset.done $0x0  }
0xa6: {  	[sflag:s23] =	ssyncadd.s32 s5;
	_ =	sdelay $0x1  }
0xa7: {  	s24 =	simm.s32 $0x1B8B  }
0xa8: {  	_ =	swait.ge [sflag:s24], $0x1  }
0xa9: {  	[sflag:s24] =	ssyncset.done $0x0  }
0xaa: {  	s25 =	simm.s32 $0x1B8E;
	[sflag:s24] =	ssyncadd.s32 $0xFFFFFFFF  }
0xab: {  	s26 =	simm.s32 $execute0_lowered;
	[smem:$0x3FD2] =	sst s25  }
0xac: {  	s5 =	sshll.u32 s26, $0x1;
	_ =	strace $0x80000046;
	[dreg:$0x1] =	wrdreg $0xFFFFFFFF  }
0xad: {  	s28 =	simm.s32 $_size_execute0_lowered;
	s4 =	sadd.s32 s4, s5;
	[dreg:$0x0] =	wrdreg $0x0  }
0xae: {  	s5 =	sshll.u32 s28, $0x1;
	[dreg:$0x2] =	wrdreg s4  }
0xaf: {  	[dreg:$0x3] =	wrdreg s5  }
0xb0: {  	[dreg:$0x4] =	wrdreg $0xC0  }
0xb1: {  	_ =	task [dreg:s8], $0x5FFFF  }
0xb2: {  	[dreg:$0x1] =	wrdreg $0xFFFFFFFF  }
0xb3: {  	[dreg:$0x0] =	wrdreg $0x60  }
0xb4: {  	[dreg:$0x2] =	wrdreg s17  }
0xb5: {  	[dreg:$0x3] =	wrdreg s18  }
0xb6: {  	[dreg:$0x4] =	wrdreg $0x29000  }
0xb7: {  	[dreg:$0x5] =	wrdreg $0x9  }
0xb8: {  	_ =	task.clear_ibuf [dreg:s8], $0x6FFFF;
	_ =	strace $0x90000046  }
0xb9: {  	s29 =	simm.s32 $0x9;
	_ =	strace $0x80000048  }
0xba: {  	_ =	swait.ge [sflag:s29], $0x1  }
0xbb: {  	[sflag:s29] =	ssyncadd.s32 $0xFFFFFFFF  }
0xbc: {  	_ =	strace $0x90000048  }
0xbd: {  	_ =	sfence  }
0xbe: {  	s30 =	sld [smem:$0x0];
	_ =	sdelay $0x2  }
0xbf: {  	s31 =	sshll.u32 s1, $0xD;
	s1 =	sshrl.u32 s1, $0x2  }
0xc0: {  	s3 =	sand.u32 $0x4000, s31;
	s1 =	sadd.s32 s1, s30  }
0xc1: {  	s0 =	sor.u32 s3, s0;
	s1 =	sshll.u32 s1, $0x11  }
0xc2: {  	s0 =	sor.u32 s1, s0  }
0xc3: {  	s0 =	sadd.s32 $0x8F2B, s0  }
0xc4: {  	[sflag:s0] =	ssyncadd.remote.s32 $0x1  }
0xc5: {  	_ =	sfence.sel $0xFFFF  }
0xc6: {  	[dreg:$0x0] =	wrdreg $0xFFFFFFFF;
	(pc) =	sbr.abs _section_cstart, $3  }
0xc7: {  	[dreg:$0x1] =	wrdreg $0xFFFFFFFF  }
0xc8: {  	_ =	task.clear_ibuf [dreg:s8], $0x2FFFF;
	_ =	strace $0x9FFFFFFF  }
0xc9: {  	(tm) =	ssettm $0x7FFFFFFF  }
tec
execute0_lowered:
.L_overlay_start_1:
0x0: {  	(tag) =	ssettag $0x1  }
0x1: {  	s4 =	rddreg [dreg:$0x0]  }
0x2: {  	s0 =	srdreg.scid;
	s14 =	rddreg [dreg:$0x1]  }
0x3: {  	s2 =	rddreg [dreg:$0x2];
	s1 =	stileid.u32;
	s19 =	simm.s32 $0x2800  }
0x4: {  	s20 =	simm.s32 $0x0;
	s8 =	sand.u32 $0x1, s0;
	s9 =	smul.u32 $0x280, s1  }
0x5: {  	s0 =	rddreg [dreg:$0x3];
	s11 =	smul.u32 $0x500, s1;
	s3 =	sshll.u32 s8, $0x4  }
0x6: {  	s6 =	ssub.s32 $0x2, s8;
	s16 =	sshll.u32 s8, $0x7;
	s5 =	sor.u32 s1, s3  }
0x7: {  	s3 =	simm.s32 $0x0;
	s7 =	sshrl.u32 s6, $0x1;
	s10 =	sadd.s32 $0x80, s9  }
0x8: {  	s12 =	sadd.s32 $0x100, s9;
	s13 =	sadd.s32 $0x180, s9;
	s11 =	sor.u32 s16, s11  }
0x9: {  	s17 =	sadd.s32 $0x200, s9;
	s5 =	smul.u32 $0x500, s5;
	[smem:$0x7FF] =	sst s3  }
0xa: {  	s15 =	ssub.s32 s6, s7;
	s6 =	sadd.s32 s10, s2;
	s7 =	sadd.s32 s12, s2  }
0xb: {  	s10 =	sshll.u32 s10, $0x1;
	s8 =	sadd.s32 s13, s2;
	s11 =	sshrl.u32 s11, $0x3  }
0xc: {  	s12 =	sshll.u32 s12, $0x1;
	s13 =	sshll.u32 s13, $0x1;
	_ =	strace $0x80000047  }
0xd: {  	s10 =	sor.u32 s16, s10;
	s12 =	sor.u32 s16, s12;
	s13 =	sor.u32 s16, s13  }
0xe: {  	s15 =	smax.u32 s15, $0x1;
	s4 =	sadd.s32 s4, s5;
	s5 =	sadd.s32 s9, s2  }
0xf: {  	s18 =	sshrl.u32 s10, $0x3;
	s9 =	sadd.s32 s17, s2;
	s10 =	sadd.s32 s14, s11  }
0x10: {  	s17 =	sshll.u32 s17, $0x1;
	s12 =	sshrl.u32 s12, $0x3;
	s13 =	sshrl.u32 s13, $0x3  }
0x11: {  	s11 =	sadd.s32 s14, s18;
	s16 =	sor.u32 s16, s17;
	s12 =	sadd.s32 s14, s12  }
0x12: {  	s13 =	sadd.s32 s14, s13;
	s17 =	simm.s32 $0x2880;
	s16 =	sshrl.u32 s16, $0x3  }
0x13: {  	v0 =	vimm.f32 $1.000000000e+00;
	v1 =	vimm.f32 $0.0e+00;
	s18 =	simm.s32 $0x80;
	s14 =	sadd.s32 s14, s16;
	s16 =	simm.s32 $0x1  }
.LBB2_1:
0x14: {  	[tilespmem:s3], [sflag:$0x1] =	stream.linear.gather [hbm4b:s4+s3], $0x2780, $0x38;
	[tilespmem:$0x2B80] =	vst v63  }
0x15: {  	_ =	swait.ge [sflag:s16], $0x2780  }
0x16: {  	[sflag:s16] =	ssyncset.done $0x0  }
0x17: {  	[sflag:s16] =	ssyncadd.s32 $0xFFFFD880  }
0x18: {  	[tilespmem:$0x2800] =	vst v0  }
0x19: {  	[tilespmem:$0x2880] =	vst v1  }
0x1a: {  	[tilespmem:$0x2810] =	vst v0  }
0x1b: {  	[tilespmem:$0x2890] =	vst v1  }
0x1c: {  	[tilespmem:$0x2820] =	vst v0  }
0x1d: {  	[tilespmem:$0x28A0] =	vst v1  }
0x1e: {  	[tilespmem:$0x2830] =	vst v0  }
0x1f: {  	[tilespmem:$0x28B0] =	vst v1  }
0x20: {  	[tilespmem:$0x2840] =	vst v0  }
0x21: {  	[tilespmem:$0x28C0] =	vst v1  }
0x22: {  	[tilespmem:$0x2850] =	vst v0  }
0x23: {  	[tilespmem:$0x28D0] =	vst v1  }
0x24: {  	[tilespmem:$0x2860] =	vst v0  }
0x25: {  	[tilespmem:$0x28E0] =	vst v1  }
0x26: {  	[tilespmem:$0x2870] =	vst v0  }
0x27: {  	[tilespmem:$0x28F0] =	vst v1  }
0x28: {  	[spmem:s5] =	stream.linear.scatter [tilespmem:s17], [sflag:$0x1], $0x80, $0x38;
	[tilespmem:$0x2B80] =	vst v63  }
0x29: {  	_ =	swait.ge [sflag:s16], $0x80  }
0x2a: {  	[sflag:s16] =	ssyncset.done $0x0  }
0x2b: {  	[sflag:s16] =	ssyncadd.s32 $0xFFFFFF80  }
0x2c: {  	[spmem:s6] =	stream.linear.scatter [tilespmem:s17], [sflag:$0x1], $0x80, $0x38;
	[tilespmem:$0x2B80] =	vst v63  }
0x2d: {  	_ =	swait.ge [sflag:s16], $0x80  }
0x2e: {  	[sflag:s16] =	ssyncset.done $0x0  }
0x2f: {  	[sflag:s16] =	ssyncadd.s32 $0xFFFFFF80  }
0x30: {  	[spmem:s7] =	stream.linear.scatter [tilespmem:s17], [sflag:$0x1], $0x80, $0x38;
	[tilespmem:$0x2B80] =	vst v63  }
0x31: {  	_ =	swait.ge [sflag:s16], $0x80  }
0x32: {  	[sflag:s16] =	ssyncset.done $0x0  }
0x33: {  	[sflag:s16] =	ssyncadd.s32 $0xFFFFFF80  }
0x34: {  	[spmem:s8] =	stream.linear.scatter [tilespmem:s17], [sflag:$0x1], $0x80, $0x38;
	[tilespmem:$0x2B80] =	vst v63  }
0x35: {  	_ =	swait.ge [sflag:s16], $0x80  }
0x36: {  	[sflag:s16] =	ssyncset.done $0x0  }
0x37: {  	[sflag:s16] =	ssyncadd.s32 $0xFFFFFF80  }
0x38: {  	[spmem:s9] =	stream.linear.scatter [tilespmem:s17], [sflag:$0x1], $0x80, $0x38;
	[tilespmem:$0x2B80] =	vst v63  }
0x39: {  	_ =	swait.ge [sflag:s16], $0x80  }
0x3a: {  	[sflag:s16] =	ssyncset.done $0x0  }
0x3b: {  	[sflag:s16] =	ssyncadd.s32 $0xFFFFFF80  }
0x3c: {  	s21 =	simm.s32 $0x0;
	[bflag:$0x0] =	sbarrier.arrive $0xFFFF  }
0x3d: {  	[spmem:s2] =	stream.indirect.scatter.add.f32 [tilespmem:s19], [sflag:$0x1], $0x1, s21, s18, $0xb8;
	[tilespmem:$0x2B80] =	vst v63  }
0x3e: {  	_ =	swait.ge [sflag:s16], $0x80  }
0x3f: {  	s21 =	simm.s32 $0x200;
	[sflag:s16] =	ssyncset.done $0x0  }
.LBB2_2:
0x40: {  	s22 =	sshra.s32 s21, $0x2;
	[sflag:s16] =	ssyncadd.s32 $0xFFFFFF80;
	p0 =	sne.s32 s21, $0x9C00  }
0x41: {  	[spmem:s2] =	stream.indirect.scatter.add.f32 [tilespmem:s19], [sflag:$0x1], $0x1, s22, s18, $0xb8;
	[tilespmem:$0x2B80] =	vst v63  }
.Ltmp0:
0x42: {  	_ = 	snop;
	(pc) =	sbr.rel @p0 .LBB2_2-.Ltmp0, $4  }
0x43: {  	_ = 	snop  }
0x44: {  	s21 =	sadd.s32 $0x200, s21  }
0x45: {  	_ =	swait.ge [sflag:s16], $0x80  }
0x46: {  	[sflag:s16] =	ssyncset.done $0x0  }
0x47: {  	[sflag:s16] =	ssyncadd.s32 $0xFFFFFF80  }
0x48: {  	[bflag:$0x0] =	sbarrier.arrive $0xFFFF  }
0x49: {  	[tilespmem:s17], [sflag:$0x1] =	stream.linear.gather [spmem:s5], $0x80, $0x38;
	[tilespmem:$0x2B80] =	vst v63  }
0x4a: {  	_ =	swait.ge [sflag:s16], $0x80  }
0x4b: {  	[sflag:s16] =	ssyncset.done $0x0  }
0x4c: {  	[sflag:s16] =	ssyncadd.s32 $0xFFFFFF80  }
0x4d: {  	[hbm4b:s10+s3] =	stream.linear.scatter [tilespmem:s17], [sflag:$0x1], $0x80, $0x38;
	[tilespmem:$0x2B80] =	vst v63  }
0x4e: {  	_ =	swait.ge [sflag:s16], $0x80  }
0x4f: {  	[sflag:s16] =	ssyncset.done $0x0  }
0x50: {  	[sflag:s16] =	ssyncadd.s32 $0xFFFFFF80  }
0x51: {  	[tilespmem:s17], [sflag:$0x1] =	stream.linear.gather [spmem:s6], $0x80, $0x38;
	[tilespmem:$0x2B80] =	vst v63  }
0x52: {  	_ =	swait.ge [sflag:s16], $0x80  }
0x53: {  	[sflag:s16] =	ssyncset.done $0x0  }
0x54: {  	[sflag:s16] =	ssyncadd.s32 $0xFFFFFF80  }
0x55: {  	[hbm4b:s11+s3] =	stream.linear.scatter [tilespmem:s17], [sflag:$0x1], $0x80, $0x38;
	[tilespmem:$0x2B80] =	vst v63  }
0x56: {  	_ =	swait.ge [sflag:s16], $0x80  }
0x57: {  	[sflag:s16] =	ssyncset.done $0x0  }
0x58: {  	[sflag:s16] =	ssyncadd.s32 $0xFFFFFF80  }
0x59: {  	[tilespmem:s17], [sflag:$0x1] =	stream.linear.gather [spmem:s7], $0x80, $0x38;
	[tilespmem:$0x2B80] =	vst v63  }
0x5a: {  	_ =	swait.ge [sflag:s16], $0x80  }
0x5b: {  	[sflag:s16] =	ssyncset.done $0x0  }
0x5c: {  	[sflag:s16] =	ssyncadd.s32 $0xFFFFFF80  }
0x5d: {  	[hbm4b:s12+s3] =	stream.linear.scatter [tilespmem:s17], [sflag:$0x1], $0x80, $0x38;
	[tilespmem:$0x2B80] =	vst v63  }
0x5e: {  	_ =	swait.ge [sflag:s16], $0x80  }
0x5f: {  	[sflag:s16] =	ssyncset.done $0x0  }
0x60: {  	[sflag:s16] =	ssyncadd.s32 $0xFFFFFF80  }
0x61: {  	[tilespmem:s17], [sflag:$0x1] =	stream.linear.gather [spmem:s8], $0x80, $0x38;
	[tilespmem:$0x2B80] =	vst v63  }
0x62: {  	_ =	swait.ge [sflag:s16], $0x80  }
0x63: {  	[sflag:s16] =	ssyncset.done $0x0  }
0x64: {  	[sflag:s16] =	ssyncadd.s32 $0xFFFFFF80  }
0x65: {  	[hbm4b:s13+s3] =	stream.linear.scatter [tilespmem:s17], [sflag:$0x1], $0x80, $0x38;
	[tilespmem:$0x2B80] =	vst v63  }
0x66: {  	_ =	swait.ge [sflag:s16], $0x80  }
0x67: {  	[sflag:s16] =	ssyncset.done $0x0  }
0x68: {  	[sflag:s16] =	ssyncadd.s32 $0xFFFFFF80  }
0x69: {  	[tilespmem:s17], [sflag:$0x1] =	stream.linear.gather [spmem:s9], $0x80, $0x38;
	[tilespmem:$0x2B80] =	vst v63  }
0x6a: {  	s20 =	sadd.s32 $0x1, s20;
	_ =	swait.ge [sflag:s16], $0x80  }
0x6b: {  	p0 =	sne.s32 s20, s15;
	[sflag:s16] =	ssyncset.done $0x0  }
.Ltmp1:
0x6c: {  	[sflag:s16] =	ssyncadd.s32 $0xFFFFFF80;
	(pc) =	sbr.rel @p0 .LBB2_1-.Ltmp1, $4  }
0x6d: {  	[hbm4b:s14+s3] =	stream.linear.scatter [tilespmem:s17], [sflag:$0x1], $0x80, $0x38;
	[tilespmem:$0x2B80] =	vst v63  }
0x6e: {  	_ =	swait.ge [sflag:s16], $0x80  }
0x6f: {  	[sflag:s16] =	ssyncset.done $0x0  }
0x70: {  	[sflag:s16] =	ssyncadd.s32 $0xFFFFFF80  }
0x71: {  	_ =	sfence.sel $0x180000  }
0x72: {  	[bflag:$0x0] =	sbarrier.arrive $0xFFFF  }
0x73: {  	p0 =	sne.s32 s1, $0x0;
	_ =	strace $0x90000047  }
0x74: {  	s0 =	sadd.s32 @!p0 $0x100000, s0;
	[bflag:$0x2] =	sbarrier.arrive $0xFFFF  }
0x75: {  	[sflag:s0] =	ssyncadd.tile.s32 @!p0 $0x1;
	_ =	shalt  }
.Lfunc_end2:
_tile_overlayer_lowered:
.L_overlay_start_2:
0x76: {  	(tag) =	ssettag $0x2  }
0x77: {  	s0 =	rddreg [dreg:$0x0];
	s2 =	stileid.u32  }
0x78: {  	s1 =	rddreg [dreg:$0x1];
	p0 =	sne.s32 s2, $0x0  }
0x79: {  	s3 =	rddreg [dreg:$0x2];
	[bflag:$0x3] =	sbarrier.arrive $0xFFFF;
	s2 =	simm.s32 @!p0 $0x1C01  }
0x7a: {  	[timem:s3], [sflag:s2] =	dma.local @!p0 [hbm:s0], s1  }
0x7b: {  	s0 =	simm.s32 @!p0 $0x1  }
0x7c: {  	_ =	swait.ge @!p0 [sflag:s0], s1  }
0x7d: {  	s1 =	ssub.s32 @!p0 $0x0, s1;
	[sflag:s0] =	ssyncset.done @!p0 $0x0  }
0x7e: {  	[sflag:s0] =	ssyncadd.s32 @!p0 s1  }
0x7f: {  	[bflag:$0x3] =	sbarrier.arrive $0xFFFF  }
0x80: {  	_ =	shalt  }

// kernel: kernel.14.cloned.1.call-start
scs
__scs_entry_jumppad:
0x0: {  	(pc) =	sbr.rel $0x88, $3  }
0x1: {  	(tag) =	ssettag $0x0;
	lr =	simm.s32 $0x1  }
0x2: {  	[smem:$0x3F92] =	sst lr;
	_ =	strace $0xD0000000  }
0x3: {  	_ = 	snop  }
0x4: {  	_ = 	snop  }
0x5: {  	_ = 	snop  }
0x6: {  	_ = 	snop  }
0x7: {  	_ = 	snop  }
__scs_overlays_trampoline_lowered:
0x8: {  	[smem:$0x3FA1] =	sst s0  }
0x9: {  	[smem:$0x3FA2] =	sst s1  }
0xa: {  	[smem:$0x3FA3] =	sst s2  }
0xb: {  	[smem:$0x3FA4] =	sst s3  }
0xc: {  	[smem:$0x3FA5] =	sst s4  }
0xd: {  	[smem:$0x3FA6] =	sst s5  }
0xe: {  	[smem:$0x3FA7] =	sst s6  }
0xf: {  	[smem:$0x3FA8] =	sst s7  }
0x10: {  	[smem:$0x3FA9] =	sst s8  }
0x11: {  	[smem:$0x3FAA] =	sst s9;
	s0 =	simm.s32 @!p0 $0x0  }
0x12: {  	s1 =	sld [smem:$0x3F90];
	s0 =	simm.s32 @p0 $0x1  }
0x13: {  	[smem:$0x3FAB] =	sst s0;
	s0 =	simm.s32 @!p1 $0x0  }
0x14: {  	s2 =	sld [smem:$0x3F8F];
	s0 =	simm.s32 @p1 $0x1  }
0x15: {  	[smem:$0x3FAC] =	sst s0;
	s0 =	simm.s32 @!p2 $0x0  }
0x16: {  	s3 =	sld [smem:$0x3FDB];
	s0 =	simm.s32 @p2 $0x1  }
0x17: {  	s4 =	simm.s32 $0x1BF5;
	[smem:$0x3FAE] =	sst s0  }
0x18: {  	s0 =	sld [smem:$0x3F91];
	_ =	swait.ge [sflag:s4], $0x0  }
0x19: {  	s7 =	sld [smem:$0x3F92]  }
0x1a: {  	s8 =	sadd.s32 $0xFFFFE003, lr  }
0x1b: {  	s9 =	sadd.s32 $0xFFFFFEF7, lr;
	s5 =	simm.s32 $0xFFFFFFFF;
	p2 =	slt.u32 s8, $0xFFFFF086  }
0x1c: {  	p1 =	slt.u32 s9, $0xF7A;
	s5 =	simm.s32 @!p2 $0x0  }
0x1d: {  	s5 =	simm.s32 @p1 $0x1;
	p0 =	seq.s32 s7, s2  }
0x1e: {  	s7 =	smul.u32 @!p0 $0xF7A, s2;
	p2 =	seq.s32 @!p0 s5, $0x0  }
0x1f: {  	s9 =	smul.u32 $0xF7A, s1;
	s8 =	simm.s32 @!p0 $0x1BF5;
	p2 =	por !p2, p0  }
0x20: {  	[sflag:s8] =	ssyncset.s32 @!p0 $0xFFFFF086;
	s6 =	sadd.s32 @!p0 s3, s7;
	s7 =	simm.s32 @!p0 $0x108  }
0x21: {  	s3 =	sadd.s32 s3, s9;
	s6 =	sadd.s32 @!p0 $0x88, s6;
	s7 =	simm.s32 @p2 $0x1082  }
0x22: {  	[simem:s7], [sflag:s8] =	dma.local @!p0 [hbm:s6], $0xF7A  }
0x23: {  	s9 =	sor.u32 $0xD0000000, s2;
	s6 =	simm.s32 $0x108;
	_ =	swait.ge @!p0 [sflag:s8], $0x0  }
0x24: {  	s3 =	sadd.s32 $0x88, s3;
	s6 =	simm.s32 @!p1 $0x1082;
	[sflag:s4] =	ssyncset.s32 $0xFFFFF086  }
0x25: {  	[simem:s6], [sflag:s4] =	dma.local [hbm:s3], $0xF7A  }
0x26: {  	[smem:$0x3F92] =	sst s1;
	(tag) =	ssettag s2;
	_ =	strace s9  }
0x27: {  	s1 =	sld [smem:$0x3FA2]  }
0x28: {  	s2 =	sld [smem:$0x3FA3]  }
0x29: {  	s4 =	sld [smem:$0x3FA5]  }
0x2a: {  	p0 =	seq.s32 s5, $0x0;
	s5 =	sld [smem:$0x3FA6]  }
0x2b: {  	s6 =	sld [smem:$0x3FA7]  }
0x2c: {  	s7 =	sld [smem:$0x3FA8]  }
0x2d: {  	s3 =	simm.s32 $0x108;
	s8 =	sld [smem:$0x3FA9]  }
0x2e: {  	s3 =	simm.s32 @!p0 $0x1082;
	s9 =	sld [smem:$0x3FAA]  }
0x2f: {  	lr =	sadd.s32 s0, s3;
	s0 =	sld [smem:$0x3FA1]  }
0x30: {  	s3 =	sld [smem:$0x3FA4]  }
0x31: {  	[smem:$0x3FAD] =	sst s10  }
0x32: {  	s10 =	sld [smem:$0x3FAB];
	_ =	sdelay $0x3  }
0x33: {  	p0 =	seq.s32 s10, $0x1;
	s10 =	sld [smem:$0x3FAD];
	_ =	sdelay $0x3  }
0x34: {  	[smem:$0x3FAD] =	sst s10  }
0x35: {  	s10 =	sld [smem:$0x3FAC];
	_ =	sdelay $0x3  }
0x36: {  	p1 =	seq.s32 s10, $0x1;
	s10 =	sld [smem:$0x3FAD];
	_ =	sdelay $0x3  }
0x37: {  	[smem:$0x3FAD] =	sst s10  }
0x38: {  	s10 =	sld [smem:$0x3FAE]  }
0x39: {  	_ = 	snop;
	(pc) =	sbr.ind lr, $3  }
0x3a: {  	_ = 	snop  }
0x3b: {  	_ = 	snop  }
0x3c: {  	p2 =	seq.s32 s10, $0x1;
	s10 =	sld [smem:$0x3FAD]  }
0x3d: {  	_ =	shalt  }
0x3e: {  	_ =	shalt  }
0x3f: {  	_ =	shalt  }
0x40: {  	_ =	shalt  }
0x41: {  	_ =	shalt  }
0x42: {  	_ =	shalt  }
0x43: {  	_ =	shalt  }
0x44: {  	_ =	shalt  }
0x45: {  	_ =	shalt  }
0x46: {  	_ =	shalt  }
0x47: {  	_ =	shalt  }
0x48: {  	_ =	shalt  }
0x49: {  	_ =	shalt  }
0x4a: {  	_ =	shalt  }
0x4b: {  	_ =	shalt  }
0x4c: {  	_ =	shalt  }
0x4d: {  	_ =	shalt  }
0x4e: {  	_ =	shalt  }
0x4f: {  	_ =	shalt  }
0x50: {  	_ =	shalt  }
0x51: {  	_ =	shalt  }
0x52: {  	_ =	shalt  }
0x53: {  	_ =	shalt  }
0x54: {  	_ =	shalt  }
0x55: {  	_ =	shalt  }
0x56: {  	_ =	shalt  }
0x57: {  	_ =	shalt  }
0x58: {  	_ =	shalt  }
0x59: {  	_ =	shalt  }
0x5a: {  	_ =	shalt  }
0x5b: {  	_ =	shalt  }
0x5c: {  	_ =	shalt  }
0x5d: {  	_ =	shalt  }
0x5e: {  	_ =	shalt  }
0x5f: {  	_ =	shalt  }
0x60: {  	_ =	shalt  }
0x61: {  	_ =	shalt  }
0x62: {  	_ =	shalt  }
0x63: {  	_ =	shalt  }
0x64: {  	_ =	shalt  }
0x65: {  	_ =	shalt  }
0x66: {  	_ =	shalt  }
0x67: {  	_ =	shalt  }
0x68: {  	_ =	shalt  }
0x69: {  	_ =	shalt  }
0x6a: {  	_ =	shalt  }
0x6b: {  	_ =	shalt  }
0x6c: {  	_ =	shalt  }
0x6d: {  	_ =	shalt  }
0x6e: {  	_ =	shalt  }
0x6f: {  	_ =	shalt  }
0x70: {  	_ =	shalt  }
0x71: {  	_ =	shalt  }
0x72: {  	_ =	shalt  }
0x73: {  	_ =	shalt  }
0x74: {  	_ =	shalt  }
0x75: {  	_ =	shalt  }
0x76: {  	_ =	shalt  }
0x77: {  	_ =	shalt  }
0x78: {  	_ =	shalt  }
0x79: {  	_ =	shalt  }
0x7a: {  	_ =	shalt  }
0x7b: {  	_ =	shalt  }
0x7c: {  	_ =	shalt  }
0x7d: {  	_ =	shalt  }
0x7e: {  	_ =	shalt  }
0x7f: {  	_ =	shalt  }
0x80: {  	_ =	shalt  }
0x81: {  	_ =	shalt  }
0x82: {  	_ =	shalt  }
0x83: {  	_ =	shalt  }
0x84: {  	_ =	shalt  }
0x85: {  	_ =	shalt  }
0x86: {  	_ =	shalt  }
0x87: {  	_ =	shalt  }
.Lfunc_end0:
.L_simem_size_0:
called_computation.1_lowered:
.L_overlay_start_0:
0x88: {  	s2 =	sld [smem:$0x3FD9]  }
0x89: {  	s3 =	sld [smem:$0x3FFE];
	_ =	sdelay $0x1  }
0x8a: {  	s1 =	srdreg.scid  }
0x8b: {  	s0 =	sand.u32 $0x1, s1  }
0x8c: {  	s14 =	sshll.u32 s0, $0xA;
	s2 =	sadd.s32 s3, s2  }
0x8d: {  	s2 =	sadd.s32 s2, s14  }
0x8e: {  	[smem:$0x3FB9] =	sst s2  }
0x8f: {  	_ = 	snop  }
0x90: {  	s2 =	sld [smem:$0x3FD0];
	_ =	sdelay $0x2  }
0x91: {  	s15 =	simm.s32 $0xA;
	s4 =	simm.s32 $0x10  }
0x92: {  	[smem:s4], [sflag:s15] =	dma.local [hbm:s2], $0x1  }
0x93: {  	_ =	swait.eq [sflag:s15], $0x1  }
0x94: {  	[sflag:s15] =	ssyncset.done $0x0  }
0x95: {  	[sflag:s15] =	ssyncadd.s32 $0xFFFFFFFF  }
0x96: {  	s16 =	sld [smem:$0x11];
	(tm) =	ssettm $0x1  }
0x97: {  	s17 =	sld [smem:$0x3FFB];
	_ =	sdelay $0x3  }
0x98: {  	_ =	strace s17  }
0x99: {  	s3 =	sld [smem:$0x3FFC];
	_ =	sdelay $0x3  }
0x9a: {  	_ =	strace s3  }
0x9b: {  	s3 =	sld [smem:$0x3FFD];
	_ =	sdelay $0x3  }
0x9c: {  	_ =	strace s3  }
0x9d: {  	_ =	strace $0x8FFFFFFF  }
0x9e: {  	s18 =	sld [smem:$0x3FDB];
	_ =	sdelay $0x1  }
0x9f: {  	s19 =	simm.s32 $_scs_section_size  }
0xa0: {  	s5 =	simm.s32 $_size__tile_overlayer_lowered;
	s6 =	simm.s32 $_tile_overlayer_lowered  }
0xa1: {  	s22 =	simm.s32 $0x1BFF;
	s21 =	sshll.u32 s6, $0x1;
	s3 =	sadd.s32 s19, s18  }
0xa2: {  	s7 =	simm.s32 $0x0;
	s20 =	sshll.u32 s5, $0x1;
	s5 =	sadd.s32 s21, s3  }
0xa3: {  	[timem:s7], [sflag:s22] =	dma.local [hbm:s5], s20  }
0xa4: {  	_ =	swait.ge [sflag:s22], s20  }
0xa5: {  	s4 =	ssub.s32 $0x0, s20;
	[sflag:s22] =	ssyncset.done $0x0  }
0xa6: {  	[sflag:s22] =	ssyncadd.s32 s4;
	_ =	sdelay $0x1  }
0xa7: {  	s23 =	simm.s32 $0x1B8B  }
0xa8: {  	_ =	swait.ge [sflag:s23], $0x1  }
0xa9: {  	[sflag:s23] =	ssyncset.done $0x0  }
0xaa: {  	s25 =	simm.s32 $0x1B8E;
	s24 =	sld [smem:$0x3FFE];
	[sflag:s23] =	ssyncadd.s32 $0xFFFFFFFF  }
0xab: {  	s26 =	simm.s32 $execute0_lowered;
	[smem:$0x3FD2] =	sst s25  }
0xac: {  	s5 =	sshll.u32 s26, $0x1;
	_ =	strace $0x80000049;
	[dreg:$0x1] =	wrdreg $0xFFFFFFFF  }
0xad: {  	s28 =	simm.s32 $_size_execute0_lowered;
	s3 =	sadd.s32 s3, s5;
	[dreg:$0x0] =	wrdreg $0x0  }
0xae: {  	s5 =	sshll.u32 s28, $0x1;
	[dreg:$0x2] =	wrdreg s3  }
0xaf: {  	[dreg:$0x3] =	wrdreg s5  }
0xb0: {  	[dreg:$0x4] =	wrdreg $0xC0  }
0xb1: {  	_ =	task [dreg:s7], $0x5FFFF  }
0xb2: {  	[dreg:$0x1] =	wrdreg $0xFFFFFFFF  }
0xb3: {  	[dreg:$0x0] =	wrdreg $0x60  }
0xb4: {  	[dreg:$0x2] =	wrdreg s24  }
0xb5: {  	[dreg:$0x3] =	wrdreg s16  }
0xb6: {  	[dreg:$0x4] =	wrdreg $0x41000  }
0xb7: {  	[dreg:$0x5] =	wrdreg $0x9  }
0xb8: {  	_ =	task.clear_ibuf [dreg:s7], $0x6FFFF;
	_ =	strace $0x90000049  }
0xb9: {  	s29 =	simm.s32 $0x9;
	_ =	strace $0x8000004B  }
0xba: {  	_ =	swait.ge [sflag:s29], $0x1  }
0xbb: {  	[sflag:s29] =	ssyncadd.s32 $0xFFFFFFFF  }
0xbc: {  	_ =	strace $0x9000004B  }
0xbd: {  	_ =	sfence  }
0xbe: {  	s30 =	sld [smem:$0x0];
	_ =	sdelay $0x2  }
0xbf: {  	s31 =	sshll.u32 s1, $0xD;
	s1 =	sshrl.u32 s1, $0x2  }
0xc0: {  	s3 =	sand.u32 $0x4000, s31;
	s1 =	sadd.s32 s1, s30  }
0xc1: {  	s0 =	sor.u32 s3, s0;
	s1 =	sshll.u32 s1, $0x11  }
0xc2: {  	s0 =	sor.u32 s1, s0  }
0xc3: {  	s0 =	sadd.s32 $0x8F2B, s0  }
0xc4: {  	[sflag:s0] =	ssyncadd.remote.s32 $0x1  }
0xc5: {  	_ =	sfence.sel $0xFFFF  }
0xc6: {  	[dreg:$0x0] =	wrdreg $0xFFFFFFFF;
	(pc) =	sbr.abs _section_cstart, $3  }
0xc7: {  	[dreg:$0x1] =	wrdreg $0xFFFFFFFF  }
0xc8: {  	_ =	task.clear_ibuf [dreg:s7], $0x2FFFF;
	_ =	strace $0x9FFFFFFF  }
0xc9: {  	(tm) =	ssettm $0x7FFFFFFF  }
tec
execute0_lowered:
.L_overlay_start_1:
0x0: {  	(tag) =	ssettag $0x1  }
0x1: {  	s4 =	rddreg [dreg:$0x0]  }
0x2: {  	s15 =	rddreg [dreg:$0x1]  }
0x3: {  	s2 =	rddreg [dreg:$0x2]  }
0x4: {  	s0 =	rddreg [dreg:$0x3]  }
0x5: {  	s1 =	stileid.u32;
	s5 =	srdreg.scid;
	s3 =	simm.s32 $0x0  }
0x6: {  	s10 =	simm.s32 $0x66;
	s20 =	simm.s32 $0x80;
	s6 =	smul.u32 $0x38, s1  }
0x7: {  	s21 =	simm.s32 $0x1;
	s7 =	sand.u32 $0x1, s5;
	s5 =	smul.u32 $0x66, s1  }
0x8: {  	s22 =	simm.s32 $0x0;
	[smem:$0x7FF] =	sst s3;
	s30 =	smul.u32 $0x50000, s1  }
0x9: {  	s11 =	smul.u32 $0x14000, s1;
	p0 =	seq.s32 s7, $0x0;
	_ =	strace $0x8000004A  }
0xa: {  	s8 =	ssub.s32 $0x2, s7;
	s19 =	smul.u32 $0x140000, s7;
	s6 =	sadd.s32 $0x660, s6  }
0xb: {  	s31 =	sshrl.u32 s8, $0x1;
	s12 =	sadd.s32 $0x4000, s11;
	s13 =	sadd.s32 $0x8000, s11  }
0xc: {  	s14 =	sadd.s32 $0xC000, s11;
	s18 =	sadd.s32 $0x10000, s11;
	s10 =	simm.s32 @!p0 $0x38  }
0xd: {  	s6 =	smov.u32 @p0 s5;
	s16 =	ssub.s32 s8, s31;
	s5 =	sshrl.u32 s30, $0x2  }
0xe: {  	s7 =	sadd.s32 s13, s2;
	s8 =	sadd.s32 s14, s2;
	s9 =	sadd.s32 s18, s2  }
0xf: {  	s11 =	sadd.s32 s11, s19;
	s13 =	sadd.s32 s19, s13;
	s14 =	sadd.s32 s19, s14  }
0x10: {  	s18 =	sadd.s32 s19, s18;
	s6 =	sshll.u32 s6, $0x5;
	s5 =	sadd.s32 s5, s2  }
0x11: {  	s11 =	sshrl.u32 s11, $0x3;
	s13 =	sshrl.u32 s13, $0x3;
	s14 =	sshrl.u32 s14, $0x3  }
0x12: {  	s18 =	sshrl.u32 s18, $0x3;
	s16 =	smax.u32 s16, $0x1;
	s17 =	sadd.s32 s6, s4  }
0x13: {  	s4 =	sadd.s32 $0x17C00, s4;
	s6 =	sadd.s32 s12, s2;
	s12 =	sadd.s32 s19, s12  }
0x14: {  	s11 =	sadd.s32 s15, s11;
	s13 =	sadd.s32 s15, s13;
	s14 =	sadd.s32 s15, s14  }
0x15: {  	s19 =	simm.s32 $0x2;
	s12 =	sshrl.u32 s12, $0x3;
	s17 =	sadd.s32 $0x4000, s17  }
0x16: {  	v0 =	vimm.f32 $0.0e+00;
	s12 =	sadd.s32 s15, s12;
	s15 =	sadd.s32 s15, s18;
	s18 =	simm.s32 $0x100  }
.LBB2_1:
0x17: {  	s23 =	simm.s32 $0x0;
	s24 =	simm.s32 $0x200  }
.LBB2_2:
0x18: {  	p0 =	sne.s32 s24, $0xFE00;
	[tilespmem:s23+$0x170] =	vst v0  }
0x19: {  	[tilespmem:s23+$0x100] =	vst v0  }
0x1a: {  	[tilespmem:s23+$0x110] =	vst v0  }
.Ltmp0:
0x1b: {  	[tilespmem:s23+$0x120] =	vst v0;
	(pc) =	sbr.rel @p0 .LBB2_2-.Ltmp0, $4  }
0x1c: {  	[tilespmem:s23+$0x130] =	vst v0  }
0x1d: {  	[tilespmem:s23+$0x140] =	vst v0  }
0x1e: {  	[tilespmem:s23+$0x150] =	vst v0  }
0x1f: {  	[tilespmem:s23+$0x160] =	vst v0;
	s23 =	sshra.s32 s24, $0x2;
	s24 =	sadd.s32 $0x200, s24  }
0x20: {  	[tilespmem:s23+$0x170] =	vst v0  }
0x21: {  	[tilespmem:s23+$0x100] =	vst v0  }
0x22: {  	[tilespmem:s23+$0x110] =	vst v0  }
0x23: {  	[tilespmem:s23+$0x120] =	vst v0  }
0x24: {  	[tilespmem:s23+$0x130] =	vst v0  }
0x25: {  	[tilespmem:s23+$0x140] =	vst v0  }
0x26: {  	[tilespmem:s23+$0x150] =	vst v0  }
0x27: {  	[tilespmem:s23+$0x160] =	vst v0  }
0x28: {  	[spmem:s5] =	stream.linear.scatter [tilespmem:s18], [sflag:$0x2], $0x4000, $0x38;
	[tilespmem:$0x18100] =	vst v63  }
0x29: {  	_ =	swait.ge [sflag:s19], $0x4000  }
0x2a: {  	[sflag:s19] =	ssyncset.done $0x0  }
0x2b: {  	[sflag:s19] =	ssyncadd.s32 $0xFFFFC000  }
0x2c: {  	[spmem:s6] =	stream.linear.scatter [tilespmem:s18], [sflag:$0x2], $0x4000, $0x38;
	[tilespmem:$0x18100] =	vst v63  }
0x2d: {  	_ =	swait.ge [sflag:s19], $0x4000  }
0x2e: {  	[sflag:s19] =	ssyncset.done $0x0  }
0x2f: {  	[sflag:s19] =	ssyncadd.s32 $0xFFFFC000  }
0x30: {  	[spmem:s7] =	stream.linear.scatter [tilespmem:s18], [sflag:$0x2], $0x4000, $0x38;
	[tilespmem:$0x18100] =	vst v63  }
0x31: {  	_ =	swait.ge [sflag:s19], $0x4000  }
0x32: {  	[sflag:s19] =	ssyncset.done $0x0  }
0x33: {  	[sflag:s19] =	ssyncadd.s32 $0xFFFFC000  }
0x34: {  	[spmem:s8] =	stream.linear.scatter [tilespmem:s18], [sflag:$0x2], $0x4000, $0x38;
	[tilespmem:$0x18100] =	vst v63  }
0x35: {  	_ =	swait.ge [sflag:s19], $0x4000  }
0x36: {  	[sflag:s19] =	ssyncset.done $0x0  }
0x37: {  	[sflag:s19] =	ssyncadd.s32 $0xFFFFC000  }
0x38: {  	[spmem:s9] =	stream.linear.scatter [tilespmem:s18], [sflag:$0x2], $0x4000, $0x38;
	[tilespmem:$0x18100] =	vst v63  }
0x39: {  	_ =	swait.ge [sflag:s19], $0x4000  }
0x3a: {  	[sflag:s19] =	ssyncset.done $0x0  }
0x3b: {  	[sflag:s19] =	ssyncadd.s32 $0xFFFFC000  }
0x3c: {  	[bflag:$0x0] =	sbarrier.arrive $0xFFFF  }
0x3d: {  	[tilespmem:s3], [sflag:$0x2] =	stream.linear.gather [hbm4b:s17+s3], $0x100, $0x38;
	[tilespmem:$0x18100] =	vst v63  }
0x3e: {  	_ =	swait.ge [sflag:s19], $0x100  }
0x3f: {  	[sflag:s19] =	ssyncset.done $0x0  }
0x40: {  	[sflag:s19] =	ssyncadd.s32 $0xFFFFFF00  }
0x41: {  	[tilespmem:s18], [sflag:$0x1] =	stream.indirect.gather [hbm4b:s4+s20], $0x80, s3, s20, $0xb8;
	[tilespmem:$0x18100] =	vst v63  }
0x42: {  	p0 =	sne.s32 s10, $0x1;
	_ =	swait.ge [sflag:s21], $0x4000  }
.Ltmp1:
0x43: {  	[sflag:s21] =	ssyncset.done $0x0;
	(pc) =	sbr.rel @!p0 .LBB2_5-.Ltmp1, $4  }
0x44: {  	[sflag:s21] =	ssyncadd.s32 $0xFFFFC000  }
0x45: {  	[spmem:s2] =	stream.indirect.scatter.add.f32 [tilespmem:s18], [sflag:$0x2], $0x80, s20, s20, $0xb8;
	[tilespmem:$0x18100] =	vst v63  }
0x46: {  	_ =	swait.ge [sflag:s19], $0x4000  }
0x47: {  	s23 =	sadd.s32 $0xFFFFFFFF, s10;
	s24 =	smov.u32 s17;
	[sflag:s19] =	ssyncset.done $0x0  }
.LBB2_4:
0x48: {  	p0 =	sne.s32 s23, $0x1;
	[sflag:s19] =	ssyncadd.s32 $0xFFFFC000;
	s24 =	sadd.s32 $0x20, s24  }
0x49: {  	[tilespmem:s3], [sflag:$0x2] =	stream.linear.gather [hbm4b:s24+s3], $0x100, $0x38;
	[tilespmem:$0x18100] =	vst v63  }
0x4a: {  	s23 =	sadd.s32 $0xFFFFFFFF, s23;
	_ =	swait.ge [sflag:s19], $0x100  }
0x4b: {  	[sflag:s19] =	ssyncset.done $0x0  }
0x4c: {  	[sflag:s19] =	ssyncadd.s32 $0xFFFFFF00  }
0x4d: {  	[tilespmem:s18], [sflag:$0x1] =	stream.indirect.gather [hbm4b:s4+s20], $0x80, s3, s20, $0xb8;
	[tilespmem:$0x18100] =	vst v63  }
0x4e: {  	_ =	swait.ge [sflag:s21], $0x4000  }
.Ltmp2:
0x4f: {  	[sflag:s21] =	ssyncset.done $0x0;
	(pc) =	sbr.rel @p0 .LBB2_4-.Ltmp2, $4  }
0x50: {  	[sflag:s21] =	ssyncadd.s32 $0xFFFFC000  }
0x51: {  	[spmem:s2] =	stream.indirect.scatter.add.f32 [tilespmem:s18], [sflag:$0x2], $0x80, s20, s20, $0xb8;
	[tilespmem:$0x18100] =	vst v63  }
0x52: {  	_ =	swait.ge [sflag:s19], $0x4000  }
0x53: {  	[sflag:s19] =	ssyncset.done $0x0  }
.LBB2_5:
0x54: {  	[sflag:s19] =	ssyncadd.s32 $0xFFFFC000  }
0x55: {  	[bflag:$0x0] =	sbarrier.arrive $0xFFFF  }
0x56: {  	[tilespmem:s18], [sflag:$0x2] =	stream.linear.gather [spmem:s5], $0x4000, $0x38;
	[tilespmem:$0x18100] =	vst v63  }
0x57: {  	_ =	swait.ge [sflag:s19], $0x4000  }
0x58: {  	[sflag:s19] =	ssyncset.done $0x0  }
0x59: {  	[sflag:s19] =	ssyncadd.s32 $0xFFFFC000  }
0x5a: {  	[hbm4b:s11+s3] =	stream.linear.scatter [tilespmem:s18], [sflag:$0x2], $0x4000, $0x38;
	[tilespmem:$0x18100] =	vst v63  }
0x5b: {  	_ =	swait.ge [sflag:s19], $0x4000  }
0x5c: {  	[sflag:s19] =	ssyncset.done $0x0  }
0x5d: {  	[sflag:s19] =	ssyncadd.s32 $0xFFFFC000  }
0x5e: {  	[tilespmem:s18], [sflag:$0x2] =	stream.linear.gather [spmem:s6], $0x4000, $0x38;
	[tilespmem:$0x18100] =	vst v63  }
0x5f: {  	_ =	swait.ge [sflag:s19], $0x4000  }
0x60: {  	[sflag:s19] =	ssyncset.done $0x0  }
0x61: {  	[sflag:s19] =	ssyncadd.s32 $0xFFFFC000  }
0x62: {  	[hbm4b:s12+s3] =	stream.linear.scatter [tilespmem:s18], [sflag:$0x2], $0x4000, $0x38;
	[tilespmem:$0x18100] =	vst v63  }
0x63: {  	_ =	swait.ge [sflag:s19], $0x4000  }
0x64: {  	[sflag:s19] =	ssyncset.done $0x0  }
0x65: {  	[sflag:s19] =	ssyncadd.s32 $0xFFFFC000  }
0x66: {  	[tilespmem:s18], [sflag:$0x2] =	stream.linear.gather [spmem:s7], $0x4000, $0x38;
	[tilespmem:$0x18100] =	vst v63  }
0x67: {  	_ =	swait.ge [sflag:s19], $0x4000  }
0x68: {  	[sflag:s19] =	ssyncset.done $0x0  }
0x69: {  	[sflag:s19] =	ssyncadd.s32 $0xFFFFC000  }
0x6a: {  	[hbm4b:s13+s3] =	stream.linear.scatter [tilespmem:s18], [sflag:$0x2], $0x4000, $0x38;
	[tilespmem:$0x18100] =	vst v63  }
0x6b: {  	_ =	swait.ge [sflag:s19], $0x4000  }
0x6c: {  	[sflag:s19] =	ssyncset.done $0x0  }
0x6d: {  	[sflag:s19] =	ssyncadd.s32 $0xFFFFC000  }
0x6e: {  	[tilespmem:s18], [sflag:$0x2] =	stream.linear.gather [spmem:s8], $0x4000, $0x38;
	[tilespmem:$0x18100] =	vst v63  }
0x6f: {  	_ =	swait.ge [sflag:s19], $0x4000  }
0x70: {  	[sflag:s19] =	ssyncset.done $0x0  }
0x71: {  	[sflag:s19] =	ssyncadd.s32 $0xFFFFC000  }
0x72: {  	[hbm4b:s14+s3] =	stream.linear.scatter [tilespmem:s18], [sflag:$0x2], $0x4000, $0x38;
	[tilespmem:$0x18100] =	vst v63  }
0x73: {  	_ =	swait.ge [sflag:s19], $0x4000  }
0x74: {  	[sflag:s19] =	ssyncset.done $0x0  }
0x75: {  	[sflag:s19] =	ssyncadd.s32 $0xFFFFC000  }
0x76: {  	[tilespmem:s18], [sflag:$0x2] =	stream.linear.gather [spmem:s9], $0x4000, $0x38;
	[tilespmem:$0x18100] =	vst v63  }
0x77: {  	s22 =	sadd.s32 $0x1, s22;
	_ =	swait.ge [sflag:s19], $0x4000  }
0x78: {  	p0 =	sne.s32 s22, s16;
	[sflag:s19] =	ssyncset.done $0x0  }
.Ltmp3:
0x79: {  	[sflag:s19] =	ssyncadd.s32 $0xFFFFC000;
	(pc) =	sbr.rel @p0 .LBB2_1-.Ltmp3, $4  }
0x7a: {  	[hbm4b:s15+s3] =	stream.linear.scatter [tilespmem:s18], [sflag:$0x2], $0x4000, $0x38;
	[tilespmem:$0x18100] =	vst v63  }
0x7b: {  	_ =	swait.ge [sflag:s19], $0x4000  }
0x7c: {  	[sflag:s19] =	ssyncset.done $0x0  }
0x7d: {  	[sflag:s19] =	ssyncadd.s32 $0xFFFFC000  }
0x7e: {  	_ =	sfence.sel $0x180000  }
0x7f: {  	[bflag:$0x0] =	sbarrier.arrive $0xFFFF  }
0x80: {  	p0 =	sne.s32 s1, $0x0;
	_ =	strace $0x9000004A  }
0x81: {  	s0 =	sadd.s32 @!p0 $0x100000, s0;
	[bflag:$0x2] =	sbarrier.arrive $0xFFFF  }
0x82: {  	[sflag:s0] =	ssyncadd.tile.s32 @!p0 $0x1;
	_ =	shalt  }
.Lfunc_end2:
_tile_overlayer_lowered:
.L_overlay_start_2:
0x83: {  	(tag) =	ssettag $0x2  }
0x84: {  	s0 =	rddreg [dreg:$0x0];
	s2 =	stileid.u32  }
0x85: {  	s1 =	rddreg [dreg:$0x1];
	p0 =	sne.s32 s2, $0x0  }
0x86: {  	s3 =	rddreg [dreg:$0x2];
	[bflag:$0x3] =	sbarrier.arrive $0xFFFF;
	s2 =	simm.s32 @!p0 $0x1C02  }
0x87: {  	[timem:s3], [sflag:s2] =	dma.local @!p0 [hbm:s0], s1  }
0x88: {  	s0 =	simm.s32 @!p0 $0x2  }
0x89: {  	_ =	swait.ge @!p0 [sflag:s0], s1  }
0x8a: {  	s1 =	ssub.s32 @!p0 $0x0, s1;
	[sflag:s0] =	ssyncset.done @!p0 $0x0  }
0x8b: {  	[sflag:s0] =	ssyncadd.s32 @!p0 s1  }
0x8c: {  	[bflag:$0x3] =	sbarrier.arrive $0xFFFF  }
0x8d: {  	_ =	shalt  }

// kernel: kernel.17.cloned.1.call-start
scs
__scs_entry_jumppad:
0x0: {  	(pc) =	sbr.rel $0x88, $3  }
0x1: {  	(tag) =	ssettag $0x0;
	lr =	simm.s32 $0x1  }
0x2: {  	[smem:$0x3F92] =	sst lr;
	_ =	strace $0xD0000000  }
0x3: {  	_ = 	snop  }
0x4: {  	_ = 	snop  }
0x5: {  	_ = 	snop  }
0x6: {  	_ = 	snop  }
0x7: {  	_ = 	snop  }
__scs_overlays_trampoline_lowered:
0x8: {  	[smem:$0x3FA1] =	sst s0  }
0x9: {  	[smem:$0x3FA2] =	sst s1  }
0xa: {  	[smem:$0x3FA3] =	sst s2  }
0xb: {  	[smem:$0x3FA4] =	sst s3  }
0xc: {  	[smem:$0x3FA5] =	sst s4  }
0xd: {  	[smem:$0x3FA6] =	sst s5  }
0xe: {  	[smem:$0x3FA7] =	sst s6  }
0xf: {  	[smem:$0x3FA8] =	sst s7  }
0x10: {  	[smem:$0x3FA9] =	sst s8  }
0x11: {  	[smem:$0x3FAA] =	sst s9;
	s0 =	simm.s32 @!p0 $0x0  }
0x12: {  	s1 =	sld [smem:$0x3F90];
	s0 =	simm.s32 @p0 $0x1  }
0x13: {  	[smem:$0x3FAB] =	sst s0;
	s0 =	simm.s32 @!p1 $0x0  }
0x14: {  	s2 =	sld [smem:$0x3F8F];
	s0 =	simm.s32 @p1 $0x1  }
0x15: {  	[smem:$0x3FAC] =	sst s0;
	s0 =	simm.s32 @!p2 $0x0  }
0x16: {  	s3 =	sld [smem:$0x3FDB];
	s0 =	simm.s32 @p2 $0x1  }
0x17: {  	s4 =	simm.s32 $0x1BF5;
	[smem:$0x3FAE] =	sst s0  }
0x18: {  	s0 =	sld [smem:$0x3F91];
	_ =	swait.ge [sflag:s4], $0x0  }
0x19: {  	s7 =	sld [smem:$0x3F92]  }
0x1a: {  	s8 =	sadd.s32 $0xFFFFE003, lr  }
0x1b: {  	s9 =	sadd.s32 $0xFFFFFEF7, lr;
	s5 =	simm.s32 $0xFFFFFFFF;
	p2 =	slt.u32 s8, $0xFFFFF086  }
0x1c: {  	p1 =	slt.u32 s9, $0xF7A;
	s5 =	simm.s32 @!p2 $0x0  }
0x1d: {  	s5 =	simm.s32 @p1 $0x1;
	p0 =	seq.s32 s7, s2  }
0x1e: {  	s7 =	smul.u32 @!p0 $0xF7A, s2;
	p2 =	seq.s32 @!p0 s5, $0x0  }
0x1f: {  	s9 =	smul.u32 $0xF7A, s1;
	s8 =	simm.s32 @!p0 $0x1BF5;
	p2 =	por !p2, p0  }
0x20: {  	[sflag:s8] =	ssyncset.s32 @!p0 $0xFFFFF086;
	s6 =	sadd.s32 @!p0 s3, s7;
	s7 =	simm.s32 @!p0 $0x108  }
0x21: {  	s3 =	sadd.s32 s3, s9;
	s6 =	sadd.s32 @!p0 $0x88, s6;
	s7 =	simm.s32 @p2 $0x1082  }
0x22: {  	[simem:s7], [sflag:s8] =	dma.local @!p0 [hbm:s6], $0xF7A  }
0x23: {  	s9 =	sor.u32 $0xD0000000, s2;
	s6 =	simm.s32 $0x108;
	_ =	swait.ge @!p0 [sflag:s8], $0x0  }
0x24: {  	s3 =	sadd.s32 $0x88, s3;
	s6 =	simm.s32 @!p1 $0x1082;
	[sflag:s4] =	ssyncset.s32 $0xFFFFF086  }
0x25: {  	[simem:s6], [sflag:s4] =	dma.local [hbm:s3], $0xF7A  }
0x26: {  	[smem:$0x3F92] =	sst s1;
	(tag) =	ssettag s2;
	_ =	strace s9  }
0x27: {  	s1 =	sld [smem:$0x3FA2]  }
0x28: {  	s2 =	sld [smem:$0x3FA3]  }
0x29: {  	s4 =	sld [smem:$0x3FA5]  }
0x2a: {  	p0 =	seq.s32 s5, $0x0;
	s5 =	sld [smem:$0x3FA6]  }
0x2b: {  	s6 =	sld [smem:$0x3FA7]  }
0x2c: {  	s7 =	sld [smem:$0x3FA8]  }
0x2d: {  	s3 =	simm.s32 $0x108;
	s8 =	sld [smem:$0x3FA9]  }
0x2e: {  	s3 =	simm.s32 @!p0 $0x1082;
	s9 =	sld [smem:$0x3FAA]  }
0x2f: {  	lr =	sadd.s32 s0, s3;
	s0 =	sld [smem:$0x3FA1]  }
0x30: {  	s3 =	sld [smem:$0x3FA4]  }
0x31: {  	[smem:$0x3FAD] =	sst s10  }
0x32: {  	s10 =	sld [smem:$0x3FAB];
	_ =	sdelay $0x3  }
0x33: {  	p0 =	seq.s32 s10, $0x1;
	s10 =	sld [smem:$0x3FAD];
	_ =	sdelay $0x3  }
0x34: {  	[smem:$0x3FAD] =	sst s10  }
0x35: {  	s10 =	sld [smem:$0x3FAC];
	_ =	sdelay $0x3  }
0x36: {  	p1 =	seq.s32 s10, $0x1;
	s10 =	sld [smem:$0x3FAD];
	_ =	sdelay $0x3  }
0x37: {  	[smem:$0x3FAD] =	sst s10  }
0x38: {  	s10 =	sld [smem:$0x3FAE]  }
0x39: {  	_ = 	snop;
	(pc) =	sbr.ind lr, $3  }
0x3a: {  	_ = 	snop  }
0x3b: {  	_ = 	snop  }
0x3c: {  	p2 =	seq.s32 s10, $0x1;
	s10 =	sld [smem:$0x3FAD]  }
0x3d: {  	_ =	shalt  }
0x3e: {  	_ =	shalt  }
0x3f: {  	_ =	shalt  }
0x40: {  	_ =	shalt  }
0x41: {  	_ =	shalt  }
0x42: {  	_ =	shalt  }
0x43: {  	_ =	shalt  }
0x44: {  	_ =	shalt  }
0x45: {  	_ =	shalt  }
0x46: {  	_ =	shalt  }
0x47: {  	_ =	shalt  }
0x48: {  	_ =	shalt  }
0x49: {  	_ =	shalt  }
0x4a: {  	_ =	shalt  }
0x4b: {  	_ =	shalt  }
0x4c: {  	_ =	shalt  }
0x4d: {  	_ =	shalt  }
0x4e: {  	_ =	shalt  }
0x4f: {  	_ =	shalt  }
0x50: {  	_ =	shalt  }
0x51: {  	_ =	shalt  }
0x52: {  	_ =	shalt  }
0x53: {  	_ =	shalt  }
0x54: {  	_ =	shalt  }
0x55: {  	_ =	shalt  }
0x56: {  	_ =	shalt  }
0x57: {  	_ =	shalt  }
0x58: {  	_ =	shalt  }
0x59: {  	_ =	shalt  }
0x5a: {  	_ =	shalt  }
0x5b: {  	_ =	shalt  }
0x5c: {  	_ =	shalt  }
0x5d: {  	_ =	shalt  }
0x5e: {  	_ =	shalt  }
0x5f: {  	_ =	shalt  }
0x60: {  	_ =	shalt  }
0x61: {  	_ =	shalt  }
0x62: {  	_ =	shalt  }
0x63: {  	_ =	shalt  }
0x64: {  	_ =	shalt  }
0x65: {  	_ =	shalt  }
0x66: {  	_ =	shalt  }
0x67: {  	_ =	shalt  }
0x68: {  	_ =	shalt  }
0x69: {  	_ =	shalt  }
0x6a: {  	_ =	shalt  }
0x6b: {  	_ =	shalt  }
0x6c: {  	_ =	shalt  }
0x6d: {  	_ =	shalt  }
0x6e: {  	_ =	shalt  }
0x6f: {  	_ =	shalt  }
0x70: {  	_ =	shalt  }
0x71: {  	_ =	shalt  }
0x72: {  	_ =	shalt  }
0x73: {  	_ =	shalt  }
0x74: {  	_ =	shalt  }
0x75: {  	_ =	shalt  }
0x76: {  	_ =	shalt  }
0x77: {  	_ =	shalt  }
0x78: {  	_ =	shalt  }
0x79: {  	_ =	shalt  }
0x7a: {  	_ =	shalt  }
0x7b: {  	_ =	shalt  }
0x7c: {  	_ =	shalt  }
0x7d: {  	_ =	shalt  }
0x7e: {  	_ =	shalt  }
0x7f: {  	_ =	shalt  }
0x80: {  	_ =	shalt  }
0x81: {  	_ =	shalt  }
0x82: {  	_ =	shalt  }
0x83: {  	_ =	shalt  }
0x84: {  	_ =	shalt  }
0x85: {  	_ =	shalt  }
0x86: {  	_ =	shalt  }
0x87: {  	_ =	shalt  }
.Lfunc_end0:
.L_simem_size_0:
called_computation.2_lowered:
.L_overlay_start_0:
0x88: {  	s2 =	sld [smem:$0x3FD9]  }
0x89: {  	s3 =	sld [smem:$0x3FFE];
	_ =	sdelay $0x1  }
0x8a: {  	s1 =	srdreg.scid  }
0x8b: {  	s0 =	sand.u32 $0x1, s1  }
0x8c: {  	s14 =	sshll.u32 s0, $0xA;
	s2 =	sadd.s32 s3, s2  }
0x8d: {  	s2 =	sadd.s32 s2, s14  }
0x8e: {  	[smem:$0x3FB9] =	sst s2  }
0x8f: {  	_ = 	snop  }
0x90: {  	s2 =	sld [smem:$0x3FD0];
	_ =	sdelay $0x2  }
0x91: {  	s15 =	simm.s32 $0xA;
	s4 =	simm.s32 $0x10  }
0x92: {  	[smem:s4], [sflag:s15] =	dma.local [hbm:s2], $0x1  }
0x93: {  	_ =	swait.eq [sflag:s15], $0x1  }
0x94: {  	[sflag:s15] =	ssyncset.done $0x0  }
0x95: {  	[sflag:s15] =	ssyncadd.s32 $0xFFFFFFFF  }
0x96: {  	s16 =	sld [smem:$0x11];
	(tm) =	ssettm $0x1  }
0x97: {  	s17 =	sld [smem:$0x3FFB];
	_ =	sdelay $0x3  }
0x98: {  	_ =	strace s17  }
0x99: {  	s3 =	sld [smem:$0x3FFC];
	_ =	sdelay $0x3  }
0x9a: {  	_ =	strace s3  }
0x9b: {  	s3 =	sld [smem:$0x3FFD];
	_ =	sdelay $0x3  }
0x9c: {  	_ =	strace s3  }
0x9d: {  	_ =	strace $0x8FFFFFFF  }
0x9e: {  	s18 =	sld [smem:$0x3FDB];
	_ =	sdelay $0x1  }
0x9f: {  	s19 =	simm.s32 $_scs_section_size  }
0xa0: {  	s5 =	simm.s32 $_size__tile_overlayer_lowered;
	s6 =	simm.s32 $_tile_overlayer_lowered  }
0xa1: {  	s22 =	simm.s32 $0x1BFF;
	s21 =	sshll.u32 s6, $0x1;
	s3 =	sadd.s32 s19, s18  }
0xa2: {  	s7 =	simm.s32 $0x0;
	s20 =	sshll.u32 s5, $0x1;
	s5 =	sadd.s32 s21, s3  }
0xa3: {  	[timem:s7], [sflag:s22] =	dma.local [hbm:s5], s20  }
0xa4: {  	_ =	swait.ge [sflag:s22], s20  }
0xa5: {  	s4 =	ssub.s32 $0x0, s20;
	[sflag:s22] =	ssyncset.done $0x0  }
0xa6: {  	[sflag:s22] =	ssyncadd.s32 s4;
	_ =	sdelay $0x1  }
0xa7: {  	s23 =	simm.s32 $0x1B8B  }
0xa8: {  	_ =	swait.ge [sflag:s23], $0x1  }
0xa9: {  	[sflag:s23] =	ssyncset.done $0x0  }
0xaa: {  	s25 =	simm.s32 $0x1B8E;
	s24 =	sld [smem:$0x3FFE];
	[sflag:s23] =	ssyncadd.s32 $0xFFFFFFFF  }
0xab: {  	s26 =	simm.s32 $execute0_lowered;
	[smem:$0x3FD2] =	sst s25  }
0xac: {  	s5 =	sshll.u32 s26, $0x1;
	_ =	strace $0x8000004C;
	[dreg:$0x1] =	wrdreg $0xFFFFFFFF  }
0xad: {  	s28 =	simm.s32 $_size_execute0_lowered;
	s3 =	sadd.s32 s3, s5;
	[dreg:$0x0] =	wrdreg $0x0  }
0xae: {  	s5 =	sshll.u32 s28, $0x1;
	[dreg:$0x2] =	wrdreg s3  }
0xaf: {  	[dreg:$0x3] =	wrdreg s5  }
0xb0: {  	[dreg:$0x4] =	wrdreg $0xC0  }
0xb1: {  	_ =	task [dreg:s7], $0x5FFFF  }
0xb2: {  	[dreg:$0x1] =	wrdreg $0xFFFFFFFF  }
0xb3: {  	[dreg:$0x0] =	wrdreg $0x60  }
0xb4: {  	[dreg:$0x2] =	wrdreg s24  }
0xb5: {  	[dreg:$0x3] =	wrdreg s16  }
0xb6: {  	[dreg:$0x4] =	wrdreg $0x41000  }
0xb7: {  	[dreg:$0x5] =	wrdreg $0x9  }
0xb8: {  	_ =	task.clear_ibuf [dreg:s7], $0x6FFFF;
	_ =	strace $0x9000004C  }
0xb9: {  	s29 =	simm.s32 $0x9;
	_ =	strace $0x8000004E  }
0xba: {  	_ =	swait.ge [sflag:s29], $0x1  }
0xbb: {  	[sflag:s29] =	ssyncadd.s32 $0xFFFFFFFF  }
0xbc: {  	_ =	strace $0x9000004E  }
0xbd: {  	_ =	sfence  }
0xbe: {  	s30 =	sld [smem:$0x0];
	_ =	sdelay $0x2  }
0xbf: {  	s31 =	sshll.u32 s1, $0xD;
	s1 =	sshrl.u32 s1, $0x2  }
0xc0: {  	s3 =	sand.u32 $0x4000, s31;
	s1 =	sadd.s32 s1, s30  }
0xc1: {  	s0 =	sor.u32 s3, s0;
	s1 =	sshll.u32 s1, $0x11  }
0xc2: {  	s0 =	sor.u32 s1, s0  }
0xc3: {  	s0 =	sadd.s32 $0x8F2B, s0  }
0xc4: {  	[sflag:s0] =	ssyncadd.remote.s32 $0x1  }
0xc5: {  	_ =	sfence.sel $0xFFFF  }
0xc6: {  	[dreg:$0x0] =	wrdreg $0xFFFFFFFF;
	(pc) =	sbr.abs _section_cstart, $3  }
0xc7: {  	[dreg:$0x1] =	wrdreg $0xFFFFFFFF  }
0xc8: {  	_ =	task.clear_ibuf [dreg:s7], $0x2FFFF;
	_ =	strace $0x9FFFFFFF  }
0xc9: {  	(tm) =	ssettm $0x7FFFFFFF  }
tec
execute0_lowered:
.L_overlay_start_1:
0x0: {  	(tag) =	ssettag $0x1  }
0x1: {  	s4 =	rddreg [dreg:$0x0]  }
0x2: {  	s15 =	rddreg [dreg:$0x1]  }
0x3: {  	s2 =	rddreg [dreg:$0x2]  }
0x4: {  	s0 =	rddreg [dreg:$0x3]  }
0x5: {  	s1 =	stileid.u32;
	s5 =	srdreg.scid;
	s3 =	simm.s32 $0x0  }
0x6: {  	s10 =	simm.s32 $0x66;
	s20 =	simm.s32 $0x80;
	s6 =	smul.u32 $0x38, s1  }
0x7: {  	s21 =	simm.s32 $0x1;
	s7 =	sand.u32 $0x1, s5;
	s5 =	smul.u32 $0x66, s1  }
0x8: {  	s22 =	simm.s32 $0x0;
	[smem:$0x7FF] =	sst s3;
	s30 =	smul.u32 $0x50000, s1  }
0x9: {  	s11 =	smul.u32 $0x14000, s1;
	p0 =	seq.s32 s7, $0x0;
	_ =	strace $0x8000004D  }
0xa: {  	s8 =	ssub.s32 $0x2, s7;
	s19 =	smul.u32 $0x140000, s7;
	s6 =	sadd.s32 $0x660, s6  }
0xb: {  	s31 =	sshrl.u32 s8, $0x1;
	s12 =	sadd.s32 $0x4000, s11;
	s13 =	sadd.s32 $0x8000, s11  }
0xc: {  	s14 =	sadd.s32 $0xC000, s11;
	s18 =	sadd.s32 $0x10000, s11;
	s10 =	simm.s32 @!p0 $0x38  }
0xd: {  	s6 =	smov.u32 @p0 s5;
	s16 =	ssub.s32 s8, s31;
	s5 =	sshrl.u32 s30, $0x2  }
0xe: {  	s7 =	sadd.s32 s13, s2;
	s8 =	sadd.s32 s14, s2;
	s9 =	sadd.s32 s18, s2  }
0xf: {  	s11 =	sadd.s32 s11, s19;
	s13 =	sadd.s32 s19, s13;
	s14 =	sadd.s32 s19, s14  }
0x10: {  	s18 =	sadd.s32 s19, s18;
	s6 =	sshll.u32 s6, $0x5;
	s5 =	sadd.s32 s5, s2  }
0x11: {  	s11 =	sshrl.u32 s11, $0x3;
	s13 =	sshrl.u32 s13, $0x3;
	s14 =	sshrl.u32 s14, $0x3  }
0x12: {  	s18 =	sshrl.u32 s18, $0x3;
	s16 =	smax.u32 s16, $0x1;
	s17 =	sadd.s32 s6, s4  }
0x13: {  	s4 =	sadd.s32 $0x17C00, s4;
	s6 =	sadd.s32 s12, s2;
	s12 =	sadd.s32 s19, s12  }
0x14: {  	s11 =	sadd.s32 s15, s11;
	s13 =	sadd.s32 s15, s13;
	s14 =	sadd.s32 s15, s14  }
0x15: {  	s19 =	simm.s32 $0x2;
	s12 =	sshrl.u32 s12, $0x3;
	s17 =	sadd.s32 $0x4000, s17  }
0x16: {  	v0 =	vimm.f32 $0.0e+00;
	s12 =	sadd.s32 s15, s12;
	s15 =	sadd.s32 s15, s18;
	s18 =	simm.s32 $0x100  }
.LBB2_1:
0x17: {  	s23 =	simm.s32 $0x0;
	s24 =	simm.s32 $0x200  }
.LBB2_2:
0x18: {  	p0 =	sne.s32 s24, $0xFE00;
	[tilespmem:s23+$0x170] =	vst v0  }
0x19: {  	[tilespmem:s23+$0x100] =	vst v0  }
0x1a: {  	[tilespmem:s23+$0x110] =	vst v0  }
.Ltmp0:
0x1b: {  	[tilespmem:s23+$0x120] =	vst v0;
	(pc) =	sbr.rel @p0 .LBB2_2-.Ltmp0, $4  }
0x1c: {  	[tilespmem:s23+$0x130] =	vst v0  }
0x1d: {  	[tilespmem:s23+$0x140] =	vst v0  }
0x1e: {  	[tilespmem:s23+$0x150] =	vst v0  }
0x1f: {  	[tilespmem:s23+$0x160] =	vst v0;
	s23 =	sshra.s32 s24, $0x2;
	s24 =	sadd.s32 $0x200, s24  }
0x20: {  	[tilespmem:s23+$0x170] =	vst v0  }
0x21: {  	[tilespmem:s23+$0x100] =	vst v0  }
0x22: {  	[tilespmem:s23+$0x110] =	vst v0  }
0x23: {  	[tilespmem:s23+$0x120] =	vst v0  }
0x24: {  	[tilespmem:s23+$0x130] =	vst v0  }
0x25: {  	[tilespmem:s23+$0x140] =	vst v0  }
0x26: {  	[tilespmem:s23+$0x150] =	vst v0  }
0x27: {  	[tilespmem:s23+$0x160] =	vst v0  }
0x28: {  	[spmem:s5] =	stream.linear.scatter [tilespmem:s18], [sflag:$0x2], $0x4000, $0x38;
	[tilespmem:$0x18100] =	vst v63  }
0x29: {  	_ =	swait.ge [sflag:s19], $0x4000  }
0x2a: {  	[sflag:s19] =	ssyncset.done $0x0  }
0x2b: {  	[sflag:s19] =	ssyncadd.s32 $0xFFFFC000  }
0x2c: {  	[spmem:s6] =	stream.linear.scatter [tilespmem:s18], [sflag:$0x2], $0x4000, $0x38;
	[tilespmem:$0x18100] =	vst v63  }
0x2d: {  	_ =	swait.ge [sflag:s19], $0x4000  }
0x2e: {  	[sflag:s19] =	ssyncset.done $0x0  }
0x2f: {  	[sflag:s19] =	ssyncadd.s32 $0xFFFFC000  }
0x30: {  	[spmem:s7] =	stream.linear.scatter [tilespmem:s18], [sflag:$0x2], $0x4000, $0x38;
	[tilespmem:$0x18100] =	vst v63  }
0x31: {  	_ =	swait.ge [sflag:s19], $0x4000  }
0x32: {  	[sflag:s19] =	ssyncset.done $0x0  }
0x33: {  	[sflag:s19] =	ssyncadd.s32 $0xFFFFC000  }
0x34: {  	[spmem:s8] =	stream.linear.scatter [tilespmem:s18], [sflag:$0x2], $0x4000, $0x38;
	[tilespmem:$0x18100] =	vst v63  }
0x35: {  	_ =	swait.ge [sflag:s19], $0x4000  }
0x36: {  	[sflag:s19] =	ssyncset.done $0x0  }
0x37: {  	[sflag:s19] =	ssyncadd.s32 $0xFFFFC000  }
0x38: {  	[spmem:s9] =	stream.linear.scatter [tilespmem:s18], [sflag:$0x2], $0x4000, $0x38;
	[tilespmem:$0x18100] =	vst v63  }
0x39: {  	_ =	swait.ge [sflag:s19], $0x4000  }
0x3a: {  	[sflag:s19] =	ssyncset.done $0x0  }
0x3b: {  	[sflag:s19] =	ssyncadd.s32 $0xFFFFC000  }
0x3c: {  	[bflag:$0x0] =	sbarrier.arrive $0xFFFF  }
0x3d: {  	[tilespmem:s3], [sflag:$0x2] =	stream.linear.gather [hbm4b:s17+s3], $0x100, $0x38;
	[tilespmem:$0x18100] =	vst v63  }
0x3e: {  	_ =	swait.ge [sflag:s19], $0x100  }
0x3f: {  	[sflag:s19] =	ssyncset.done $0x0  }
0x40: {  	[sflag:s19] =	ssyncadd.s32 $0xFFFFFF00  }
0x41: {  	[tilespmem:s18], [sflag:$0x1] =	stream.indirect.gather [hbm4b:s4+s20], $0x80, s3, s20, $0xb8;
	[tilespmem:$0x18100] =	vst v63  }
0x42: {  	p0 =	sne.s32 s10, $0x1;
	_ =	swait.ge [sflag:s21], $0x4000  }
.Ltmp1:
0x43: {  	[sflag:s21] =	ssyncset.done $0x0;
	(pc) =	sbr.rel @!p0 .LBB2_5-.Ltmp1, $4  }
0x44: {  	[sflag:s21] =	ssyncadd.s32 $0xFFFFC000  }
0x45: {  	[spmem:s2] =	stream.indirect.scatter.add.f32 [tilespmem:s18], [sflag:$0x2], $0x80, s20, s20, $0xb8;
	[tilespmem:$0x18100] =	vst v63  }
0x46: {  	_ =	swait.ge [sflag:s19], $0x4000  }
0x47: {  	s23 =	sadd.s32 $0xFFFFFFFF, s10;
	s24 =	smov.u32 s17;
	[sflag:s19] =	ssyncset.done $0x0  }
.LBB2_4:
0x48: {  	p0 =	sne.s32 s23, $0x1;
	[sflag:s19] =	ssyncadd.s32 $0xFFFFC000;
	s24 =	sadd.s32 $0x20, s24  }
0x49: {  	[tilespmem:s3], [sflag:$0x2] =	stream.linear.gather [hbm4b:s24+s3], $0x100, $0x38;
	[tilespmem:$0x18100] =	vst v63  }
0x4a: {  	s23 =	sadd.s32 $0xFFFFFFFF, s23;
	_ =	swait.ge [sflag:s19], $0x100  }
0x4b: {  	[sflag:s19] =	ssyncset.done $0x0  }
0x4c: {  	[sflag:s19] =	ssyncadd.s32 $0xFFFFFF00  }
0x4d: {  	[tilespmem:s18], [sflag:$0x1] =	stream.indirect.gather [hbm4b:s4+s20], $0x80, s3, s20, $0xb8;
	[tilespmem:$0x18100] =	vst v63  }
0x4e: {  	_ =	swait.ge [sflag:s21], $0x4000  }
.Ltmp2:
0x4f: {  	[sflag:s21] =	ssyncset.done $0x0;
	(pc) =	sbr.rel @p0 .LBB2_4-.Ltmp2, $4  }
0x50: {  	[sflag:s21] =	ssyncadd.s32 $0xFFFFC000  }
0x51: {  	[spmem:s2] =	stream.indirect.scatter.add.f32 [tilespmem:s18], [sflag:$0x2], $0x80, s20, s20, $0xb8;
	[tilespmem:$0x18100] =	vst v63  }
0x52: {  	_ =	swait.ge [sflag:s19], $0x4000  }
0x53: {  	[sflag:s19] =	ssyncset.done $0x0  }
.LBB2_5:
0x54: {  	[sflag:s19] =	ssyncadd.s32 $0xFFFFC000  }
0x55: {  	[bflag:$0x0] =	sbarrier.arrive $0xFFFF  }
0x56: {  	[tilespmem:s18], [sflag:$0x2] =	stream.linear.gather [spmem:s5], $0x4000, $0x38;
	[tilespmem:$0x18100] =	vst v63  }
0x57: {  	_ =	swait.ge [sflag:s19], $0x4000  }
0x58: {  	[sflag:s19] =	ssyncset.done $0x0  }
0x59: {  	[sflag:s19] =	ssyncadd.s32 $0xFFFFC000  }
0x5a: {  	[hbm4b:s11+s3] =	stream.linear.scatter [tilespmem:s18], [sflag:$0x2], $0x4000, $0x38;
	[tilespmem:$0x18100] =	vst v63  }
0x5b: {  	_ =	swait.ge [sflag:s19], $0x4000  }
0x5c: {  	[sflag:s19] =	ssyncset.done $0x0  }
0x5d: {  	[sflag:s19] =	ssyncadd.s32 $0xFFFFC000  }
0x5e: {  	[tilespmem:s18], [sflag:$0x2] =	stream.linear.gather [spmem:s6], $0x4000, $0x38;
	[tilespmem:$0x18100] =	vst v63  }
0x5f: {  	_ =	swait.ge [sflag:s19], $0x4000  }
0x60: {  	[sflag:s19] =	ssyncset.done $0x0  }
0x61: {  	[sflag:s19] =	ssyncadd.s32 $0xFFFFC000  }
0x62: {  	[hbm4b:s12+s3] =	stream.linear.scatter [tilespmem:s18], [sflag:$0x2], $0x4000, $0x38;
	[tilespmem:$0x18100] =	vst v63  }
0x63: {  	_ =	swait.ge [sflag:s19], $0x4000  }
0x64: {  	[sflag:s19] =	ssyncset.done $0x0  }
0x65: {  	[sflag:s19] =	ssyncadd.s32 $0xFFFFC000  }
0x66: {  	[tilespmem:s18], [sflag:$0x2] =	stream.linear.gather [spmem:s7], $0x4000, $0x38;
	[tilespmem:$0x18100] =	vst v63  }
0x67: {  	_ =	swait.ge [sflag:s19], $0x4000  }
0x68: {  	[sflag:s19] =	ssyncset.done $0x0  }
0x69: {  	[sflag:s19] =	ssyncadd.s32 $0xFFFFC000  }
0x6a: {  	[hbm4b:s13+s3] =	stream.linear.scatter [tilespmem:s18], [sflag:$0x2], $0x4000, $0x38;
	[tilespmem:$0x18100] =	vst v63  }
0x6b: {  	_ =	swait.ge [sflag:s19], $0x4000  }
0x6c: {  	[sflag:s19] =	ssyncset.done $0x0  }
0x6d: {  	[sflag:s19] =	ssyncadd.s32 $0xFFFFC000  }
0x6e: {  	[tilespmem:s18], [sflag:$0x2] =	stream.linear.gather [spmem:s8], $0x4000, $0x38;
	[tilespmem:$0x18100] =	vst v63  }
0x6f: {  	_ =	swait.ge [sflag:s19], $0x4000  }
0x70: {  	[sflag:s19] =	ssyncset.done $0x0  }
0x71: {  	[sflag:s19] =	ssyncadd.s32 $0xFFFFC000  }
0x72: {  	[hbm4b:s14+s3] =	stream.linear.scatter [tilespmem:s18], [sflag:$0x2], $0x4000, $0x38;
	[tilespmem:$0x18100] =	vst v63  }
0x73: {  	_ =	swait.ge [sflag:s19], $0x4000  }
0x74: {  	[sflag:s19] =	ssyncset.done $0x0  }
0x75: {  	[sflag:s19] =	ssyncadd.s32 $0xFFFFC000  }
0x76: {  	[tilespmem:s18], [sflag:$0x2] =	stream.linear.gather [spmem:s9], $0x4000, $0x38;
	[tilespmem:$0x18100] =	vst v63  }
0x77: {  	s22 =	sadd.s32 $0x1, s22;
	_ =	swait.ge [sflag:s19], $0x4000  }
0x78: {  	p0 =	sne.s32 s22, s16;
	[sflag:s19] =	ssyncset.done $0x0  }
.Ltmp3:
0x79: {  	[sflag:s19] =	ssyncadd.s32 $0xFFFFC000;
	(pc) =	sbr.rel @p0 .LBB2_1-.Ltmp3, $4  }
0x7a: {  	[hbm4b:s15+s3] =	stream.linear.scatter [tilespmem:s18], [sflag:$0x2], $0x4000, $0x38;
	[tilespmem:$0x18100] =	vst v63  }
0x7b: {  	_ =	swait.ge [sflag:s19], $0x4000  }
0x7c: {  	[sflag:s19] =	ssyncset.done $0x0  }
0x7d: {  	[sflag:s19] =	ssyncadd.s32 $0xFFFFC000  }
0x7e: {  	_ =	sfence.sel $0x180000  }
0x7f: {  	[bflag:$0x0] =	sbarrier.arrive $0xFFFF  }
0x80: {  	p0 =	sne.s32 s1, $0x0;
	_ =	strace $0x9000004D  }
0x81: {  	s0 =	sadd.s32 @!p0 $0x100000, s0;
	[bflag:$0x2] =	sbarrier.arrive $0xFFFF  }
0x82: {  	[sflag:s0] =	ssyncadd.tile.s32 @!p0 $0x1;
	_ =	shalt  }
.Lfunc_end2:
_tile_overlayer_lowered:
.L_overlay_start_2:
0x83: {  	(tag) =	ssettag $0x2  }
0x84: {  	s0 =	rddreg [dreg:$0x0];
	s2 =	stileid.u32  }
0x85: {  	s1 =	rddreg [dreg:$0x1];
	p0 =	sne.s32 s2, $0x0  }
0x86: {  	s3 =	rddreg [dreg:$0x2];
	[bflag:$0x3] =	sbarrier.arrive $0xFFFF;
	s2 =	simm.s32 @!p0 $0x1C02  }
0x87: {  	[timem:s3], [sflag:s2] =	dma.local @!p0 [hbm:s0], s1  }
0x88: {  	s0 =	simm.s32 @!p0 $0x2  }
0x89: {  	_ =	swait.ge @!p0 [sflag:s0], s1  }
0x8a: {  	s1 =	ssub.s32 @!p0 $0x0, s1;
	[sflag:s0] =	ssyncset.done @!p0 $0x0  }
0x8b: {  	[sflag:s0] =	ssyncadd.s32 @!p0 s1  }
0x8c: {  	[bflag:$0x3] =	sbarrier.arrive $0xFFFF  }
0x8d: {  	_ =	shalt  }

// kernel: kernel.20.cloned.1.call-start
scs
__scs_entry_jumppad:
0x0: {  	(pc) =	sbr.rel $0x88, $3  }
0x1: {  	(tag) =	ssettag $0x0;
	lr =	simm.s32 $0x1  }
0x2: {  	[smem:$0x3F92] =	sst lr;
	_ =	strace $0xD0000000  }
0x3: {  	_ = 	snop  }
0x4: {  	_ = 	snop  }
0x5: {  	_ = 	snop  }
0x6: {  	_ = 	snop  }
0x7: {  	_ = 	snop  }
__scs_overlays_trampoline_lowered:
0x8: {  	[smem:$0x3FA1] =	sst s0  }
0x9: {  	[smem:$0x3FA2] =	sst s1  }
0xa: {  	[smem:$0x3FA3] =	sst s2  }
0xb: {  	[smem:$0x3FA4] =	sst s3  }
0xc: {  	[smem:$0x3FA5] =	sst s4  }
0xd: {  	[smem:$0x3FA6] =	sst s5  }
0xe: {  	[smem:$0x3FA7] =	sst s6  }
0xf: {  	[smem:$0x3FA8] =	sst s7  }
0x10: {  	[smem:$0x3FA9] =	sst s8  }
0x11: {  	[smem:$0x3FAA] =	sst s9;
	s0 =	simm.s32 @!p0 $0x0  }
0x12: {  	s1 =	sld [smem:$0x3F90];
	s0 =	simm.s32 @p0 $0x1  }
0x13: {  	[smem:$0x3FAB] =	sst s0;
	s0 =	simm.s32 @!p1 $0x0  }
0x14: {  	s2 =	sld [smem:$0x3F8F];
	s0 =	simm.s32 @p1 $0x1  }
0x15: {  	[smem:$0x3FAC] =	sst s0;
	s0 =	simm.s32 @!p2 $0x0  }
0x16: {  	s3 =	sld [smem:$0x3FDB];
	s0 =	simm.s32 @p2 $0x1  }
0x17: {  	s4 =	simm.s32 $0x1BF5;
	[smem:$0x3FAE] =	sst s0  }
0x18: {  	s0 =	sld [smem:$0x3F91];
	_ =	swait.ge [sflag:s4], $0x0  }
0x19: {  	s7 =	sld [smem:$0x3F92]  }
0x1a: {  	s8 =	sadd.s32 $0xFFFFE003, lr  }
0x1b: {  	s9 =	sadd.s32 $0xFFFFFEF7, lr;
	s5 =	simm.s32 $0xFFFFFFFF;
	p2 =	slt.u32 s8, $0xFFFFF086  }
0x1c: {  	p1 =	slt.u32 s9, $0xF7A;
	s5 =	simm.s32 @!p2 $0x0  }
0x1d: {  	s5 =	simm.s32 @p1 $0x1;
	p0 =	seq.s32 s7, s2  }
0x1e: {  	s7 =	smul.u32 @!p0 $0xF7A, s2;
	p2 =	seq.s32 @!p0 s5, $0x0  }
0x1f: {  	s9 =	smul.u32 $0xF7A, s1;
	s8 =	simm.s32 @!p0 $0x1BF5;
	p2 =	por !p2, p0  }
0x20: {  	[sflag:s8] =	ssyncset.s32 @!p0 $0xFFFFF086;
	s6 =	sadd.s32 @!p0 s3, s7;
	s7 =	simm.s32 @!p0 $0x108  }
0x21: {  	s3 =	sadd.s32 s3, s9;
	s6 =	sadd.s32 @!p0 $0x88, s6;
	s7 =	simm.s32 @p2 $0x1082  }
0x22: {  	[simem:s7], [sflag:s8] =	dma.local @!p0 [hbm:s6], $0xF7A  }
0x23: {  	s9 =	sor.u32 $0xD0000000, s2;
	s6 =	simm.s32 $0x108;
	_ =	swait.ge @!p0 [sflag:s8], $0x0  }
0x24: {  	s3 =	sadd.s32 $0x88, s3;
	s6 =	simm.s32 @!p1 $0x1082;
	[sflag:s4] =	ssyncset.s32 $0xFFFFF086  }
0x25: {  	[simem:s6], [sflag:s4] =	dma.local [hbm:s3], $0xF7A  }
0x26: {  	[smem:$0x3F92] =	sst s1;
	(tag) =	ssettag s2;
	_ =	strace s9  }
0x27: {  	s1 =	sld [smem:$0x3FA2]  }
0x28: {  	s2 =	sld [smem:$0x3FA3]  }
0x29: {  	s4 =	sld [smem:$0x3FA5]  }
0x2a: {  	p0 =	seq.s32 s5, $0x0;
	s5 =	sld [smem:$0x3FA6]  }
0x2b: {  	s6 =	sld [smem:$0x3FA7]  }
0x2c: {  	s7 =	sld [smem:$0x3FA8]  }
0x2d: {  	s3 =	simm.s32 $0x108;
	s8 =	sld [smem:$0x3FA9]  }
0x2e: {  	s3 =	simm.s32 @!p0 $0x1082;
	s9 =	sld [smem:$0x3FAA]  }
0x2f: {  	lr =	sadd.s32 s0, s3;
	s0 =	sld [smem:$0x3FA1]  }
0x30: {  	s3 =	sld [smem:$0x3FA4]  }
0x31: {  	[smem:$0x3FAD] =	sst s10  }
0x32: {  	s10 =	sld [smem:$0x3FAB];
	_ =	sdelay $0x3  }
0x33: {  	p0 =	seq.s32 s10, $0x1;
	s10 =	sld [smem:$0x3FAD];
	_ =	sdelay $0x3  }
0x34: {  	[smem:$0x3FAD] =	sst s10  }
0x35: {  	s10 =	sld [smem:$0x3FAC];
	_ =	sdelay $0x3  }
0x36: {  	p1 =	seq.s32 s10, $0x1;
	s10 =	sld [smem:$0x3FAD];
	_ =	sdelay $0x3  }
0x37: {  	[smem:$0x3FAD] =	sst s10  }
0x38: {  	s10 =	sld [smem:$0x3FAE]  }
0x39: {  	_ = 	snop;
	(pc) =	sbr.ind lr, $3  }
0x3a: {  	_ = 	snop  }
0x3b: {  	_ = 	snop  }
0x3c: {  	p2 =	seq.s32 s10, $0x1;
	s10 =	sld [smem:$0x3FAD]  }
0x3d: {  	_ =	shalt  }
0x3e: {  	_ =	shalt  }
0x3f: {  	_ =	shalt  }
0x40: {  	_ =	shalt  }
0x41: {  	_ =	shalt  }
0x42: {  	_ =	shalt  }
0x43: {  	_ =	shalt  }
0x44: {  	_ =	shalt  }
0x45: {  	_ =	shalt  }
0x46: {  	_ =	shalt  }
0x47: {  	_ =	shalt  }
0x48: {  	_ =	shalt  }
0x49: {  	_ =	shalt  }
0x4a: {  	_ =	shalt  }
0x4b: {  	_ =	shalt  }
0x4c: {  	_ =	shalt  }
0x4d: {  	_ =	shalt  }
0x4e: {  	_ =	shalt  }
0x4f: {  	_ =	shalt  }
0x50: {  	_ =	shalt  }
0x51: {  	_ =	shalt  }
0x52: {  	_ =	shalt  }
0x53: {  	_ =	shalt  }
0x54: {  	_ =	shalt  }
0x55: {  	_ =	shalt  }
0x56: {  	_ =	shalt  }
0x57: {  	_ =	shalt  }
0x58: {  	_ =	shalt  }
0x59: {  	_ =	shalt  }
0x5a: {  	_ =	shalt  }
0x5b: {  	_ =	shalt  }
0x5c: {  	_ =	shalt  }
0x5d: {  	_ =	shalt  }
0x5e: {  	_ =	shalt  }
0x5f: {  	_ =	shalt  }
0x60: {  	_ =	shalt  }
0x61: {  	_ =	shalt  }
0x62: {  	_ =	shalt  }
0x63: {  	_ =	shalt  }
0x64: {  	_ =	shalt  }
0x65: {  	_ =	shalt  }
0x66: {  	_ =	shalt  }
0x67: {  	_ =	shalt  }
0x68: {  	_ =	shalt  }
0x69: {  	_ =	shalt  }
0x6a: {  	_ =	shalt  }
0x6b: {  	_ =	shalt  }
0x6c: {  	_ =	shalt  }
0x6d: {  	_ =	shalt  }
0x6e: {  	_ =	shalt  }
0x6f: {  	_ =	shalt  }
0x70: {  	_ =	shalt  }
0x71: {  	_ =	shalt  }
0x72: {  	_ =	shalt  }
0x73: {  	_ =	shalt  }
0x74: {  	_ =	shalt  }
0x75: {  	_ =	shalt  }
0x76: {  	_ =	shalt  }
0x77: {  	_ =	shalt  }
0x78: {  	_ =	shalt  }
0x79: {  	_ =	shalt  }
0x7a: {  	_ =	shalt  }
0x7b: {  	_ =	shalt  }
0x7c: {  	_ =	shalt  }
0x7d: {  	_ =	shalt  }
0x7e: {  	_ =	shalt  }
0x7f: {  	_ =	shalt  }
0x80: {  	_ =	shalt  }
0x81: {  	_ =	shalt  }
0x82: {  	_ =	shalt  }
0x83: {  	_ =	shalt  }
0x84: {  	_ =	shalt  }
0x85: {  	_ =	shalt  }
0x86: {  	_ =	shalt  }
0x87: {  	_ =	shalt  }
.Lfunc_end0:
.L_simem_size_0:
called_computation.3_lowered:
.L_overlay_start_0:
0x88: {  	s2 =	sld [smem:$0x3FD9]  }
0x89: {  	s3 =	sld [smem:$0x3FFE];
	_ =	sdelay $0x1  }
0x8a: {  	s1 =	srdreg.scid  }
0x8b: {  	s0 =	sand.u32 $0x1, s1  }
0x8c: {  	s14 =	sshll.u32 s0, $0xA;
	s2 =	sadd.s32 s3, s2  }
0x8d: {  	s2 =	sadd.s32 s2, s14  }
0x8e: {  	[smem:$0x3FB9] =	sst s2  }
0x8f: {  	_ = 	snop  }
0x90: {  	s2 =	sld [smem:$0x3FD0];
	_ =	sdelay $0x2  }
0x91: {  	s15 =	simm.s32 $0xA;
	s4 =	simm.s32 $0x10  }
0x92: {  	[smem:s4], [sflag:s15] =	dma.local [hbm:s2], $0x1  }
0x93: {  	_ =	swait.eq [sflag:s15], $0x1  }
0x94: {  	[sflag:s15] =	ssyncset.done $0x0  }
0x95: {  	[sflag:s15] =	ssyncadd.s32 $0xFFFFFFFF  }
0x96: {  	s16 =	sld [smem:$0x11];
	(tm) =	ssettm $0x1  }
0x97: {  	s17 =	sld [smem:$0x3FFB];
	_ =	sdelay $0x3  }
0x98: {  	_ =	strace s17  }
0x99: {  	s3 =	sld [smem:$0x3FFC];
	_ =	sdelay $0x3  }
0x9a: {  	_ =	strace s3  }
0x9b: {  	s3 =	sld [smem:$0x3FFD];
	_ =	sdelay $0x3  }
0x9c: {  	_ =	strace s3  }
0x9d: {  	_ =	strace $0x8FFFFFFF  }
0x9e: {  	s18 =	sld [smem:$0x3FDB];
	_ =	sdelay $0x1  }
0x9f: {  	s19 =	simm.s32 $_scs_section_size  }
0xa0: {  	s5 =	simm.s32 $_size__tile_overlayer_lowered;
	s6 =	simm.s32 $_tile_overlayer_lowered  }
0xa1: {  	s22 =	simm.s32 $0x1BFF;
	s21 =	sshll.u32 s6, $0x1;
	s3 =	sadd.s32 s19, s18  }
0xa2: {  	s7 =	simm.s32 $0x0;
	s20 =	sshll.u32 s5, $0x1;
	s5 =	sadd.s32 s21, s3  }
0xa3: {  	[timem:s7], [sflag:s22] =	dma.local [hbm:s5], s20  }
0xa4: {  	_ =	swait.ge [sflag:s22], s20  }
0xa5: {  	s4 =	ssub.s32 $0x0, s20;
	[sflag:s22] =	ssyncset.done $0x0  }
0xa6: {  	[sflag:s22] =	ssyncadd.s32 s4;
	_ =	sdelay $0x1  }
0xa7: {  	s23 =	simm.s32 $0x1B8B  }
0xa8: {  	_ =	swait.ge [sflag:s23], $0x1  }
0xa9: {  	[sflag:s23] =	ssyncset.done $0x0  }
0xaa: {  	s25 =	simm.s32 $0x1B8E;
	s24 =	sld [smem:$0x3FFE];
	[sflag:s23] =	ssyncadd.s32 $0xFFFFFFFF  }
0xab: {  	s26 =	simm.s32 $execute0_lowered;
	[smem:$0x3FD2] =	sst s25  }
0xac: {  	s5 =	sshll.u32 s26, $0x1;
	_ =	strace $0x8000004F;
	[dreg:$0x1] =	wrdreg $0xFFFFFFFF  }
0xad: {  	s28 =	simm.s32 $_size_execute0_lowered;
	s3 =	sadd.s32 s3, s5;
	[dreg:$0x0] =	wrdreg $0x0  }
0xae: {  	s5 =	sshll.u32 s28, $0x1;
	[dreg:$0x2] =	wrdreg s3  }
0xaf: {  	[dreg:$0x3] =	wrdreg s5  }
0xb0: {  	[dreg:$0x4] =	wrdreg $0xC0  }
0xb1: {  	_ =	task [dreg:s7], $0x5FFFF  }
0xb2: {  	[dreg:$0x1] =	wrdreg $0xFFFFFFFF  }
0xb3: {  	[dreg:$0x0] =	wrdreg $0x60  }
0xb4: {  	[dreg:$0x2] =	wrdreg s24  }
0xb5: {  	[dreg:$0x3] =	wrdreg s16  }
0xb6: {  	[dreg:$0x4] =	wrdreg $0x9  }
0xb7: {  	_ =	task.clear_ibuf [dreg:s7], $0x5FFFF;
	_ =	strace $0x9000004F  }
0xb8: {  	s29 =	simm.s32 $0x9;
	_ =	strace $0x80000051  }
0xb9: {  	_ =	swait.ge [sflag:s29], $0x1  }
0xba: {  	[sflag:s29] =	ssyncadd.s32 $0xFFFFFFFF  }
0xbb: {  	_ =	strace $0x90000051  }
0xbc: {  	_ =	sfence  }
0xbd: {  	s30 =	sld [smem:$0x0];
	_ =	sdelay $0x2  }
0xbe: {  	s31 =	sshll.u32 s1, $0xD;
	s1 =	sshrl.u32 s1, $0x2  }
0xbf: {  	s3 =	sand.u32 $0x4000, s31;
	s1 =	sadd.s32 s1, s30  }
0xc0: {  	s0 =	sor.u32 s3, s0;
	s1 =	sshll.u32 s1, $0x11  }
0xc1: {  	s0 =	sor.u32 s1, s0  }
0xc2: {  	s0 =	sadd.s32 $0x8F2B, s0  }
0xc3: {  	[sflag:s0] =	ssyncadd.remote.s32 $0x1  }
0xc4: {  	_ =	sfence.sel $0xFFFF  }
0xc5: {  	[dreg:$0x0] =	wrdreg $0xFFFFFFFF;
	(pc) =	sbr.abs _section_cstart, $3  }
0xc6: {  	[dreg:$0x1] =	wrdreg $0xFFFFFFFF  }
0xc7: {  	_ =	task.clear_ibuf [dreg:s7], $0x2FFFF;
	_ =	strace $0x9FFFFFFF  }
0xc8: {  	(tm) =	ssettm $0x7FFFFFFF  }
0xc9: {  	_ =	shalt  }
tec
execute0_lowered:
.L_overlay_start_1:
0x0: {  	(tag) =	ssettag $0x1  }
0x1: {  	s6 =	rddreg [dreg:$0x0]  }
0x2: {  	s1 =	rddreg [dreg:$0x1]  }
0x3: {  	s0 =	rddreg [dreg:$0x2]  }
0x4: {  	s2 =	simm.s32 $0x0;
	s3 =	srdreg.scid;
	s12 =	simm.s32 $0x100  }
0x5: {  	s13 =	simm.s32 $0x4100;
	s14 =	simm.s32 $0x1;
	s15 =	simm.s32 $0x2  }
0x6: {  	s16 =	simm.s32 $0x0;
	[smem:$0x7FF] =	sst s2;
	s4 =	sadd.s32 $0x4000, s6  }
0x7: {  	s7 =	sand.u32 $0x1, s3;
	s5 =	sadd.s32 $0x17C00, s6;
	s3 =	stileid.u32  }
0x8: {  	s6 =	sadd.s32 $0x3FC00, s6;
	_ =	strace $0x80000050;
	s8 =	ssub.s32 $0x2, s7  }
0x9: {  	s10 =	smul.u32 $0x38, s3;
	p0 =	seq.s32 s7, $0x0;
	s7 =	simm.s32 $0x66  }
0xa: {  	s11 =	smul.u32 $0x66, s3;
	s9 =	sshrl.u32 s8, $0x1;
	s7 =	simm.s32 @!p0 $0x38  }
0xb: {  	s9 =	ssub.s32 s8, s9;
	s8 =	sadd.s32 $0x660, s10;
	s10 =	simm.s32 $0x3  }
0xc: {  	s8 =	smov.u32 @p0 s11;
	s9 =	smax.u32 s9, $0x1;
	s11 =	simm.s32 $0x80  }
.LBB2_1:
0xd: {  	s17 =	simm.s32 $0x0  }
.LBB2_2:
0xe: {  	s18 =	sadd.s32 s8, s17  }
0xf: {  	s19 =	sshll.u32 s18, $0x5  }
0x10: {  	s20 =	simm.s32 $0x0;
	s19 =	sadd.s32 s4, s19  }
0x11: {  	[tilespmem:s20], [sflag:$0x3] =	stream.linear.gather [hbm4b:s19+s20], $0x100, $0x38;
	[tilespmem:$0x8100] =	vst v63  }
0x12: {  	_ =	swait.ge [sflag:s10], $0x100  }
0x13: {  	[sflag:s10] =	ssyncset.done $0x0  }
0x14: {  	[sflag:s10] =	ssyncadd.s32 $0xFFFFFF00  }
0x15: {  	[tilespmem:s12], [sflag:$0x1] =	stream.indirect.gather [hbm4b:s1+s11], $0x80, s20, s11, $0xb8;
	[tilespmem:$0x8100] =	vst v63  }
0x16: {  	_ = 	snop  }
0x17: {  	[tilespmem:s13], [sflag:$0x2] =	stream.indirect.gather [hbm4b:s5+s11], $0x80, s11, s11, $0xb8;
	[tilespmem:$0x8100] =	vst v63  }
0x18: {  	_ =	swait.ge [sflag:s14], $0x4000  }
0x19: {  	[sflag:s14] =	ssyncset.done $0x0  }
0x1a: {  	[sflag:s14] =	ssyncadd.s32 $0xFFFFC000  }
0x1b: {  	_ =	swait.ge [sflag:s15], $0x4000  }
0x1c: {  	[sflag:s15] =	ssyncset.done $0x0  }
0x1d: {  	s19 =	simm.s32 $0x0;
	[sflag:s15] =	ssyncadd.s32 $0xFFFFC000  }
0x1e: {  	v7 =	vld [tilespmem:s19+$0x4100]  }
0x1f: {  	v11 =	vld [tilespmem:s19+$0x4110]  }
0x20: {  	v5 =	vld [tilespmem:s19+$0x4120]  }
0x21: {  	v4 =	vld [tilespmem:s19+$0x4130]  }
0x22: {  	v3 =	vld [tilespmem:s19+$0x4140]  }
0x23: {  	v2 =	vld [tilespmem:s19+$0x4150]  }
0x24: {  	v1 =	vld [tilespmem:s19+$0x4160]  }
0x25: {  	v0 =	vld [tilespmem:s19+$0x4170]  }
0x26: {  	v12 =	vld [tilespmem:s19+$0x100]  }
0x27: {  	v13 =	vld [tilespmem:s19+$0x110]  }
0x28: {  	v10 =	vld [tilespmem:s19+$0x120]  }
0x29: {  	v9 =	vld [tilespmem:s19+$0x130]  }
0x2a: {  	v8 =	vld [tilespmem:s19+$0x140]  }
0x2b: {  	v6 =	vld [tilespmem:s19+$0x150];
	v12 =	vadd.f32 v7, v12  }
0x2c: {  	s20 =	simm.s32 $0x200;
	v11 =	vadd.f32 v11, v13;
	v7 =	vld [tilespmem:s19+$0x160]  }
.LBB2_3:
0x2d: {  	s21 =	sshra.s32 s20, $0x2;
	p0 =	sne.s32 s20, $0xFE00;
	[tilespmem:s19+$0x100] =	vst v12;
	v5 =	vadd.f32 v5, v10;
	v10 =	vld [tilespmem:s19+$0x170]  }
0x2e: {  	v12 =	vld [tilespmem:s21+$0x4100];
	[tilespmem:s19+$0x110] =	vst v11;
	v4 =	vadd.f32 v4, v9  }
0x2f: {  	v11 =	vld [tilespmem:s21+$0x4110];
	[tilespmem:s19+$0x120] =	vst v5;
	v3 =	vadd.f32 v3, v8  }
0x30: {  	v5 =	vld [tilespmem:s21+$0x4120];
	[tilespmem:s19+$0x130] =	vst v4;
	v2 =	vadd.f32 v2, v6  }
0x31: {  	v4 =	vld [tilespmem:s21+$0x4130];
	[tilespmem:s19+$0x140] =	vst v3;
	v1 =	vadd.f32 v1, v7  }
0x32: {  	v3 =	vld [tilespmem:s21+$0x4140];
	[tilespmem:s19+$0x150] =	vst v2;
	v0 =	vadd.f32 v0, v10  }
0x33: {  	v2 =	vld [tilespmem:s21+$0x4150];
	[tilespmem:s19+$0x160] =	vst v1  }
0x34: {  	v1 =	vld [tilespmem:s21+$0x4160];
	[tilespmem:s19+$0x170] =	vst v0;
	s19 =	smov.u32 s21  }
0x35: {  	v0 =	vld [tilespmem:s19+$0x4170]  }
0x36: {  	v6 =	vld [tilespmem:s19+$0x100]  }
0x37: {  	v7 =	vld [tilespmem:s19+$0x110]  }
.Ltmp0:
0x38: {  	v10 =	vld [tilespmem:s19+$0x120];
	(pc) =	sbr.rel @p0 .LBB2_3-.Ltmp0, $4  }
0x39: {  	v9 =	vld [tilespmem:s19+$0x130]  }
0x3a: {  	v8 =	vld [tilespmem:s19+$0x140]  }
0x3b: {  	v12 =	vadd.f32 v12, v6;
	v6 =	vld [tilespmem:s19+$0x150]  }
0x3c: {  	s20 =	sadd.s32 $0x200, s20;
	v11 =	vadd.f32 v11, v7;
	v7 =	vld [tilespmem:s19+$0x160]  }
0x3d: {  	[tilespmem:s19+$0x100] =	vst v12;
	v5 =	vadd.f32 v5, v10;
	v63 =	vld [tilespmem:s19+$0x170]  }
0x3e: {  	[tilespmem:s19+$0x110] =	vst v11;
	v4 =	vadd.f32 v4, v9  }
0x3f: {  	[tilespmem:s19+$0x120] =	vst v5;
	v3 =	vadd.f32 v3, v8  }
0x40: {  	[tilespmem:s19+$0x130] =	vst v4;
	v2 =	vadd.f32 v2, v6  }
0x41: {  	[tilespmem:s19+$0x140] =	vst v3;
	v1 =	vadd.f32 v1, v7  }
0x42: {  	s17 =	sadd.s32 $0x1, s17;
	[tilespmem:s19+$0x150] =	vst v2;
	v0 =	vadd.f32 v0, v63  }
0x43: {  	s18 =	sshll.u32 s18, $0xB;
	p0 =	sne.s32 s17, s7;
	[tilespmem:s19+$0x160] =	vst v1  }
.Ltmp1:
0x44: {  	s18 =	sadd.s32 s6, s18;
	[tilespmem:s19+$0x170] =	vst v0;
	(pc) =	sbr.rel @p0 .LBB2_2-.Ltmp1, $4  }
0x45: {  	[hbm4b:s18+s2] =	stream.linear.scatter [tilespmem:s12], [sflag:$0x3], $0x4000, $0x38;
	[tilespmem:$0x8100] =	vst v63  }
0x46: {  	_ =	swait.ge [sflag:s10], $0x4000  }
0x47: {  	[sflag:s10] =	ssyncset.done $0x0  }
0x48: {  	[sflag:s10] =	ssyncadd.s32 $0xFFFFC000  }
0x49: {  	s16 =	sadd.s32 $0x1, s16  }
0x4a: {  	p0 =	sne.s32 s16, s9  }
.Ltmp2:
0x4b: {  	_ = 	snop;
	(pc) =	sbr.rel @p0 .LBB2_1-.Ltmp2, $1  }
0x4c: {  	_ =	sdelay $0x3  }
0x4d: {  	_ =	sfence.sel $0x180000  }
0x4e: {  	[bflag:$0x0] =	sbarrier.arrive $0xFFFF  }
0x4f: {  	p0 =	sne.s32 s3, $0x0;
	_ =	strace $0x90000050  }
0x50: {  	s0 =	sadd.s32 @!p0 $0x100000, s0;
	[bflag:$0x2] =	sbarrier.arrive $0xFFFF  }
0x51: {  	[sflag:s0] =	ssyncadd.tile.s32 @!p0 $0x1;
	_ =	shalt  }
.Lfunc_end2:
_tile_overlayer_lowered:
.L_overlay_start_2:
0x52: {  	(tag) =	ssettag $0x2  }
0x53: {  	s0 =	rddreg [dreg:$0x0];
	s2 =	stileid.u32  }
0x54: {  	s1 =	rddreg [dreg:$0x1];
	p0 =	sne.s32 s2, $0x0  }
0x55: {  	s3 =	rddreg [dreg:$0x2];
	[bflag:$0x3] =	sbarrier.arrive $0xFFFF;
	s2 =	simm.s32 @!p0 $0x1C03  }
0x56: {  	[timem:s3], [sflag:s2] =	dma.local @!p0 [hbm:s0], s1  }
0x57: {  	s0 =	simm.s32 @!p0 $0x3  }
0x58: {  	_ =	swait.ge @!p0 [sflag:s0], s1  }
0x59: {  	s1 =	ssub.s32 @!p0 $0x0, s1;
	[sflag:s0] =	ssyncset.done @!p0 $0x0  }
0x5a: {  	[sflag:s0] =	ssyncadd.s32 @!p0 s1  }
0x5b: {  	[bflag:$0x3] =	sbarrier.arrive $0xFFFF  }
0x5c: {  	_ =	shalt  }

</sc_bundles>
